<compile_context>
chip_gen: v7x
topology: tpu7x:2x2x1
jax: 0.10.2.dev20260603
libtpu: 0.0.44.dev20260713+nightly
codegen_flags: <defaults>
</compile_context>

<pallas_src>
import functools

import jax
import jax.numpy as jnp
from jax import lax
from jax.experimental import pallas as pl
from jax.experimental.pallas import tpu as pltpu
from jax.experimental.pallas import tpu_sc as plsc

N = 10000
E = 160000
IN_DIM = 256
HID = 512
OUT = 128

NC = 2
NS = 16
NW = NC * NS
NPAD = 10240
ROWS_PER_TILE = NPAD // NS
EB = 125
EPT = 5000
NEB = EPT // EB

BM = 1000


def _sc_aggregate(nc, with_deg):
  out_type = [jax.ShapeDtypeStruct((NC * NPAD, 128), jnp.float32)
              for _ in range(nc + (1 if with_deg else 0))]

  scratch = dict(
      src_v=pltpu.VMEM((NEB, EB), jnp.int32),
      dst_v=pltpu.VMEM((NEB, EB), jnp.int32),
      rows_v=pltpu.VMEM((EB, 128), jnp.float32),
      rows2_v=pltpu.VMEM((EB, 128), jnp.float32),
      acc=pltpu.VMEM_SHARED((NPAD, 128), jnp.float32),
      sem=pltpu.SemaphoreType.DMA,
      sem2=pltpu.SemaphoreType.DMA,
      sems=pltpu.SemaphoreType.DMA,
      sems2=pltpu.SemaphoreType.DMA,
  )

  mesh = plsc.VectorSubcoreMesh(core_axis_name="c", subcore_axis_name="s")

  @functools.partial(pl.kernel, out_type=out_type, mesh=mesh,
                     scratch_types=scratch)
  def k(*refs, src_v, dst_v, rows_v, rows2_v, acc, sem, sem2, sems, sems2):
    tabs = refs[:nc]
    ei4, z640, o128 = refs[nc:nc + 3]
    outs = refs[nc + 3:]
    c = lax.axis_index("c")
    s = lax.axis_index("s")
    w = c * NS + s
    stripe = s * ROWS_PER_TILE
    flat = c * NPAD + stripe

    pltpu.sync_copy(ei4.at[0, w], src_v)
    pltpu.sync_copy(ei4.at[1, w], dst_v)

    def zero_acc():
      pltpu.sync_copy(z640, acc.at[pl.ds(stripe, ROWS_PER_TILE)])
      plsc.subcore_barrier()

    def drain_and_rezero(out_ref, rezero):
      plsc.subcore_barrier()
      pltpu.sync_copy(acc.at[pl.ds(stripe, ROWS_PER_TILE)],
                      out_ref.at[pl.ds(flat, ROWS_PER_TILE)])
      if rezero:
        pltpu.sync_copy(z640, acc.at[pl.ds(stripe, ROWS_PER_TILE)])
      plsc.subcore_barrier()

    if with_deg:
      zero_acc()
      pltpu.sync_copy(o128, rows_v)

      @pl.loop(0, NEB)
      def _(j):
        pltpu.sync_copy(rows_v, acc.at[dst_v.at[j]], add=True)

      drain_and_rezero(outs[nc], True)

    for ci in range(nc):
      tab = tabs[ci]
      if ci == 0 and not with_deg:
        zero_acc()

      def gstart(j, buf, sm):
        pltpu.async_copy(tab.at[src_v.at[j]], buf, sm)

      def gwait(j, buf, sm):
        pltpu.make_async_copy(tab.at[src_v.at[j]], buf, sm).wait()

      def scat(j, buf):
        pltpu.sync_copy(buf, acc.at[dst_v.at[j]], add=True)

      gstart(0, rows_v, sem)
      gstart(1, rows2_v, sem2)

      @pl.loop(0, NEB - 2, step=2)
      def _(j):
        gwait(j, rows_v, sem)
        scat(j, rows_v)
        gstart(j + 2, rows_v, sem)
        gwait(j + 1, rows2_v, sem2)
        scat(j + 1, rows2_v)
        gstart(j + 3, rows2_v, sem2)

      gwait(NEB - 2, rows_v, sem)
      scat(NEB - 2, rows_v)
      gwait(NEB - 1, rows2_v, sem2)
      scat(NEB - 1, rows2_v)

      drain_and_rezero(outs[ci], ci + 1 < nc)

  return k


_sc_agg1 = _sc_aggregate(2, True)
_sc_agg2 = _sc_aggregate(4, False)
_sc_agg3 = _sc_aggregate(1, False)


def _row_blocks(width):
  return pl.BlockSpec((BM, width), lambda i: (i, 0))


def _full(shape):
  nd = len(shape)
  return pl.BlockSpec(shape, lambda i: (0,) * nd)


def _partial_spec():
  return pl.BlockSpec((NC, BM, 128), lambda i: (0, i, 0))


def _deg_spec():
  return _partial_spec()


def _deg_from(degp):
  d = degp[0, :, 0:1] + degp[1, :, 0:1]
  return jnp.maximum(d, 1.0)


def _weak_body(x, w0, b0, w1, b1, w2, b2, out):
  h = jax.nn.relu(jnp.dot(x[...], w0[...]) + b0[...])
  h = jax.nn.relu(jnp.dot(h, w1[...]) + b1[...])
  out[...] = jnp.dot(h, w2[...]) + b2[...]


def _xt_body(x, o0, o1):
  xb = x[...]
  o0[...] = xb[:, :128]
  o1[...] = xb[:, 128:]


def _layer0_body(x, p0, p1, degp, w, b, o0, o1, o2, o3):
  deg = _deg_from(degp[...])
  agg = jnp.concatenate([p0[0] + p0[1], p1[0] + p1[1]], axis=1)
  y = x[...] + agg / deg
  g = jax.nn.relu(jnp.dot(y, w[...]) + b[...])
  o0[...] = g[:, 0:128]
  o1[...] = g[:, 128:256]
  o2[...] = g[:, 256:384]
  o3[...] = g[:, 384:512]


def _layer1_body(g0c0, g0c1, g0c2, g0c3, q0, q1, q2, q3, degp,
                 w1, b1, w2, out):
  deg = _deg_from(degp[...])
  g0 = jnp.concatenate(
      [g0c0[...], g0c1[...], g0c2[...], g0c3[...]], axis=1)
  agg = jnp.concatenate(
      [q[0] + q[1] for q in (q0, q1, q2, q3)], axis=1)
  y = g0 + agg / deg
  g1 = jax.nn.relu(jnp.dot(y, w1[...]) + b1[...])
  out[...] = jnp.dot(g1, w2[...])


def _final_body(z, r, degp, bs2, weak, wg0, bg0, wg1, bg1, out):
  deg = _deg_from(degp[...])
  strong = z[...] + (r[0] + r[1]) / deg + bs2[...]
  wk = weak[...]
  cg = jax.nn.sigmoid(
      jnp.dot(jax.nn.relu(jnp.dot(wk, wg0[...]) + bg0[...]), wg1[...])
      + bg1[...])
  out[...] = cg * wk + (1.0 - cg) * strong


def kernel(x, edge_index, Ww0, bw0, Ww1, bw1, Ww2, bw2,
           Ws0, bs0, Ws1, bs1, Ws2, bs2, Wg0, bg0, Wg1, bg1):
  f32 = jnp.float32
  ei4 = edge_index.reshape(2, NW, NEB, EB)

  z640 = jnp.zeros((ROWS_PER_TILE, 128), f32)
  o128 = jnp.ones((EB, 128), f32)

  grid = (N // BM,)
  xt0, xt1 = pl.pallas_call(
      _xt_body,
      grid=grid,
      in_specs=[_row_blocks(IN_DIM)],
      out_specs=[_row_blocks(128), _row_blocks(128)],
      out_shape=[jax.ShapeDtypeStruct((N, 128), f32)] * 2,
  )(x)

  p0, p1, degp = _sc_agg1(xt0, xt1, ei4, z640, o128)
  p0, p1, degp = (a.reshape(NC, NPAD, 128) for a in (p0, p1, degp))

  bw0_, bw1_, bw2_ = bw0[None], bw1[None], bw2[None]
  bs0_, bs1_, bs2_ = bs0[None], bs1[None], bs2[None]
  bg0_, bg1_ = bg0[None], bg1[None]

  weak = pl.pallas_call(
      _weak_body,
      grid=grid,
      in_specs=[_row_blocks(IN_DIM), _full((IN_DIM, HID)), _full((1, HID)),
                _full((HID, HID)), _full((1, HID)),
                _full((HID, OUT)), _full((1, OUT))],
      out_specs=_row_blocks(OUT),
      out_shape=jax.ShapeDtypeStruct((N, OUT), f32),
  )(x, Ww0, bw0_, Ww1, bw1_, Ww2, bw2_)

  g0c = pl.pallas_call(
      _layer0_body,
      grid=grid,
      in_specs=[_row_blocks(IN_DIM), _partial_spec(), _partial_spec(),
                _deg_spec(), _full((IN_DIM, HID)), _full((1, HID))],
      out_specs=[_row_blocks(128)] * 4,
      out_shape=[jax.ShapeDtypeStruct((N, 128), f32)] * 4,
  )(x, p0, p1, degp, Ws0, bs0_)

  q0, q1, q2, q3 = (a.reshape(NC, NPAD, 128) for a in _sc_agg2(
      g0c[0], g0c[1], g0c[2], g0c[3], ei4, z640, o128))

  z = pl.pallas_call(
      _layer1_body,
      grid=grid,
      in_specs=[_row_blocks(128)] * 4 +
               [_partial_spec(), _partial_spec(), _partial_spec(),
                _partial_spec(), _deg_spec(),
                _full((HID, HID)), _full((1, HID)), _full((HID, OUT))],
      out_specs=_row_blocks(OUT),
      out_shape=jax.ShapeDtypeStruct((N, OUT), f32),
  )(g0c[0], g0c[1], g0c[2], g0c[3], q0, q1, q2, q3, degp, Ws1, bs1_, Ws2)

  (r,) = _sc_agg3(z, ei4, z640, o128)
  r = r.reshape(NC, NPAD, 128)

  out = pl.pallas_call(
      _final_body,
      grid=grid,
      in_specs=[_row_blocks(OUT), _partial_spec(), _deg_spec(),
                _full((1, OUT)), _row_blocks(OUT),
                _full((OUT, 64)), _full((1, 64)),
                _full((64, 1)), _full((1, 1))],
      out_specs=_row_blocks(OUT),
      out_shape=jax.ShapeDtypeStruct((N, OUT), f32),
  )(z, r, degp, bs2_, weak, Wg0, bg0_, Wg1, bg1_)

  return out

# --- scband reference (transcript-rebuilt; emitter-appended) ---
"""Pipeline reference for scband-graph-moe-v22-mowst-learned-67783173865957 (READ-ONLY COPY).

The authoritative reference and input builder live on the scoring server;
editing this copy changes nothing except your own understanding.
"""

import jax, jax.numpy as jnp
import numpy as np

N = 10000
E = 160000
IN_DIM = 256
HID = 512
OUT = 128


def setup_inputs(seed: int = 0) -> dict:
    key = jax.random.key(seed)
    ks = jax.random.split(key, 20)
    x = jax.random.normal(ks[0], (N, IN_DIM), dtype=jnp.float32)
    edge_index = jax.random.randint(ks[1], (2, E), 0, N, dtype=jnp.int32)
    def glorot(k, fan_in, fan_out):
        s = float(np.sqrt(2.0 / (fan_in + fan_out)))
        return jax.random.normal(k, (fan_in, fan_out), dtype=jnp.float32) * s
    inp = {"x": x, "edge_index": edge_index}
    # weak expert (MLP) params: n_layers=3 -> IN->HID->HID->OUT
    inp["Ww0"] = glorot(ks[2], IN_DIM, HID); inp["bw0"] = jnp.zeros((HID,), jnp.float32)
    inp["Ww1"] = glorot(ks[3], HID, HID);    inp["bw1"] = jnp.zeros((HID,), jnp.float32)
    inp["Ww2"] = glorot(ks[4], HID, OUT);    inp["bw2"] = jnp.zeros((OUT,), jnp.float32)
    # strong expert (GNN) params: 3 message-passing layers
    inp["Ws0"] = glorot(ks[5], IN_DIM, HID); inp["bs0"] = jnp.zeros((HID,), jnp.float32)
    inp["Ws1"] = glorot(ks[6], HID, HID);    inp["bs1"] = jnp.zeros((HID,), jnp.float32)
    inp["Ws2"] = glorot(ks[7], HID, OUT);    inp["bs2"] = jnp.zeros((OUT,), jnp.float32)
    # learned confidence gate: OUT -> 64 -> 1
    inp["Wg0"] = glorot(ks[8], OUT, 64);     inp["bg0"] = jnp.zeros((64,), jnp.float32)
    inp["Wg1"] = glorot(ks[9], 64, 1);       inp["bg1"] = jnp.zeros((1,), jnp.float32)
    return inp


def reference(x, edge_index, Ww0, bw0, Ww1, bw1, Ww2, bw2, Ws0, bs0, Ws1, bs1, Ws2, bs2, Wg0, bg0, Wg1, bg1):
    src = edge_index[0]
    dst = edge_index[1]
    n = x.shape[0]
    e = src.shape[0]
    # weak expert: plain MLP on node features
    h = jax.nn.relu(x @ Ww0 + bw0)
    h = jax.nn.relu(h @ Ww1 + bw1)
    weak = h @ Ww2 + bw2
    # strong expert: 3-layer mean-aggregation GNN
    deg = jax.ops.segment_sum(jnp.ones((e,), jnp.float32), dst, num_segments=n)
    deg = jnp.clip(deg, 1.0, None)
    def prop(hh):
        agg = jax.ops.segment_sum(hh[src], dst, num_segments=n)
        return agg / deg[:, None]
    g = jax.nn.relu((x + prop(x)) @ Ws0 + bs0)
    g = jax.nn.relu((g + prop(g)) @ Ws1 + bs1)
    strong = (g + prop(g)) @ Ws2 + bs2
    # learned confidence gate on weak logits
    c = jax.nn.sigmoid(jax.nn.relu(weak @ Wg0 + bg0) @ Wg1 + bg1)
    return c * weak + (1.0 - c) * strong

if __name__ == "__main__":
    import jax
    _d = setup_inputs()
    print(jax.jit(kernel)(*tuple(_d.values())))

</pallas_src>

<mosaic_0001>
#map = affine_map<(d0, d1) -> (0, 0)>
#map1 = affine_map<(d0, d1) -> (0, 0, 0, 0)>
module attributes {stable_mosaic.version = 14 : i64} {
  func.func @k(%arg0: i32, %arg1: i32, %arg2: memref<10000x128xf32, #tpu.memory_space<hbm>>, %arg3: memref<10000x128xf32, #tpu.memory_space<hbm>>, %arg4: memref<2x32x40x125xi32, #tpu.memory_space<hbm>>, %arg5: memref<640x128xf32, #tpu.memory_space<hbm>>, %arg6: memref<125x128xf32, #tpu.memory_space<hbm>>, %arg7: memref<20480x128xf32, #tpu.memory_space<hbm>>, %arg8: memref<20480x128xf32, #tpu.memory_space<hbm>>, %arg9: memref<20480x128xf32, #tpu.memory_space<hbm>>, %arg10: memref<10240x128xf32, #tpu.memory_space<vmem_shared>>, %arg11: memref<40x125xi32, #tpu.memory_space<vmem>>, %arg12: memref<125x128xf32, #tpu.memory_space<vmem>>, %arg13: memref<125x128xf32, #tpu.memory_space<vmem>>, %arg14: memref<!tpu.dma_semaphore, #tpu.memory_space<semaphore_mem>>, %arg15: memref<!tpu.dma_semaphore, #tpu.memory_space<semaphore_mem>>, %arg16: memref<!tpu.dma_semaphore, #tpu.memory_space<semaphore_mem>>, %arg17: memref<!tpu.dma_semaphore, #tpu.memory_space<semaphore_mem>>, %arg18: memref<40x125xi32, #tpu.memory_space<vmem>>) attributes {dimension_semantics = [#tpu.dimension_semantics<core_parallel>, #tpu.dimension_semantics<subcore_parallel>], iteration_bounds = array<i64: 2, 16>, scalar_prefetch = 0 : i64, scratch_operands = 9 : i64, tpu.core_type = #tpu.core_type<sc_vector_subcore>, window_params = [{transform_indices = #map}, {transform_indices = #map}, {transform_indices = #map1}, {transform_indices = #map}, {transform_indices = #map}, {transform_indices = #map}, {transform_indices = #map}, {transform_indices = #map}]} {
    %mul3A = arith.constant 16 : i32
    %mul3A_0 = arith.muli %arg0, %mul3A : i32
    %add3A = arith.addi %mul3A_0, %arg1 : i32
    %mul3A_1 = arith.constant 640 : i32
    %mul3A_2 = arith.muli %arg1, %mul3A_1 : i32
    %mul3A_3 = arith.constant 10240 : i32
    %mul3A_4 = arith.muli %arg0, %mul3A_3 : i32
    %add3A_5 = arith.addi %mul3A_4, %mul3A_2 : i32
    %run_scoped3A = arith.constant 0 : i32
    "tpu.region"() ({
      %run_scoped3A_85 = tpu.sem_alloc : memref<!tpu.dma_semaphore, #tpu.memory_space<semaphore_mem>>
      %dma_start3A_86 = arith.constant 0 : i32
      %dma_start3A_87 = arith.constant 0 : i32
      %dma_start3A_88 = tpu.memref_slice %arg4[%run_scoped3A, %add3A, %dma_start3A_86, %dma_start3A_87] : memref<2x32x40x125xi32, #tpu.memory_space<hbm>> -> memref<1x1x40x125xi32, #tpu.memory_space<hbm>>
      %dma_start3A_89 = tpu.memref_squeeze %dma_start3A_88 : memref<1x1x40x125xi32, #tpu.memory_space<hbm>> -> memref<40x125xi32, #tpu.memory_space<hbm>>
      %dma_start3A_90 = arith.constant 0 : i32
      %dma_start3A_91 = arith.constant 0 : i32
      %dma_start3A_92 = tpu.memref_slice %arg4[%run_scoped3A, %add3A, %dma_start3A_90, %dma_start3A_91] : memref<2x32x40x125xi32, #tpu.memory_space<hbm>> -> memref<1x1x40x125xi32, #tpu.memory_space<hbm>>
      %dma_start3A_93 = tpu.memref_squeeze %dma_start3A_92 : memref<1x1x40x125xi32, #tpu.memory_space<hbm>> -> memref<40x125xi32, #tpu.memory_space<hbm>>
      tpu.enqueue_dma source(%dma_start3A_93 : memref<40x125xi32, #tpu.memory_space<hbm>>) target(%arg18 : memref<40x125xi32, #tpu.memory_space<vmem>>) target_semaphore(%run_scoped3A_85 : memref<!tpu.dma_semaphore, #tpu.memory_space<semaphore_mem>>)
      %dma_wait3A_94 = arith.constant 0 : i32
      %dma_wait3A_95 = arith.constant 0 : i32
      %dma_wait3A_96 = tpu.memref_slice %arg4[%run_scoped3A, %add3A, %dma_wait3A_94, %dma_wait3A_95] : memref<2x32x40x125xi32, #tpu.memory_space<hbm>> -> memref<1x1x40x125xi32, #tpu.memory_space<hbm>>
      %dma_wait3A_97 = tpu.memref_squeeze %dma_wait3A_96 : memref<1x1x40x125xi32, #tpu.memory_space<hbm>> -> memref<40x125xi32, #tpu.memory_space<hbm>>
      %dma_wait3A_98 = arith.constant 0 : i32
      %dma_wait3A_99 = arith.constant 0 : i32
      %dma_wait3A_100 = tpu.memref_slice %arg4[%run_scoped3A, %add3A, %dma_wait3A_98, %dma_wait3A_99] : memref<2x32x40x125xi32, #tpu.memory_space<hbm>> -> memref<1x1x40x125xi32, #tpu.memory_space<hbm>>
      %dma_wait3A_101 = tpu.memref_squeeze %dma_wait3A_100 : memref<1x1x40x125xi32, #tpu.memory_space<hbm>> -> memref<40x125xi32, #tpu.memory_space<hbm>>
      tpu.wait_dma2 semaphore(%run_scoped3A_85 : memref<!tpu.dma_semaphore, #tpu.memory_space<semaphore_mem>>) src(%dma_wait3A_101 : memref<40x125xi32, #tpu.memory_space<hbm>>) dst(%arg18 : memref<40x125xi32, #tpu.memory_space<vmem>>)
      tpu.yield
    }) : () -> ()
    %run_scoped3A_6 = arith.constant 1 : i32
    "tpu.region"() ({
      %run_scoped3A_85 = tpu.sem_alloc : memref<!tpu.dma_semaphore, #tpu.memory_space<semaphore_mem>>
      %dma_start3A_86 = arith.constant 0 : i32
      %dma_start3A_87 = arith.constant 0 : i32
      %dma_start3A_88 = tpu.memref_slice %arg4[%run_scoped3A_6, %add3A, %dma_start3A_86, %dma_start3A_87] : memref<2x32x40x125xi32, #tpu.memory_space<hbm>> -> memref<1x1x40x125xi32, #tpu.memory_space<hbm>>
      %dma_start3A_89 = tpu.memref_squeeze %dma_start3A_88 : memref<1x1x40x125xi32, #tpu.memory_space<hbm>> -> memref<40x125xi32, #tpu.memory_space<hbm>>
      %dma_start3A_90 = arith.constant 0 : i32
      %dma_start3A_91 = arith.constant 0 : i32
      %dma_start3A_92 = tpu.memref_slice %arg4[%run_scoped3A_6, %add3A, %dma_start3A_90, %dma_start3A_91] : memref<2x32x40x125xi32, #tpu.memory_space<hbm>> -> memref<1x1x40x125xi32, #tpu.memory_space<hbm>>
      %dma_start3A_93 = tpu.memref_squeeze %dma_start3A_92 : memref<1x1x40x125xi32, #tpu.memory_space<hbm>> -> memref<40x125xi32, #tpu.memory_space<hbm>>
      tpu.enqueue_dma source(%dma_start3A_93 : memref<40x125xi32, #tpu.memory_space<hbm>>) target(%arg11 : memref<40x125xi32, #tpu.memory_space<vmem>>) target_semaphore(%run_scoped3A_85 : memref<!tpu.dma_semaphore, #tpu.memory_space<semaphore_mem>>)
      %dma_wait3A_94 = arith.constant 0 : i32
      %dma_wait3A_95 = arith.constant 0 : i32
      %dma_wait3A_96 = tpu.memref_slice %arg4[%run_scoped3A_6, %add3A, %dma_wait3A_94, %dma_wait3A_95] : memref<2x32x40x125xi32, #tpu.memory_space<hbm>> -> memref<1x1x40x125xi32, #tpu.memory_space<hbm>>
      %dma_wait3A_97 = tpu.memref_squeeze %dma_wait3A_96 : memref<1x1x40x125xi32, #tpu.memory_space<hbm>> -> memref<40x125xi32, #tpu.memory_space<hbm>>
      %dma_wait3A_98 = arith.constant 0 : i32
      %dma_wait3A_99 = arith.constant 0 : i32
      %dma_wait3A_100 = tpu.memref_slice %arg4[%run_scoped3A_6, %add3A, %dma_wait3A_98, %dma_wait3A_99] : memref<2x32x40x125xi32, #tpu.memory_space<hbm>> -> memref<1x1x40x125xi32, #tpu.memory_space<hbm>>
      %dma_wait3A_101 = tpu.memref_squeeze %dma_wait3A_100 : memref<1x1x40x125xi32, #tpu.memory_space<hbm>> -> memref<40x125xi32, #tpu.memory_space<hbm>>
      tpu.wait_dma2 semaphore(%run_scoped3A_85 : memref<!tpu.dma_semaphore, #tpu.memory_space<semaphore_mem>>) src(%dma_wait3A_101 : memref<40x125xi32, #tpu.memory_space<hbm>>) dst(%arg11 : memref<40x125xi32, #tpu.memory_space<vmem>>)
      tpu.yield
    }) : () -> ()
    "tpu.region"() ({
      %run_scoped3A_85 = tpu.sem_alloc : memref<!tpu.dma_semaphore, #tpu.memory_space<semaphore_mem>>
      %dma_start3A_86 = arith.constant 0 : i32
      %dma_start3A_87 = tpu.memref_slice %arg10[%mul3A_2, %dma_start3A_86] : memref<10240x128xf32, #tpu.memory_space<vmem_shared>> -> memref<640x128xf32, #tpu.memory_space<vmem_shared>>
      tpu.enqueue_dma source(%arg5 : memref<640x128xf32, #tpu.memory_space<hbm>>) target(%dma_start3A_87 : memref<640x128xf32, #tpu.memory_space<vmem_shared>>) target_semaphore(%run_scoped3A_85 : memref<!tpu.dma_semaphore, #tpu.memory_space<semaphore_mem>>)
      %dma_wait3A_88 = arith.constant 0 : i32
      %dma_wait3A_89 = tpu.memref_slice %arg10[%mul3A_2, %dma_wait3A_88] : memref<10240x128xf32, #tpu.memory_space<vmem_shared>> -> memref<640x128xf32, #tpu.memory_space<vmem_shared>>
      tpu.wait_dma2 semaphore(%run_scoped3A_85 : memref<!tpu.dma_semaphore, #tpu.memory_space<semaphore_mem>>) src(%arg5 : memref<640x128xf32, #tpu.memory_space<hbm>>) dst(%dma_wait3A_89 : memref<640x128xf32, #tpu.memory_space<vmem_shared>>)
      tpu.yield
    }) : () -> ()
    %barrier3A = arith.constant 0 : index
    tpu.barrier barrier_id(%barrier3A)
    "tpu.region"() ({
      %run_scoped3A_85 = tpu.sem_alloc : memref<!tpu.dma_semaphore, #tpu.memory_space<semaphore_mem>>
      tpu.enqueue_dma source(%arg6 : memref<125x128xf32, #tpu.memory_space<hbm>>) target(%arg13 : memref<125x128xf32, #tpu.memory_space<vmem>>) target_semaphore(%run_scoped3A_85 : memref<!tpu.dma_semaphore, #tpu.memory_space<semaphore_mem>>)
      tpu.wait_dma2 semaphore(%run_scoped3A_85 : memref<!tpu.dma_semaphore, #tpu.memory_space<semaphore_mem>>) src(%arg6 : memref<125x128xf32, #tpu.memory_space<hbm>>) dst(%arg13 : memref<125x128xf32, #tpu.memory_space<vmem>>)
      tpu.yield
    }) : () -> ()
    %scan3A = arith.constant 0 : i32
    %scan3A_7 = arith.constant 40 : i32
    %scan3A_8 = arith.addi %scan3A, %scan3A_7 : i32
    %scan3A_9 = arith.constant 1 : i32
    scf.for %scan3A_85 = %scan3A to %scan3A_8 step %scan3A_9  : i32 {
      %mul3A_86 = arith.constant 1 : i32
      %mul3A_87 = arith.muli %scan3A_85, %mul3A_86 : i32
      %add3A_88 = arith.constant 0 : i32
      %add3A_89 = arith.addi %add3A_88, %mul3A_87 : i32
      "tpu.region"() ({
        %run_scoped3A_90 = tpu.sem_alloc : memref<!tpu.dma_semaphore, #tpu.memory_space<semaphore_mem>>
        %dma_start3A_91 = arith.constant 0 : i32
        %dma_start3A_92 = tpu.memref_slice %arg11[%add3A_89, %dma_start3A_91] : memref<40x125xi32, #tpu.memory_space<vmem>> -> memref<1x125xi32, #tpu.memory_space<vmem>>
        %dma_start3A_93 = tpu.memref_squeeze %dma_start3A_92 : memref<1x125xi32, #tpu.memory_space<vmem>> -> memref<125xi32, #tpu.memory_space<vmem>>
        %dma_start3A_94 = arith.constant 0 : i32
        %dma_start3A_95 = arith.constant 0 : i32
        %dma_start3A_96 = tpu.memref_slice %arg10[%dma_start3A_94, %dma_start3A_95] : memref<10240x128xf32, #tpu.memory_space<vmem_shared>> -> memref<10240x128xf32, #tpu.memory_space<vmem_shared>>
        tpu.enqueue_indirect_dma source(%arg13 : memref<125x128xf32, #tpu.memory_space<vmem>>) target(%dma_start3A_96 : memref<10240x128xf32, #tpu.memory_space<vmem_shared>>) offsets(%dma_start3A_93 : memref<125xi32, #tpu.memory_space<vmem>>) semaphore(%run_scoped3A_90 : memref<!tpu.dma_semaphore, #tpu.memory_space<semaphore_mem>>) {add = true}
        %dma_wait3A_97 = arith.constant 0 : i32
        %dma_wait3A_98 = tpu.memref_slice %arg11[%add3A_89, %dma_wait3A_97] : memref<40x125xi32, #tpu.memory_space<vmem>> -> memref<1x125xi32, #tpu.memory_space<vmem>>
        %dma_wait3A_99 = tpu.memref_squeeze %dma_wait3A_98 : memref<1x125xi32, #tpu.memory_space<vmem>> -> memref<125xi32, #tpu.memory_space<vmem>>
        %dma_wait3A_100 = arith.constant 0 : i32
        %dma_wait3A_101 = arith.constant 0 : i32
        %dma_wait3A_102 = tpu.memref_slice %arg10[%dma_wait3A_100, %dma_wait3A_101] : memref<10240x128xf32, #tpu.memory_space<vmem_shared>> -> memref<10240x128xf32, #tpu.memory_space<vmem_shared>>
        tpu.wait_indirect_dma semaphore(%run_scoped3A_90 : memref<!tpu.dma_semaphore, #tpu.memory_space<semaphore_mem>>) src(%arg13 : memref<125x128xf32, #tpu.memory_space<vmem>>) dst(%dma_wait3A_102 : memref<10240x128xf32, #tpu.memory_space<vmem_shared>>)
        tpu.yield
      }) : () -> ()
    }
    %scan3A_10 = arith.constant 40 : i32
    %barrier3A_11 = arith.constant 0 : index
    tpu.barrier barrier_id(%barrier3A_11)
    "tpu.region"() ({
      %run_scoped3A_85 = tpu.sem_alloc : memref<!tpu.dma_semaphore, #tpu.memory_space<semaphore_mem>>
      %dma_start3A_86 = arith.constant 0 : i32
      %dma_start3A_87 = tpu.memref_slice %arg9[%add3A_5, %dma_start3A_86] : memref<20480x128xf32, #tpu.memory_space<hbm>> -> memref<640x128xf32, #tpu.memory_space<hbm>>
      %dma_start3A_88 = arith.constant 0 : i32
      %dma_start3A_89 = tpu.memref_slice %arg10[%mul3A_2, %dma_start3A_88] : memref<10240x128xf32, #tpu.memory_space<vmem_shared>> -> memref<640x128xf32, #tpu.memory_space<vmem_shared>>
      tpu.enqueue_dma source(%dma_start3A_89 : memref<640x128xf32, #tpu.memory_space<vmem_shared>>) target(%dma_start3A_87 : memref<640x128xf32, #tpu.memory_space<hbm>>) target_semaphore(%run_scoped3A_85 : memref<!tpu.dma_semaphore, #tpu.memory_space<semaphore_mem>>)
      %dma_wait3A_90 = arith.constant 0 : i32
      %dma_wait3A_91 = tpu.memref_slice %arg9[%add3A_5, %dma_wait3A_90] : memref<20480x128xf32, #tpu.memory_space<hbm>> -> memref<640x128xf32, #tpu.memory_space<hbm>>
      %dma_wait3A_92 = arith.constant 0 : i32
      %dma_wait3A_93 = tpu.memref_slice %arg10[%mul3A_2, %dma_wait3A_92] : memref<10240x128xf32, #tpu.memory_space<vmem_shared>> -> memref<640x128xf32, #tpu.memory_space<vmem_shared>>
      tpu.wait_dma2 semaphore(%run_scoped3A_85 : memref<!tpu.dma_semaphore, #tpu.memory_space<semaphore_mem>>) src(%dma_wait3A_93 : memref<640x128xf32, #tpu.memory_space<vmem_shared>>) dst(%dma_wait3A_91 : memref<640x128xf32, #tpu.memory_space<hbm>>)
      tpu.yield
    }) : () -> ()
    "tpu.region"() ({
      %run_scoped3A_85 = tpu.sem_alloc : memref<!tpu.dma_semaphore, #tpu.memory_space<semaphore_mem>>
      %dma_start3A_86 = arith.constant 0 : i32
      %dma_start3A_87 = tpu.memref_slice %arg10[%mul3A_2, %dma_start3A_86] : memref<10240x128xf32, #tpu.memory_space<vmem_shared>> -> memref<640x128xf32, #tpu.memory_space<vmem_shared>>
      tpu.enqueue_dma source(%arg5 : memref<640x128xf32, #tpu.memory_space<hbm>>) target(%dma_start3A_87 : memref<640x128xf32, #tpu.memory_space<vmem_shared>>) target_semaphore(%run_scoped3A_85 : memref<!tpu.dma_semaphore, #tpu.memory_space<semaphore_mem>>)
      %dma_wait3A_88 = arith.constant 0 : i32
      %dma_wait3A_89 = tpu.memref_slice %arg10[%mul3A_2, %dma_wait3A_88] : memref<10240x128xf32, #tpu.memory_space<vmem_shared>> -> memref<640x128xf32, #tpu.memory_space<vmem_shared>>
      tpu.wait_dma2 semaphore(%run_scoped3A_85 : memref<!tpu.dma_semaphore, #tpu.memory_space<semaphore_mem>>) src(%arg5 : memref<640x128xf32, #tpu.memory_space<hbm>>) dst(%dma_wait3A_89 : memref<640x128xf32, #tpu.memory_space<vmem_shared>>)
      tpu.yield
    }) : () -> ()
    %barrier3A_12 = arith.constant 0 : index
    tpu.barrier barrier_id(%barrier3A_12)
    %dma_start3A = arith.constant 0 : i32
    %dma_start3A_13 = arith.constant 0 : i32
    %dma_start3A_14 = tpu.memref_slice %arg18[%dma_start3A, %dma_start3A_13] : memref<40x125xi32, #tpu.memory_space<vmem>> -> memref<1x125xi32, #tpu.memory_space<vmem>>
    %dma_start3A_15 = tpu.memref_squeeze %dma_start3A_14 : memref<1x125xi32, #tpu.memory_space<vmem>> -> memref<125xi32, #tpu.memory_space<vmem>>
    %dma_start3A_16 = arith.constant 0 : i32
    %dma_start3A_17 = arith.constant 0 : i32
    %dma_start3A_18 = tpu.memref_slice %arg2[%dma_start3A_16, %dma_start3A_17] : memref<10000x128xf32, #tpu.memory_space<hbm>> -> memref<10000x128xf32, #tpu.memory_space<hbm>>
    tpu.enqueue_indirect_dma source(%dma_start3A_18 : memref<10000x128xf32, #tpu.memory_space<hbm>>) target(%arg13 : memref<125x128xf32, #tpu.memory_space<vmem>>) offsets(%dma_start3A_15 : memref<125xi32, #tpu.memory_space<vmem>>) semaphore(%arg14 : memref<!tpu.dma_semaphore, #tpu.memory_space<semaphore_mem>>)
    %dma_start3A_19 = arith.constant 1 : i32
    %dma_start3A_20 = arith.constant 0 : i32
    %dma_start3A_21 = tpu.memref_slice %arg18[%dma_start3A_19, %dma_start3A_20] : memref<40x125xi32, #tpu.memory_space<vmem>> -> memref<1x125xi32, #tpu.memory_space<vmem>>
    %dma_start3A_22 = tpu.memref_squeeze %dma_start3A_21 : memref<1x125xi32, #tpu.memory_space<vmem>> -> memref<125xi32, #tpu.memory_space<vmem>>
    %dma_start3A_23 = arith.constant 0 : i32
    %dma_start3A_24 = arith.constant 0 : i32
    %dma_start3A_25 = tpu.memref_slice %arg2[%dma_start3A_23, %dma_start3A_24] : memref<10000x128xf32, #tpu.memory_space<hbm>> -> memref<10000x128xf32, #tpu.memory_space<hbm>>
    tpu.enqueue_indirect_dma source(%dma_start3A_25 : memref<10000x128xf32, #tpu.memory_space<hbm>>) target(%arg12 : memref<125x128xf32, #tpu.memory_space<vmem>>) offsets(%dma_start3A_22 : memref<125xi32, #tpu.memory_space<vmem>>) semaphore(%arg15 : memref<!tpu.dma_semaphore, #tpu.memory_space<semaphore_mem>>)
    %scan3A_26 = arith.constant 0 : i32
    %scan3A_27 = arith.constant 19 : i32
    %scan3A_28 = arith.addi %scan3A_26, %scan3A_27 : i32
    %scan3A_29 = arith.constant 1 : i32
    scf.for %scan3A_85 = %scan3A_26 to %scan3A_28 step %scan3A_29  : i32 {
      %mul3A_86 = arith.constant 2 : i32
      %mul3A_87 = arith.muli %scan3A_85, %mul3A_86 : i32
      %add3A_88 = arith.constant 0 : i32
      %add3A_89 = arith.addi %add3A_88, %mul3A_87 : i32
      %dma_wait3A_90 = arith.constant 0 : i32
      %dma_wait3A_91 = tpu.memref_slice %arg18[%add3A_89, %dma_wait3A_90] : memref<40x125xi32, #tpu.memory_space<vmem>> -> memref<1x125xi32, #tpu.memory_space<vmem>>
      %dma_wait3A_92 = tpu.memref_squeeze %dma_wait3A_91 : memref<1x125xi32, #tpu.memory_space<vmem>> -> memref<125xi32, #tpu.memory_space<vmem>>
      %dma_wait3A_93 = arith.constant 0 : i32
      %dma_wait3A_94 = arith.constant 0 : i32
      %dma_wait3A_95 = tpu.memref_slice %arg2[%dma_wait3A_93, %dma_wait3A_94] : memref<10000x128xf32, #tpu.memory_space<hbm>> -> memref<10000x128xf32, #tpu.memory_space<hbm>>
      tpu.wait_indirect_dma semaphore(%arg14 : memref<!tpu.dma_semaphore, #tpu.memory_space<semaphore_mem>>) src(%dma_wait3A_95 : memref<10000x128xf32, #tpu.memory_space<hbm>>) dst(%arg13 : memref<125x128xf32, #tpu.memory_space<vmem>>)
      "tpu.region"() ({
        %run_scoped3A_122 = tpu.sem_alloc : memref<!tpu.dma_semaphore, #tpu.memory_space<semaphore_mem>>
        %dma_start3A_123 = arith.constant 0 : i32
        %dma_start3A_124 = tpu.memref_slice %arg11[%add3A_89, %dma_start3A_123] : memref<40x125xi32, #tpu.memory_space<vmem>> -> memref<1x125xi32, #tpu.memory_space<vmem>>
        %dma_start3A_125 = tpu.memref_squeeze %dma_start3A_124 : memref<1x125xi32, #tpu.memory_space<vmem>> -> memref<125xi32, #tpu.memory_space<vmem>>
        %dma_start3A_126 = arith.constant 0 : i32
        %dma_start3A_127 = arith.constant 0 : i32
        %dma_start3A_128 = tpu.memref_slice %arg10[%dma_start3A_126, %dma_start3A_127] : memref<10240x128xf32, #tpu.memory_space<vmem_shared>> -> memref<10240x128xf32, #tpu.memory_space<vmem_shared>>
        tpu.enqueue_indirect_dma source(%arg13 : memref<125x128xf32, #tpu.memory_space<vmem>>) target(%dma_start3A_128 : memref<10240x128xf32, #tpu.memory_space<vmem_shared>>) offsets(%dma_start3A_125 : memref<125xi32, #tpu.memory_space<vmem>>) semaphore(%run_scoped3A_122 : memref<!tpu.dma_semaphore, #tpu.memory_space<semaphore_mem>>) {add = true}
        %dma_wait3A_129 = arith.constant 0 : i32
        %dma_wait3A_130 = tpu.memref_slice %arg11[%add3A_89, %dma_wait3A_129] : memref<40x125xi32, #tpu.memory_space<vmem>> -> memref<1x125xi32, #tpu.memory_space<vmem>>
        %dma_wait3A_131 = tpu.memref_squeeze %dma_wait3A_130 : memref<1x125xi32, #tpu.memory_space<vmem>> -> memref<125xi32, #tpu.memory_space<vmem>>
        %dma_wait3A_132 = arith.constant 0 : i32
        %dma_wait3A_133 = arith.constant 0 : i32
        %dma_wait3A_134 = tpu.memref_slice %arg10[%dma_wait3A_132, %dma_wait3A_133] : memref<10240x128xf32, #tpu.memory_space<vmem_shared>> -> memref<10240x128xf32, #tpu.memory_space<vmem_shared>>
        tpu.wait_indirect_dma semaphore(%run_scoped3A_122 : memref<!tpu.dma_semaphore, #tpu.memory_space<semaphore_mem>>) src(%arg13 : memref<125x128xf32, #tpu.memory_space<vmem>>) dst(%dma_wait3A_134 : memref<10240x128xf32, #tpu.memory_space<vmem_shared>>)
        tpu.yield
      }) : () -> ()
      %add3A_96 = arith.constant 2 : i32
      %add3A_97 = arith.addi %add3A_89, %add3A_96 : i32
      %dma_start3A_98 = arith.constant 0 : i32
      %dma_start3A_99 = tpu.memref_slice %arg18[%add3A_97, %dma_start3A_98] : memref<40x125xi32, #tpu.memory_space<vmem>> -> memref<1x125xi32, #tpu.memory_space<vmem>>
      %dma_start3A_100 = tpu.memref_squeeze %dma_start3A_99 : memref<1x125xi32, #tpu.memory_space<vmem>> -> memref<125xi32, #tpu.memory_space<vmem>>
      %dma_start3A_101 = arith.constant 0 : i32
      %dma_start3A_102 = arith.constant 0 : i32
      %dma_start3A_103 = tpu.memref_slice %arg2[%dma_start3A_101, %dma_start3A_102] : memref<10000x128xf32, #tpu.memory_space<hbm>> -> memref<10000x128xf32, #tpu.memory_space<hbm>>
      tpu.enqueue_indirect_dma source(%dma_start3A_103 : memref<10000x128xf32, #tpu.memory_space<hbm>>) target(%arg13 : memref<125x128xf32, #tpu.memory_space<vmem>>) offsets(%dma_start3A_100 : memref<125xi32, #tpu.memory_space<vmem>>) semaphore(%arg14 : memref<!tpu.dma_semaphore, #tpu.memory_space<semaphore_mem>>)
      %add3A_104 = arith.constant 1 : i32
      %add3A_105 = arith.addi %add3A_89, %add3A_104 : i32
      %dma_wait3A_106 = arith.constant 0 : i32
      %dma_wait3A_107 = tpu.memref_slice %arg18[%add3A_105, %dma_wait3A_106] : memref<40x125xi32, #tpu.memory_space<vmem>> -> memref<1x125xi32, #tpu.memory_space<vmem>>
      %dma_wait3A_108 = tpu.memref_squeeze %dma_wait3A_107 : memref<1x125xi32, #tpu.memory_space<vmem>> -> memref<125xi32, #tpu.memory_space<vmem>>
      %dma_wait3A_109 = arith.constant 0 : i32
      %dma_wait3A_110 = arith.constant 0 : i32
      %dma_wait3A_111 = tpu.memref_slice %arg2[%dma_wait3A_109, %dma_wait3A_110] : memref<10000x128xf32, #tpu.memory_space<hbm>> -> memref<10000x128xf32, #tpu.memory_space<hbm>>
      tpu.wait_indirect_dma semaphore(%arg15 : memref<!tpu.dma_semaphore, #tpu.memory_space<semaphore_mem>>) src(%dma_wait3A_111 : memref<10000x128xf32, #tpu.memory_space<hbm>>) dst(%arg12 : memref<125x128xf32, #tpu.memory_space<vmem>>)
      %add3A_112 = arith.constant 1 : i32
      %add3A_113 = arith.addi %add3A_89, %add3A_112 : i32
      "tpu.region"() ({
        %run_scoped3A_122 = tpu.sem_alloc : memref<!tpu.dma_semaphore, #tpu.memory_space<semaphore_mem>>
        %dma_start3A_123 = arith.constant 0 : i32
        %dma_start3A_124 = tpu.memref_slice %arg11[%add3A_113, %dma_start3A_123] : memref<40x125xi32, #tpu.memory_space<vmem>> -> memref<1x125xi32, #tpu.memory_space<vmem>>
        %dma_start3A_125 = tpu.memref_squeeze %dma_start3A_124 : memref<1x125xi32, #tpu.memory_space<vmem>> -> memref<125xi32, #tpu.memory_space<vmem>>
        %dma_start3A_126 = arith.constant 0 : i32
        %dma_start3A_127 = arith.constant 0 : i32
        %dma_start3A_128 = tpu.memref_slice %arg10[%dma_start3A_126, %dma_start3A_127] : memref<10240x128xf32, #tpu.memory_space<vmem_shared>> -> memref<10240x128xf32, #tpu.memory_space<vmem_shared>>
        tpu.enqueue_indirect_dma source(%arg12 : memref<125x128xf32, #tpu.memory_space<vmem>>) target(%dma_start3A_128 : memref<10240x128xf32, #tpu.memory_space<vmem_shared>>) offsets(%dma_start3A_125 : memref<125xi32, #tpu.memory_space<vmem>>) semaphore(%run_scoped3A_122 : memref<!tpu.dma_semaphore, #tpu.memory_space<semaphore_mem>>) {add = true}
        %dma_wait3A_129 = arith.constant 0 : i32
        %dma_wait3A_130 = tpu.memref_slice %arg11[%add3A_113, %dma_wait3A_129] : memref<40x125xi32, #tpu.memory_space<vmem>> -> memref<1x125xi32, #tpu.memory_space<vmem>>
        %dma_wait3A_131 = tpu.memref_squeeze %dma_wait3A_130 : memref<1x125xi32, #tpu.memory_space<vmem>> -> memref<125xi32, #tpu.memory_space<vmem>>
        %dma_wait3A_132 = arith.constant 0 : i32
        %dma_wait3A_133 = arith.constant 0 : i32
        %dma_wait3A_134 = tpu.memref_slice %arg10[%dma_wait3A_132, %dma_wait3A_133] : memref<10240x128xf32, #tpu.memory_space<vmem_shared>> -> memref<10240x128xf32, #tpu.memory_space<vmem_shared>>
        tpu.wait_indirect_dma semaphore(%run_scoped3A_122 : memref<!tpu.dma_semaphore, #tpu.memory_space<semaphore_mem>>) src(%arg12 : memref<125x128xf32, #tpu.memory_space<vmem>>) dst(%dma_wait3A_134 : memref<10240x128xf32, #tpu.memory_space<vmem_shared>>)
        tpu.yield
      }) : () -> ()
      %add3A_114 = arith.constant 3 : i32
      %add3A_115 = arith.addi %add3A_89, %add3A_114 : i32
      %dma_start3A_116 = arith.constant 0 : i32
      %dma_start3A_117 = tpu.memref_slice %arg18[%add3A_115, %dma_start3A_116] : memref<40x125xi32, #tpu.memory_space<vmem>> -> memref<1x125xi32, #tpu.memory_space<vmem>>
      %dma_start3A_118 = tpu.memref_squeeze %dma_start3A_117 : memref<1x125xi32, #tpu.memory_space<vmem>> -> memref<125xi32, #tpu.memory_space<vmem>>
      %dma_start3A_119 = arith.constant 0 : i32
      %dma_start3A_120 = arith.constant 0 : i32
      %dma_start3A_121 = tpu.memref_slice %arg2[%dma_start3A_119, %dma_start3A_120] : memref<10000x128xf32, #tpu.memory_space<hbm>> -> memref<10000x128xf32, #tpu.memory_space<hbm>>
      tpu.enqueue_indirect_dma source(%dma_start3A_121 : memref<10000x128xf32, #tpu.memory_space<hbm>>) target(%arg12 : memref<125x128xf32, #tpu.memory_space<vmem>>) offsets(%dma_start3A_118 : memref<125xi32, #tpu.memory_space<vmem>>) semaphore(%arg15 : memref<!tpu.dma_semaphore, #tpu.memory_space<semaphore_mem>>)
    }
    %scan3A_30 = arith.constant 19 : i32
    %dma_wait3A = arith.constant 38 : i32
    %dma_wait3A_31 = arith.constant 0 : i32
    %dma_wait3A_32 = tpu.memref_slice %arg18[%dma_wait3A, %dma_wait3A_31] : memref<40x125xi32, #tpu.memory_space<vmem>> -> memref<1x125xi32, #tpu.memory_space<vmem>>
    %dma_wait3A_33 = tpu.memref_squeeze %dma_wait3A_32 : memref<1x125xi32, #tpu.memory_space<vmem>> -> memref<125xi32, #tpu.memory_space<vmem>>
    %dma_wait3A_34 = arith.constant 0 : i32
    %dma_wait3A_35 = arith.constant 0 : i32
    %dma_wait3A_36 = tpu.memref_slice %arg2[%dma_wait3A_34, %dma_wait3A_35] : memref<10000x128xf32, #tpu.memory_space<hbm>> -> memref<10000x128xf32, #tpu.memory_space<hbm>>
    tpu.wait_indirect_dma semaphore(%arg14 : memref<!tpu.dma_semaphore, #tpu.memory_space<semaphore_mem>>) src(%dma_wait3A_36 : memref<10000x128xf32, #tpu.memory_space<hbm>>) dst(%arg13 : memref<125x128xf32, #tpu.memory_space<vmem>>)
    %run_scoped3A_37 = arith.constant 38 : i32
    "tpu.region"() ({
      %run_scoped3A_85 = tpu.sem_alloc : memref<!tpu.dma_semaphore, #tpu.memory_space<semaphore_mem>>
      %dma_start3A_86 = arith.constant 0 : i32
      %dma_start3A_87 = tpu.memref_slice %arg11[%run_scoped3A_37, %dma_start3A_86] : memref<40x125xi32, #tpu.memory_space<vmem>> -> memref<1x125xi32, #tpu.memory_space<vmem>>
      %dma_start3A_88 = tpu.memref_squeeze %dma_start3A_87 : memref<1x125xi32, #tpu.memory_space<vmem>> -> memref<125xi32, #tpu.memory_space<vmem>>
      %dma_start3A_89 = arith.constant 0 : i32
      %dma_start3A_90 = arith.constant 0 : i32
      %dma_start3A_91 = tpu.memref_slice %arg10[%dma_start3A_89, %dma_start3A_90] : memref<10240x128xf32, #tpu.memory_space<vmem_shared>> -> memref<10240x128xf32, #tpu.memory_space<vmem_shared>>
      tpu.enqueue_indirect_dma source(%arg13 : memref<125x128xf32, #tpu.memory_space<vmem>>) target(%dma_start3A_91 : memref<10240x128xf32, #tpu.memory_space<vmem_shared>>) offsets(%dma_start3A_88 : memref<125xi32, #tpu.memory_space<vmem>>) semaphore(%run_scoped3A_85 : memref<!tpu.dma_semaphore, #tpu.memory_space<semaphore_mem>>) {add = true}
      %dma_wait3A_92 = arith.constant 0 : i32
      %dma_wait3A_93 = tpu.memref_slice %arg11[%run_scoped3A_37, %dma_wait3A_92] : memref<40x125xi32, #tpu.memory_space<vmem>> -> memref<1x125xi32, #tpu.memory_space<vmem>>
      %dma_wait3A_94 = tpu.memref_squeeze %dma_wait3A_93 : memref<1x125xi32, #tpu.memory_space<vmem>> -> memref<125xi32, #tpu.memory_space<vmem>>
      %dma_wait3A_95 = arith.constant 0 : i32
      %dma_wait3A_96 = arith.constant 0 : i32
      %dma_wait3A_97 = tpu.memref_slice %arg10[%dma_wait3A_95, %dma_wait3A_96] : memref<10240x128xf32, #tpu.memory_space<vmem_shared>> -> memref<10240x128xf32, #tpu.memory_space<vmem_shared>>
      tpu.wait_indirect_dma semaphore(%run_scoped3A_85 : memref<!tpu.dma_semaphore, #tpu.memory_space<semaphore_mem>>) src(%arg13 : memref<125x128xf32, #tpu.memory_space<vmem>>) dst(%dma_wait3A_97 : memref<10240x128xf32, #tpu.memory_space<vmem_shared>>)
      tpu.yield
    }) : () -> ()
    %dma_wait3A_38 = arith.constant 39 : i32
    %dma_wait3A_39 = arith.constant 0 : i32
    %dma_wait3A_40 = tpu.memref_slice %arg18[%dma_wait3A_38, %dma_wait3A_39] : memref<40x125xi32, #tpu.memory_space<vmem>> -> memref<1x125xi32, #tpu.memory_space<vmem>>
    %dma_wait3A_41 = tpu.memref_squeeze %dma_wait3A_40 : memref<1x125xi32, #tpu.memory_space<vmem>> -> memref<125xi32, #tpu.memory_space<vmem>>
    %dma_wait3A_42 = arith.constant 0 : i32
    %dma_wait3A_43 = arith.constant 0 : i32
    %dma_wait3A_44 = tpu.memref_slice %arg2[%dma_wait3A_42, %dma_wait3A_43] : memref<10000x128xf32, #tpu.memory_space<hbm>> -> memref<10000x128xf32, #tpu.memory_space<hbm>>
    tpu.wait_indirect_dma semaphore(%arg15 : memref<!tpu.dma_semaphore, #tpu.memory_space<semaphore_mem>>) src(%dma_wait3A_44 : memref<10000x128xf32, #tpu.memory_space<hbm>>) dst(%arg12 : memref<125x128xf32, #tpu.memory_space<vmem>>)
    %run_scoped3A_45 = arith.constant 39 : i32
    "tpu.region"() ({
      %run_scoped3A_85 = tpu.sem_alloc : memref<!tpu.dma_semaphore, #tpu.memory_space<semaphore_mem>>
      %dma_start3A_86 = arith.constant 0 : i32
      %dma_start3A_87 = tpu.memref_slice %arg11[%run_scoped3A_45, %dma_start3A_86] : memref<40x125xi32, #tpu.memory_space<vmem>> -> memref<1x125xi32, #tpu.memory_space<vmem>>
      %dma_start3A_88 = tpu.memref_squeeze %dma_start3A_87 : memref<1x125xi32, #tpu.memory_space<vmem>> -> memref<125xi32, #tpu.memory_space<vmem>>
      %dma_start3A_89 = arith.constant 0 : i32
      %dma_start3A_90 = arith.constant 0 : i32
      %dma_start3A_91 = tpu.memref_slice %arg10[%dma_start3A_89, %dma_start3A_90] : memref<10240x128xf32, #tpu.memory_space<vmem_shared>> -> memref<10240x128xf32, #tpu.memory_space<vmem_shared>>
      tpu.enqueue_indirect_dma source(%arg12 : memref<125x128xf32, #tpu.memory_space<vmem>>) target(%dma_start3A_91 : memref<10240x128xf32, #tpu.memory_space<vmem_shared>>) offsets(%dma_start3A_88 : memref<125xi32, #tpu.memory_space<vmem>>) semaphore(%run_scoped3A_85 : memref<!tpu.dma_semaphore, #tpu.memory_space<semaphore_mem>>) {add = true}
      %dma_wait3A_92 = arith.constant 0 : i32
      %dma_wait3A_93 = tpu.memref_slice %arg11[%run_scoped3A_45, %dma_wait3A_92] : memref<40x125xi32, #tpu.memory_space<vmem>> -> memref<1x125xi32, #tpu.memory_space<vmem>>
      %dma_wait3A_94 = tpu.memref_squeeze %dma_wait3A_93 : memref<1x125xi32, #tpu.memory_space<vmem>> -> memref<125xi32, #tpu.memory_space<vmem>>
      %dma_wait3A_95 = arith.constant 0 : i32
      %dma_wait3A_96 = arith.constant 0 : i32
      %dma_wait3A_97 = tpu.memref_slice %arg10[%dma_wait3A_95, %dma_wait3A_96] : memref<10240x128xf32, #tpu.memory_space<vmem_shared>> -> memref<10240x128xf32, #tpu.memory_space<vmem_shared>>
      tpu.wait_indirect_dma semaphore(%run_scoped3A_85 : memref<!tpu.dma_semaphore, #tpu.memory_space<semaphore_mem>>) src(%arg12 : memref<125x128xf32, #tpu.memory_space<vmem>>) dst(%dma_wait3A_97 : memref<10240x128xf32, #tpu.memory_space<vmem_shared>>)
      tpu.yield
    }) : () -> ()
    %barrier3A_46 = arith.constant 0 : index
    tpu.barrier barrier_id(%barrier3A_46)
    "tpu.region"() ({
      %run_scoped3A_85 = tpu.sem_alloc : memref<!tpu.dma_semaphore, #tpu.memory_space<semaphore_mem>>
      %dma_start3A_86 = arith.constant 0 : i32
      %dma_start3A_87 = tpu.memref_slice %arg7[%add3A_5, %dma_start3A_86] : memref<20480x128xf32, #tpu.memory_space<hbm>> -> memref<640x128xf32, #tpu.memory_space<hbm>>
      %dma_start3A_88 = arith.constant 0 : i32
      %dma_start3A_89 = tpu.memref_slice %arg10[%mul3A_2, %dma_start3A_88] : memref<10240x128xf32, #tpu.memory_space<vmem_shared>> -> memref<640x128xf32, #tpu.memory_space<vmem_shared>>
      tpu.enqueue_dma source(%dma_start3A_89 : memref<640x128xf32, #tpu.memory_space<vmem_shared>>) target(%dma_start3A_87 : memref<640x128xf32, #tpu.memory_space<hbm>>) target_semaphore(%run_scoped3A_85 : memref<!tpu.dma_semaphore, #tpu.memory_space<semaphore_mem>>)
      %dma_wait3A_90 = arith.constant 0 : i32
      %dma_wait3A_91 = tpu.memref_slice %arg7[%add3A_5, %dma_wait3A_90] : memref<20480x128xf32, #tpu.memory_space<hbm>> -> memref<640x128xf32, #tpu.memory_space<hbm>>
      %dma_wait3A_92 = arith.constant 0 : i32
      %dma_wait3A_93 = tpu.memref_slice %arg10[%mul3A_2, %dma_wait3A_92] : memref<10240x128xf32, #tpu.memory_space<vmem_shared>> -> memref<640x128xf32, #tpu.memory_space<vmem_shared>>
      tpu.wait_dma2 semaphore(%run_scoped3A_85 : memref<!tpu.dma_semaphore, #tpu.memory_space<semaphore_mem>>) src(%dma_wait3A_93 : memref<640x128xf32, #tpu.memory_space<vmem_shared>>) dst(%dma_wait3A_91 : memref<640x128xf32, #tpu.memory_space<hbm>>)
      tpu.yield
    }) : () -> ()
    "tpu.region"() ({
      %run_scoped3A_85 = tpu.sem_alloc : memref<!tpu.dma_semaphore, #tpu.memory_space<semaphore_mem>>
      %dma_start3A_86 = arith.constant 0 : i32
      %dma_start3A_87 = tpu.memref_slice %arg10[%mul3A_2, %dma_start3A_86] : memref<10240x128xf32, #tpu.memory_space<vmem_shared>> -> memref<640x128xf32, #tpu.memory_space<vmem_shared>>
      tpu.enqueue_dma source(%arg5 : memref<640x128xf32, #tpu.memory_space<hbm>>) target(%dma_start3A_87 : memref<640x128xf32, #tpu.memory_space<vmem_shared>>) target_semaphore(%run_scoped3A_85 : memref<!tpu.dma_semaphore, #tpu.memory_space<semaphore_mem>>)
      %dma_wait3A_88 = arith.constant 0 : i32
      %dma_wait3A_89 = tpu.memref_slice %arg10[%mul3A_2, %dma_wait3A_88] : memref<10240x128xf32, #tpu.memory_space<vmem_shared>> -> memref<640x128xf32, #tpu.memory_space<vmem_shared>>
      tpu.wait_dma2 semaphore(%run_scoped3A_85 : memref<!tpu.dma_semaphore, #tpu.memory_space<semaphore_mem>>) src(%arg5 : memref<640x128xf32, #tpu.memory_space<hbm>>) dst(%dma_wait3A_89 : memref<640x128xf32, #tpu.memory_space<vmem_shared>>)
      tpu.yield
    }) : () -> ()
    %barrier3A_47 = arith.constant 0 : index
    tpu.barrier barrier_id(%barrier3A_47)
    %dma_start3A_48 = arith.constant 0 : i32
    %dma_start3A_49 = arith.constant 0 : i32
    %dma_start3A_50 = tpu.memref_slice %arg18[%dma_start3A_48, %dma_start3A_49] : memref<40x125xi32, #tpu.memory_space<vmem>> -> memref<1x125xi32, #tpu.memory_space<vmem>>
    %dma_start3A_51 = tpu.memref_squeeze %dma_start3A_50 : memref<1x125xi32, #tpu.memory_space<vmem>> -> memref<125xi32, #tpu.memory_space<vmem>>
    %dma_start3A_52 = arith.constant 0 : i32
    %dma_start3A_53 = arith.constant 0 : i32
    %dma_start3A_54 = tpu.memref_slice %arg3[%dma_start3A_52, %dma_start3A_53] : memref<10000x128xf32, #tpu.memory_space<hbm>> -> memref<10000x128xf32, #tpu.memory_space<hbm>>
    tpu.enqueue_indirect_dma source(%dma_start3A_54 : memref<10000x128xf32, #tpu.memory_space<hbm>>) target(%arg13 : memref<125x128xf32, #tpu.memory_space<vmem>>) offsets(%dma_start3A_51 : memref<125xi32, #tpu.memory_space<vmem>>) semaphore(%arg14 : memref<!tpu.dma_semaphore, #tpu.memory_space<semaphore_mem>>)
    %dma_start3A_55 = arith.constant 1 : i32
    %dma_start3A_56 = arith.constant 0 : i32
    %dma_start3A_57 = tpu.memref_slice %arg18[%dma_start3A_55, %dma_start3A_56] : memref<40x125xi32, #tpu.memory_space<vmem>> -> memref<1x125xi32, #tpu.memory_space<vmem>>
    %dma_start3A_58 = tpu.memref_squeeze %dma_start3A_57 : memref<1x125xi32, #tpu.memory_space<vmem>> -> memref<125xi32, #tpu.memory_space<vmem>>
    %dma_start3A_59 = arith.constant 0 : i32
    %dma_start3A_60 = arith.constant 0 : i32
    %dma_start3A_61 = tpu.memref_slice %arg3[%dma_start3A_59, %dma_start3A_60] : memref<10000x128xf32, #tpu.memory_space<hbm>> -> memref<10000x128xf32, #tpu.memory_space<hbm>>
    tpu.enqueue_indirect_dma source(%dma_start3A_61 : memref<10000x128xf32, #tpu.memory_space<hbm>>) target(%arg12 : memref<125x128xf32, #tpu.memory_space<vmem>>) offsets(%dma_start3A_58 : memref<125xi32, #tpu.memory_space<vmem>>) semaphore(%arg15 : memref<!tpu.dma_semaphore, #tpu.memory_space<semaphore_mem>>)
    %scan3A_62 = arith.constant 0 : i32
    %scan3A_63 = arith.constant 19 : i32
    %scan3A_64 = arith.addi %scan3A_62, %scan3A_63 : i32
    %scan3A_65 = arith.constant 1 : i32
    scf.for %scan3A_85 = %scan3A_62 to %scan3A_64 step %scan3A_65  : i32 {
      %mul3A_86 = arith.constant 2 : i32
      %mul3A_87 = arith.muli %scan3A_85, %mul3A_86 : i32
      %add3A_88 = arith.constant 0 : i32
      %add3A_89 = arith.addi %add3A_88, %mul3A_87 : i32
      %dma_wait3A_90 = arith.constant 0 : i32
      %dma_wait3A_91 = tpu.memref_slice %arg18[%add3A_89, %dma_wait3A_90] : memref<40x125xi32, #tpu.memory_space<vmem>> -> memref<1x125xi32, #tpu.memory_space<vmem>>
      %dma_wait3A_92 = tpu.memref_squeeze %dma_wait3A_91 : memref<1x125xi32, #tpu.memory_space<vmem>> -> memref<125xi32, #tpu.memory_space<vmem>>
      %dma_wait3A_93 = arith.constant 0 : i32
      %dma_wait3A_94 = arith.constant 0 : i32
      %dma_wait3A_95 = tpu.memref_slice %arg3[%dma_wait3A_93, %dma_wait3A_94] : memref<10000x128xf32, #tpu.memory_space<hbm>> -> memref<10000x128xf32, #tpu.memory_space<hbm>>
      tpu.wait_indirect_dma semaphore(%arg14 : memref<!tpu.dma_semaphore, #tpu.memory_space<semaphore_mem>>) src(%dma_wait3A_95 : memref<10000x128xf32, #tpu.memory_space<hbm>>) dst(%arg13 : memref<125x128xf32, #tpu.memory_space<vmem>>)
      "tpu.region"() ({
        %run_scoped3A_122 = tpu.sem_alloc : memref<!tpu.dma_semaphore, #tpu.memory_space<semaphore_mem>>
        %dma_start3A_123 = arith.constant 0 : i32
        %dma_start3A_124 = tpu.memref_slice %arg11[%add3A_89, %dma_start3A_123] : memref<40x125xi32, #tpu.memory_space<vmem>> -> memref<1x125xi32, #tpu.memory_space<vmem>>
        %dma_start3A_125 = tpu.memref_squeeze %dma_start3A_124 : memref<1x125xi32, #tpu.memory_space<vmem>> -> memref<125xi32, #tpu.memory_space<vmem>>
        %dma_start3A_126 = arith.constant 0 : i32
        %dma_start3A_127 = arith.constant 0 : i32
        %dma_start3A_128 = tpu.memref_slice %arg10[%dma_start3A_126, %dma_start3A_127] : memref<10240x128xf32, #tpu.memory_space<vmem_shared>> -> memref<10240x128xf32, #tpu.memory_space<vmem_shared>>
        tpu.enqueue_indirect_dma source(%arg13 : memref<125x128xf32, #tpu.memory_space<vmem>>) target(%dma_start3A_128 : memref<10240x128xf32, #tpu.memory_space<vmem_shared>>) offsets(%dma_start3A_125 : memref<125xi32, #tpu.memory_space<vmem>>) semaphore(%run_scoped3A_122 : memref<!tpu.dma_semaphore, #tpu.memory_space<semaphore_mem>>) {add = true}
        %dma_wait3A_129 = arith.constant 0 : i32
        %dma_wait3A_130 = tpu.memref_slice %arg11[%add3A_89, %dma_wait3A_129] : memref<40x125xi32, #tpu.memory_space<vmem>> -> memref<1x125xi32, #tpu.memory_space<vmem>>
        %dma_wait3A_131 = tpu.memref_squeeze %dma_wait3A_130 : memref<1x125xi32, #tpu.memory_space<vmem>> -> memref<125xi32, #tpu.memory_space<vmem>>
        %dma_wait3A_132 = arith.constant 0 : i32
        %dma_wait3A_133 = arith.constant 0 : i32
        %dma_wait3A_134 = tpu.memref_slice %arg10[%dma_wait3A_132, %dma_wait3A_133] : memref<10240x128xf32, #tpu.memory_space<vmem_shared>> -> memref<10240x128xf32, #tpu.memory_space<vmem_shared>>
        tpu.wait_indirect_dma semaphore(%run_scoped3A_122 : memref<!tpu.dma_semaphore, #tpu.memory_space<semaphore_mem>>) src(%arg13 : memref<125x128xf32, #tpu.memory_space<vmem>>) dst(%dma_wait3A_134 : memref<10240x128xf32, #tpu.memory_space<vmem_shared>>)
        tpu.yield
      }) : () -> ()
      %add3A_96 = arith.constant 2 : i32
      %add3A_97 = arith.addi %add3A_89, %add3A_96 : i32
      %dma_start3A_98 = arith.constant 0 : i32
      %dma_start3A_99 = tpu.memref_slice %arg18[%add3A_97, %dma_start3A_98] : memref<40x125xi32, #tpu.memory_space<vmem>> -> memref<1x125xi32, #tpu.memory_space<vmem>>
      %dma_start3A_100 = tpu.memref_squeeze %dma_start3A_99 : memref<1x125xi32, #tpu.memory_space<vmem>> -> memref<125xi32, #tpu.memory_space<vmem>>
      %dma_start3A_101 = arith.constant 0 : i32
      %dma_start3A_102 = arith.constant 0 : i32
      %dma_start3A_103 = tpu.memref_slice %arg3[%dma_start3A_101, %dma_start3A_102] : memref<10000x128xf32, #tpu.memory_space<hbm>> -> memref<10000x128xf32, #tpu.memory_space<hbm>>
      tpu.enqueue_indirect_dma source(%dma_start3A_103 : memref<10000x128xf32, #tpu.memory_space<hbm>>) target(%arg13 : memref<125x128xf32, #tpu.memory_space<vmem>>) offsets(%dma_start3A_100 : memref<125xi32, #tpu.memory_space<vmem>>) semaphore(%arg14 : memref<!tpu.dma_semaphore, #tpu.memory_space<semaphore_mem>>)
      %add3A_104 = arith.constant 1 : i32
      %add3A_105 = arith.addi %add3A_89, %add3A_104 : i32
      %dma_wait3A_106 = arith.constant 0 : i32
      %dma_wait3A_107 = tpu.memref_slice %arg18[%add3A_105, %dma_wait3A_106] : memref<40x125xi32, #tpu.memory_space<vmem>> -> memref<1x125xi32, #tpu.memory_space<vmem>>
      %dma_wait3A_108 = tpu.memref_squeeze %dma_wait3A_107 : memref<1x125xi32, #tpu.memory_space<vmem>> -> memref<125xi32, #tpu.memory_space<vmem>>
      %dma_wait3A_109 = arith.constant 0 : i32
      %dma_wait3A_110 = arith.constant 0 : i32
      %dma_wait3A_111 = tpu.memref_slice %arg3[%dma_wait3A_109, %dma_wait3A_110] : memref<10000x128xf32, #tpu.memory_space<hbm>> -> memref<10000x128xf32, #tpu.memory_space<hbm>>
      tpu.wait_indirect_dma semaphore(%arg15 : memref<!tpu.dma_semaphore, #tpu.memory_space<semaphore_mem>>) src(%dma_wait3A_111 : memref<10000x128xf32, #tpu.memory_space<hbm>>) dst(%arg12 : memref<125x128xf32, #tpu.memory_space<vmem>>)
      %add3A_112 = arith.constant 1 : i32
      %add3A_113 = arith.addi %add3A_89, %add3A_112 : i32
      "tpu.region"() ({
        %run_scoped3A_122 = tpu.sem_alloc : memref<!tpu.dma_semaphore, #tpu.memory_space<semaphore_mem>>
        %dma_start3A_123 = arith.constant 0 : i32
        %dma_start3A_124 = tpu.memref_slice %arg11[%add3A_113, %dma_start3A_123] : memref<40x125xi32, #tpu.memory_space<vmem>> -> memref<1x125xi32, #tpu.memory_space<vmem>>
        %dma_start3A_125 = tpu.memref_squeeze %dma_start3A_124 : memref<1x125xi32, #tpu.memory_space<vmem>> -> memref<125xi32, #tpu.memory_space<vmem>>
        %dma_start3A_126 = arith.constant 0 : i32
        %dma_start3A_127 = arith.constant 0 : i32
        %dma_start3A_128 = tpu.memref_slice %arg10[%dma_start3A_126, %dma_start3A_127] : memref<10240x128xf32, #tpu.memory_space<vmem_shared>> -> memref<10240x128xf32, #tpu.memory_space<vmem_shared>>
        tpu.enqueue_indirect_dma source(%arg12 : memref<125x128xf32, #tpu.memory_space<vmem>>) target(%dma_start3A_128 : memref<10240x128xf32, #tpu.memory_space<vmem_shared>>) offsets(%dma_start3A_125 : memref<125xi32, #tpu.memory_space<vmem>>) semaphore(%run_scoped3A_122 : memref<!tpu.dma_semaphore, #tpu.memory_space<semaphore_mem>>) {add = true}
        %dma_wait3A_129 = arith.constant 0 : i32
        %dma_wait3A_130 = tpu.memref_slice %arg11[%add3A_113, %dma_wait3A_129] : memref<40x125xi32, #tpu.memory_space<vmem>> -> memref<1x125xi32, #tpu.memory_space<vmem>>
        %dma_wait3A_131 = tpu.memref_squeeze %dma_wait3A_130 : memref<1x125xi32, #tpu.memory_space<vmem>> -> memref<125xi32, #tpu.memory_space<vmem>>
        %dma_wait3A_132 = arith.constant 0 : i32
        %dma_wait3A_133 = arith.constant 0 : i32
        %dma_wait3A_134 = tpu.memref_slice %arg10[%dma_wait3A_132, %dma_wait3A_133] : memref<10240x128xf32, #tpu.memory_space<vmem_shared>> -> memref<10240x128xf32, #tpu.memory_space<vmem_shared>>
        tpu.wait_indirect_dma semaphore(%run_scoped3A_122 : memref<!tpu.dma_semaphore, #tpu.memory_space<semaphore_mem>>) src(%arg12 : memref<125x128xf32, #tpu.memory_space<vmem>>) dst(%dma_wait3A_134 : memref<10240x128xf32, #tpu.memory_space<vmem_shared>>)
        tpu.yield
      }) : () -> ()
      %add3A_114 = arith.constant 3 : i32
      %add3A_115 = arith.addi %add3A_89, %add3A_114 : i32
      %dma_start3A_116 = arith.constant 0 : i32
      %dma_start3A_117 = tpu.memref_slice %arg18[%add3A_115, %dma_start3A_116] : memref<40x125xi32, #tpu.memory_space<vmem>> -> memref<1x125xi32, #tpu.memory_space<vmem>>
      %dma_start3A_118 = tpu.memref_squeeze %dma_start3A_117 : memref<1x125xi32, #tpu.memory_space<vmem>> -> memref<125xi32, #tpu.memory_space<vmem>>
      %dma_start3A_119 = arith.constant 0 : i32
      %dma_start3A_120 = arith.constant 0 : i32
      %dma_start3A_121 = tpu.memref_slice %arg3[%dma_start3A_119, %dma_start3A_120] : memref<10000x128xf32, #tpu.memory_space<hbm>> -> memref<10000x128xf32, #tpu.memory_space<hbm>>
      tpu.enqueue_indirect_dma source(%dma_start3A_121 : memref<10000x128xf32, #tpu.memory_space<hbm>>) target(%arg12 : memref<125x128xf32, #tpu.memory_space<vmem>>) offsets(%dma_start3A_118 : memref<125xi32, #tpu.memory_space<vmem>>) semaphore(%arg15 : memref<!tpu.dma_semaphore, #tpu.memory_space<semaphore_mem>>)
    }
    %scan3A_66 = arith.constant 19 : i32
    %dma_wait3A_67 = arith.constant 38 : i32
    %dma_wait3A_68 = arith.constant 0 : i32
    %dma_wait3A_69 = tpu.memref_slice %arg18[%dma_wait3A_67, %dma_wait3A_68] : memref<40x125xi32, #tpu.memory_space<vmem>> -> memref<1x125xi32, #tpu.memory_space<vmem>>
    %dma_wait3A_70 = tpu.memref_squeeze %dma_wait3A_69 : memref<1x125xi32, #tpu.memory_space<vmem>> -> memref<125xi32, #tpu.memory_space<vmem>>
    %dma_wait3A_71 = arith.constant 0 : i32
    %dma_wait3A_72 = arith.constant 0 : i32
    %dma_wait3A_73 = tpu.memref_slice %arg3[%dma_wait3A_71, %dma_wait3A_72] : memref<10000x128xf32, #tpu.memory_space<hbm>> -> memref<10000x128xf32, #tpu.memory_space<hbm>>
    tpu.wait_indirect_dma semaphore(%arg14 : memref<!tpu.dma_semaphore, #tpu.memory_space<semaphore_mem>>) src(%dma_wait3A_73 : memref<10000x128xf32, #tpu.memory_space<hbm>>) dst(%arg13 : memref<125x128xf32, #tpu.memory_space<vmem>>)
    %run_scoped3A_74 = arith.constant 38 : i32
    "tpu.region"() ({
      %run_scoped3A_85 = tpu.sem_alloc : memref<!tpu.dma_semaphore, #tpu.memory_space<semaphore_mem>>
      %dma_start3A_86 = arith.constant 0 : i32
      %dma_start3A_87 = tpu.memref_slice %arg11[%run_scoped3A_74, %dma_start3A_86] : memref<40x125xi32, #tpu.memory_space<vmem>> -> memref<1x125xi32, #tpu.memory_space<vmem>>
      %dma_start3A_88 = tpu.memref_squeeze %dma_start3A_87 : memref<1x125xi32, #tpu.memory_space<vmem>> -> memref<125xi32, #tpu.memory_space<vmem>>
      %dma_start3A_89 = arith.constant 0 : i32
      %dma_start3A_90 = arith.constant 0 : i32
      %dma_start3A_91 = tpu.memref_slice %arg10[%dma_start3A_89, %dma_start3A_90] : memref<10240x128xf32, #tpu.memory_space<vmem_shared>> -> memref<10240x128xf32, #tpu.memory_space<vmem_shared>>
      tpu.enqueue_indirect_dma source(%arg13 : memref<125x128xf32, #tpu.memory_space<vmem>>) target(%dma_start3A_91 : memref<10240x128xf32, #tpu.memory_space<vmem_shared>>) offsets(%dma_start3A_88 : memref<125xi32, #tpu.memory_space<vmem>>) semaphore(%run_scoped3A_85 : memref<!tpu.dma_semaphore, #tpu.memory_space<semaphore_mem>>) {add = true}
      %dma_wait3A_92 = arith.constant 0 : i32
      %dma_wait3A_93 = tpu.memref_slice %arg11[%run_scoped3A_74, %dma_wait3A_92] : memref<40x125xi32, #tpu.memory_space<vmem>> -> memref<1x125xi32, #tpu.memory_space<vmem>>
      %dma_wait3A_94 = tpu.memref_squeeze %dma_wait3A_93 : memref<1x125xi32, #tpu.memory_space<vmem>> -> memref<125xi32, #tpu.memory_space<vmem>>
      %dma_wait3A_95 = arith.constant 0 : i32
      %dma_wait3A_96 = arith.constant 0 : i32
      %dma_wait3A_97 = tpu.memref_slice %arg10[%dma_wait3A_95, %dma_wait3A_96] : memref<10240x128xf32, #tpu.memory_space<vmem_shared>> -> memref<10240x128xf32, #tpu.memory_space<vmem_shared>>
      tpu.wait_indirect_dma semaphore(%run_scoped3A_85 : memref<!tpu.dma_semaphore, #tpu.memory_space<semaphore_mem>>) src(%arg13 : memref<125x128xf32, #tpu.memory_space<vmem>>) dst(%dma_wait3A_97 : memref<10240x128xf32, #tpu.memory_space<vmem_shared>>)
      tpu.yield
    }) : () -> ()
    %dma_wait3A_75 = arith.constant 39 : i32
    %dma_wait3A_76 = arith.constant 0 : i32
    %dma_wait3A_77 = tpu.memref_slice %arg18[%dma_wait3A_75, %dma_wait3A_76] : memref<40x125xi32, #tpu.memory_space<vmem>> -> memref<1x125xi32, #tpu.memory_space<vmem>>
    %dma_wait3A_78 = tpu.memref_squeeze %dma_wait3A_77 : memref<1x125xi32, #tpu.memory_space<vmem>> -> memref<125xi32, #tpu.memory_space<vmem>>
    %dma_wait3A_79 = arith.constant 0 : i32
    %dma_wait3A_80 = arith.constant 0 : i32
    %dma_wait3A_81 = tpu.memref_slice %arg3[%dma_wait3A_79, %dma_wait3A_80] : memref<10000x128xf32, #tpu.memory_space<hbm>> -> memref<10000x128xf32, #tpu.memory_space<hbm>>
    tpu.wait_indirect_dma semaphore(%arg15 : memref<!tpu.dma_semaphore, #tpu.memory_space<semaphore_mem>>) src(%dma_wait3A_81 : memref<10000x128xf32, #tpu.memory_space<hbm>>) dst(%arg12 : memref<125x128xf32, #tpu.memory_space<vmem>>)
    %run_scoped3A_82 = arith.constant 39 : i32
    "tpu.region"() ({
      %run_scoped3A_85 = tpu.sem_alloc : memref<!tpu.dma_semaphore, #tpu.memory_space<semaphore_mem>>
      %dma_start3A_86 = arith.constant 0 : i32
      %dma_start3A_87 = tpu.memref_slice %arg11[%run_scoped3A_82, %dma_start3A_86] : memref<40x125xi32, #tpu.memory_space<vmem>> -> memref<1x125xi32, #tpu.memory_space<vmem>>
      %dma_start3A_88 = tpu.memref_squeeze %dma_start3A_87 : memref<1x125xi32, #tpu.memory_space<vmem>> -> memref<125xi32, #tpu.memory_space<vmem>>
      %dma_start3A_89 = arith.constant 0 : i32
      %dma_start3A_90 = arith.constant 0 : i32
      %dma_start3A_91 = tpu.memref_slice %arg10[%dma_start3A_89, %dma_start3A_90] : memref<10240x128xf32, #tpu.memory_space<vmem_shared>> -> memref<10240x128xf32, #tpu.memory_space<vmem_shared>>
      tpu.enqueue_indirect_dma source(%arg12 : memref<125x128xf32, #tpu.memory_space<vmem>>) target(%dma_start3A_91 : memref<10240x128xf32, #tpu.memory_space<vmem_shared>>) offsets(%dma_start3A_88 : memref<125xi32, #tpu.memory_space<vmem>>) semaphore(%run_scoped3A_85 : memref<!tpu.dma_semaphore, #tpu.memory_space<semaphore_mem>>) {add = true}
      %dma_wait3A_92 = arith.constant 0 : i32
      %dma_wait3A_93 = tpu.memref_slice %arg11[%run_scoped3A_82, %dma_wait3A_92] : memref<40x125xi32, #tpu.memory_space<vmem>> -> memref<1x125xi32, #tpu.memory_space<vmem>>
      %dma_wait3A_94 = tpu.memref_squeeze %dma_wait3A_93 : memref<1x125xi32, #tpu.memory_space<vmem>> -> memref<125xi32, #tpu.memory_space<vmem>>
      %dma_wait3A_95 = arith.constant 0 : i32
      %dma_wait3A_96 = arith.constant 0 : i32
      %dma_wait3A_97 = tpu.memref_slice %arg10[%dma_wait3A_95, %dma_wait3A_96] : memref<10240x128xf32, #tpu.memory_space<vmem_shared>> -> memref<10240x128xf32, #tpu.memory_space<vmem_shared>>
      tpu.wait_indirect_dma semaphore(%run_scoped3A_85 : memref<!tpu.dma_semaphore, #tpu.memory_space<semaphore_mem>>) src(%arg12 : memref<125x128xf32, #tpu.memory_space<vmem>>) dst(%dma_wait3A_97 : memref<10240x128xf32, #tpu.memory_space<vmem_shared>>)
      tpu.yield
    }) : () -> ()
    %barrier3A_83 = arith.constant 0 : index
    tpu.barrier barrier_id(%barrier3A_83)
    "tpu.region"() ({
      %run_scoped3A_85 = tpu.sem_alloc : memref<!tpu.dma_semaphore, #tpu.memory_space<semaphore_mem>>
      %dma_start3A_86 = arith.constant 0 : i32
      %dma_start3A_87 = tpu.memref_slice %arg8[%add3A_5, %dma_start3A_86] : memref<20480x128xf32, #tpu.memory_space<hbm>> -> memref<640x128xf32, #tpu.memory_space<hbm>>
      %dma_start3A_88 = arith.constant 0 : i32
      %dma_start3A_89 = tpu.memref_slice %arg10[%mul3A_2, %dma_start3A_88] : memref<10240x128xf32, #tpu.memory_space<vmem_shared>> -> memref<640x128xf32, #tpu.memory_space<vmem_shared>>
      tpu.enqueue_dma source(%dma_start3A_89 : memref<640x128xf32, #tpu.memory_space<vmem_shared>>) target(%dma_start3A_87 : memref<640x128xf32, #tpu.memory_space<hbm>>) target_semaphore(%run_scoped3A_85 : memref<!tpu.dma_semaphore, #tpu.memory_space<semaphore_mem>>)
      %dma_wait3A_90 = arith.constant 0 : i32
      %dma_wait3A_91 = tpu.memref_slice %arg8[%add3A_5, %dma_wait3A_90] : memref<20480x128xf32, #tpu.memory_space<hbm>> -> memref<640x128xf32, #tpu.memory_space<hbm>>
      %dma_wait3A_92 = arith.constant 0 : i32
      %dma_wait3A_93 = tpu.memref_slice %arg10[%mul3A_2, %dma_wait3A_92] : memref<10240x128xf32, #tpu.memory_space<vmem_shared>> -> memref<640x128xf32, #tpu.memory_space<vmem_shared>>
      tpu.wait_dma2 semaphore(%run_scoped3A_85 : memref<!tpu.dma_semaphore, #tpu.memory_space<semaphore_mem>>) src(%dma_wait3A_93 : memref<640x128xf32, #tpu.memory_space<vmem_shared>>) dst(%dma_wait3A_91 : memref<640x128xf32, #tpu.memory_space<hbm>>)
      tpu.yield
    }) : () -> ()
    %barrier3A_84 = arith.constant 0 : index
    tpu.barrier barrier_id(%barrier3A_84)
    return
  }
}

#map = affine_map<(d0, d1) -> (0, 0)>
#map1 = affine_map<(d0, d1) -> (0, 0, 0, 0)>
module attributes {stable_mosaic.version = 14 : i64} {
  func.func @k(%arg0: i32, %arg1: i32, %arg2: memref<10000x128xf32, #tpu.memory_space<hbm>>, %arg3: memref<10000x128xf32, #tpu.memory_space<hbm>>, %arg4: memref<10000x128xf32, #tpu.memory_space<hbm>>, %arg5: memref<10000x128xf32, #tpu.memory_space<hbm>>, %arg6: memref<2x32x40x125xi32, #tpu.memory_space<hbm>>, %arg7: memref<640x128xf32, #tpu.memory_space<hbm>>, %arg8: memref<125x128xf32, #tpu.memory_space<hbm>>, %arg9: memref<20480x128xf32, #tpu.memory_space<hbm>>, %arg10: memref<20480x128xf32, #tpu.memory_space<hbm>>, %arg11: memref<20480x128xf32, #tpu.memory_space<hbm>>, %arg12: memref<20480x128xf32, #tpu.memory_space<hbm>>, %arg13: memref<10240x128xf32, #tpu.memory_space<vmem_shared>>, %arg14: memref<40x125xi32, #tpu.memory_space<vmem>>, %arg15: memref<125x128xf32, #tpu.memory_space<vmem>>, %arg16: memref<125x128xf32, #tpu.memory_space<vmem>>, %arg17: memref<!tpu.dma_semaphore, #tpu.memory_space<semaphore_mem>>, %arg18: memref<!tpu.dma_semaphore, #tpu.memory_space<semaphore_mem>>, %arg19: memref<!tpu.dma_semaphore, #tpu.memory_space<semaphore_mem>>, %arg20: memref<!tpu.dma_semaphore, #tpu.memory_space<semaphore_mem>>, %arg21: memref<40x125xi32, #tpu.memory_space<vmem>>) attributes {dimension_semantics = [#tpu.dimension_semantics<core_parallel>, #tpu.dimension_semantics<subcore_parallel>], iteration_bounds = array<i64: 2, 16>, scalar_prefetch = 0 : i64, scratch_operands = 9 : i64, tpu.core_type = #tpu.core_type<sc_vector_subcore>, window_params = [{transform_indices = #map}, {transform_indices = #map}, {transform_indices = #map}, {transform_indices = #map}, {transform_indices = #map1}, {transform_indices = #map}, {transform_indices = #map}, {transform_indices = #map}, {transform_indices = #map}, {transform_indices = #map}, {transform_indices = #map}]} {
    %mul3A = arith.constant 16 : i32
    %mul3A_0 = arith.muli %arg0, %mul3A : i32
    %add3A = arith.addi %mul3A_0, %arg1 : i32
    %mul3A_1 = arith.constant 640 : i32
    %mul3A_2 = arith.muli %arg1, %mul3A_1 : i32
    %mul3A_3 = arith.constant 10240 : i32
    %mul3A_4 = arith.muli %arg0, %mul3A_3 : i32
    %add3A_5 = arith.addi %mul3A_4, %mul3A_2 : i32
    %run_scoped3A = arith.constant 0 : i32
    "tpu.region"() ({
      %run_scoped3A_152 = tpu.sem_alloc : memref<!tpu.dma_semaphore, #tpu.memory_space<semaphore_mem>>
      %dma_start3A_153 = arith.constant 0 : i32
      %dma_start3A_154 = arith.constant 0 : i32
      %dma_start3A_155 = tpu.memref_slice %arg6[%run_scoped3A, %add3A, %dma_start3A_153, %dma_start3A_154] : memref<2x32x40x125xi32, #tpu.memory_space<hbm>> -> memref<1x1x40x125xi32, #tpu.memory_space<hbm>>
      %dma_start3A_156 = tpu.memref_squeeze %dma_start3A_155 : memref<1x1x40x125xi32, #tpu.memory_space<hbm>> -> memref<40x125xi32, #tpu.memory_space<hbm>>
      %dma_start3A_157 = arith.constant 0 : i32
      %dma_start3A_158 = arith.constant 0 : i32
      %dma_start3A_159 = tpu.memref_slice %arg6[%run_scoped3A, %add3A, %dma_start3A_157, %dma_start3A_158] : memref<2x32x40x125xi32, #tpu.memory_space<hbm>> -> memref<1x1x40x125xi32, #tpu.memory_space<hbm>>
      %dma_start3A_160 = tpu.memref_squeeze %dma_start3A_159 : memref<1x1x40x125xi32, #tpu.memory_space<hbm>> -> memref<40x125xi32, #tpu.memory_space<hbm>>
      tpu.enqueue_dma source(%dma_start3A_160 : memref<40x125xi32, #tpu.memory_space<hbm>>) target(%arg21 : memref<40x125xi32, #tpu.memory_space<vmem>>) target_semaphore(%run_scoped3A_152 : memref<!tpu.dma_semaphore, #tpu.memory_space<semaphore_mem>>)
      %dma_wait3A_161 = arith.constant 0 : i32
      %dma_wait3A_162 = arith.constant 0 : i32
      %dma_wait3A_163 = tpu.memref_slice %arg6[%run_scoped3A, %add3A, %dma_wait3A_161, %dma_wait3A_162] : memref<2x32x40x125xi32, #tpu.memory_space<hbm>> -> memref<1x1x40x125xi32, #tpu.memory_space<hbm>>
      %dma_wait3A_164 = tpu.memref_squeeze %dma_wait3A_163 : memref<1x1x40x125xi32, #tpu.memory_space<hbm>> -> memref<40x125xi32, #tpu.memory_space<hbm>>
      %dma_wait3A_165 = arith.constant 0 : i32
      %dma_wait3A_166 = arith.constant 0 : i32
      %dma_wait3A_167 = tpu.memref_slice %arg6[%run_scoped3A, %add3A, %dma_wait3A_165, %dma_wait3A_166] : memref<2x32x40x125xi32, #tpu.memory_space<hbm>> -> memref<1x1x40x125xi32, #tpu.memory_space<hbm>>
      %dma_wait3A_168 = tpu.memref_squeeze %dma_wait3A_167 : memref<1x1x40x125xi32, #tpu.memory_space<hbm>> -> memref<40x125xi32, #tpu.memory_space<hbm>>
      tpu.wait_dma2 semaphore(%run_scoped3A_152 : memref<!tpu.dma_semaphore, #tpu.memory_space<semaphore_mem>>) src(%dma_wait3A_168 : memref<40x125xi32, #tpu.memory_space<hbm>>) dst(%arg21 : memref<40x125xi32, #tpu.memory_space<vmem>>)
      tpu.yield
    }) : () -> ()
    %run_scoped3A_6 = arith.constant 1 : i32
    "tpu.region"() ({
      %run_scoped3A_152 = tpu.sem_alloc : memref<!tpu.dma_semaphore, #tpu.memory_space<semaphore_mem>>
      %dma_start3A_153 = arith.constant 0 : i32
      %dma_start3A_154 = arith.constant 0 : i32
      %dma_start3A_155 = tpu.memref_slice %arg6[%run_scoped3A_6, %add3A, %dma_start3A_153, %dma_start3A_154] : memref<2x32x40x125xi32, #tpu.memory_space<hbm>> -> memref<1x1x40x125xi32, #tpu.memory_space<hbm>>
      %dma_start3A_156 = tpu.memref_squeeze %dma_start3A_155 : memref<1x1x40x125xi32, #tpu.memory_space<hbm>> -> memref<40x125xi32, #tpu.memory_space<hbm>>
      %dma_start3A_157 = arith.constant 0 : i32
      %dma_start3A_158 = arith.constant 0 : i32
      %dma_start3A_159 = tpu.memref_slice %arg6[%run_scoped3A_6, %add3A, %dma_start3A_157, %dma_start3A_158] : memref<2x32x40x125xi32, #tpu.memory_space<hbm>> -> memref<1x1x40x125xi32, #tpu.memory_space<hbm>>
      %dma_start3A_160 = tpu.memref_squeeze %dma_start3A_159 : memref<1x1x40x125xi32, #tpu.memory_space<hbm>> -> memref<40x125xi32, #tpu.memory_space<hbm>>
      tpu.enqueue_dma source(%dma_start3A_160 : memref<40x125xi32, #tpu.memory_space<hbm>>) target(%arg14 : memref<40x125xi32, #tpu.memory_space<vmem>>) target_semaphore(%run_scoped3A_152 : memref<!tpu.dma_semaphore, #tpu.memory_space<semaphore_mem>>)
      %dma_wait3A_161 = arith.constant 0 : i32
      %dma_wait3A_162 = arith.constant 0 : i32
      %dma_wait3A_163 = tpu.memref_slice %arg6[%run_scoped3A_6, %add3A, %dma_wait3A_161, %dma_wait3A_162] : memref<2x32x40x125xi32, #tpu.memory_space<hbm>> -> memref<1x1x40x125xi32, #tpu.memory_space<hbm>>
      %dma_wait3A_164 = tpu.memref_squeeze %dma_wait3A_163 : memref<1x1x40x125xi32, #tpu.memory_space<hbm>> -> memref<40x125xi32, #tpu.memory_space<hbm>>
      %dma_wait3A_165 = arith.constant 0 : i32
      %dma_wait3A_166 = arith.constant 0 : i32
      %dma_wait3A_167 = tpu.memref_slice %arg6[%run_scoped3A_6, %add3A, %dma_wait3A_165, %dma_wait3A_166] : memref<2x32x40x125xi32, #tpu.memory_space<hbm>> -> memref<1x1x40x125xi32, #tpu.memory_space<hbm>>
      %dma_wait3A_168 = tpu.memref_squeeze %dma_wait3A_167 : memref<1x1x40x125xi32, #tpu.memory_space<hbm>> -> memref<40x125xi32, #tpu.memory_space<hbm>>
      tpu.wait_dma2 semaphore(%run_scoped3A_152 : memref<!tpu.dma_semaphore, #tpu.memory_space<semaphore_mem>>) src(%dma_wait3A_168 : memref<40x125xi32, #tpu.memory_space<hbm>>) dst(%arg14 : memref<40x125xi32, #tpu.memory_space<vmem>>)
      tpu.yield
    }) : () -> ()
    "tpu.region"() ({
      %run_scoped3A_152 = tpu.sem_alloc : memref<!tpu.dma_semaphore, #tpu.memory_space<semaphore_mem>>
      %dma_start3A_153 = arith.constant 0 : i32
      %dma_start3A_154 = tpu.memref_slice %arg13[%mul3A_2, %dma_start3A_153] : memref<10240x128xf32, #tpu.memory_space<vmem_shared>> -> memref<640x128xf32, #tpu.memory_space<vmem_shared>>
      tpu.enqueue_dma source(%arg7 : memref<640x128xf32, #tpu.memory_space<hbm>>) target(%dma_start3A_154 : memref<640x128xf32, #tpu.memory_space<vmem_shared>>) target_semaphore(%run_scoped3A_152 : memref<!tpu.dma_semaphore, #tpu.memory_space<semaphore_mem>>)
      %dma_wait3A_155 = arith.constant 0 : i32
      %dma_wait3A_156 = tpu.memref_slice %arg13[%mul3A_2, %dma_wait3A_155] : memref<10240x128xf32, #tpu.memory_space<vmem_shared>> -> memref<640x128xf32, #tpu.memory_space<vmem_shared>>
      tpu.wait_dma2 semaphore(%run_scoped3A_152 : memref<!tpu.dma_semaphore, #tpu.memory_space<semaphore_mem>>) src(%arg7 : memref<640x128xf32, #tpu.memory_space<hbm>>) dst(%dma_wait3A_156 : memref<640x128xf32, #tpu.memory_space<vmem_shared>>)
      tpu.yield
    }) : () -> ()
    %barrier3A = arith.constant 0 : index
    tpu.barrier barrier_id(%barrier3A)
    %dma_start3A = arith.constant 0 : i32
    %dma_start3A_7 = arith.constant 0 : i32
    %dma_start3A_8 = tpu.memref_slice %arg21[%dma_start3A, %dma_start3A_7] : memref<40x125xi32, #tpu.memory_space<vmem>> -> memref<1x125xi32, #tpu.memory_space<vmem>>
    %dma_start3A_9 = tpu.memref_squeeze %dma_start3A_8 : memref<1x125xi32, #tpu.memory_space<vmem>> -> memref<125xi32, #tpu.memory_space<vmem>>
    %dma_start3A_10 = arith.constant 0 : i32
    %dma_start3A_11 = arith.constant 0 : i32
    %dma_start3A_12 = tpu.memref_slice %arg2[%dma_start3A_10, %dma_start3A_11] : memref<10000x128xf32, #tpu.memory_space<hbm>> -> memref<10000x128xf32, #tpu.memory_space<hbm>>
    tpu.enqueue_indirect_dma source(%dma_start3A_12 : memref<10000x128xf32, #tpu.memory_space<hbm>>) target(%arg16 : memref<125x128xf32, #tpu.memory_space<vmem>>) offsets(%dma_start3A_9 : memref<125xi32, #tpu.memory_space<vmem>>) semaphore(%arg17 : memref<!tpu.dma_semaphore, #tpu.memory_space<semaphore_mem>>)
    %dma_start3A_13 = arith.constant 1 : i32
    %dma_start3A_14 = arith.constant 0 : i32
    %dma_start3A_15 = tpu.memref_slice %arg21[%dma_start3A_13, %dma_start3A_14] : memref<40x125xi32, #tpu.memory_space<vmem>> -> memref<1x125xi32, #tpu.memory_space<vmem>>
    %dma_start3A_16 = tpu.memref_squeeze %dma_start3A_15 : memref<1x125xi32, #tpu.memory_space<vmem>> -> memref<125xi32, #tpu.memory_space<vmem>>
    %dma_start3A_17 = arith.constant 0 : i32
    %dma_start3A_18 = arith.constant 0 : i32
    %dma_start3A_19 = tpu.memref_slice %arg2[%dma_start3A_17, %dma_start3A_18] : memref<10000x128xf32, #tpu.memory_space<hbm>> -> memref<10000x128xf32, #tpu.memory_space<hbm>>
    tpu.enqueue_indirect_dma source(%dma_start3A_19 : memref<10000x128xf32, #tpu.memory_space<hbm>>) target(%arg15 : memref<125x128xf32, #tpu.memory_space<vmem>>) offsets(%dma_start3A_16 : memref<125xi32, #tpu.memory_space<vmem>>) semaphore(%arg18 : memref<!tpu.dma_semaphore, #tpu.memory_space<semaphore_mem>>)
    %scan3A = arith.constant 0 : i32
    %scan3A_20 = arith.constant 19 : i32
    %scan3A_21 = arith.addi %scan3A, %scan3A_20 : i32
    %scan3A_22 = arith.constant 1 : i32
    scf.for %scan3A_152 = %scan3A to %scan3A_21 step %scan3A_22  : i32 {
      %mul3A_153 = arith.constant 2 : i32
      %mul3A_154 = arith.muli %scan3A_152, %mul3A_153 : i32
      %add3A_155 = arith.constant 0 : i32
      %add3A_156 = arith.addi %add3A_155, %mul3A_154 : i32
      %dma_wait3A_157 = arith.constant 0 : i32
      %dma_wait3A_158 = tpu.memref_slice %arg21[%add3A_156, %dma_wait3A_157] : memref<40x125xi32, #tpu.memory_space<vmem>> -> memref<1x125xi32, #tpu.memory_space<vmem>>
      %dma_wait3A_159 = tpu.memref_squeeze %dma_wait3A_158 : memref<1x125xi32, #tpu.memory_space<vmem>> -> memref<125xi32, #tpu.memory_space<vmem>>
      %dma_wait3A_160 = arith.constant 0 : i32
      %dma_wait3A_161 = arith.constant 0 : i32
      %dma_wait3A_162 = tpu.memref_slice %arg2[%dma_wait3A_160, %dma_wait3A_161] : memref<10000x128xf32, #tpu.memory_space<hbm>> -> memref<10000x128xf32, #tpu.memory_space<hbm>>
      tpu.wait_indirect_dma semaphore(%arg17 : memref<!tpu.dma_semaphore, #tpu.memory_space<semaphore_mem>>) src(%dma_wait3A_162 : memref<10000x128xf32, #tpu.memory_space<hbm>>) dst(%arg16 : memref<125x128xf32, #tpu.memory_space<vmem>>)
      "tpu.region"() ({
        %run_scoped3A_189 = tpu.sem_alloc : memref<!tpu.dma_semaphore, #tpu.memory_space<semaphore_mem>>
        %dma_start3A_190 = arith.constant 0 : i32
        %dma_start3A_191 = tpu.memref_slice %arg14[%add3A_156, %dma_start3A_190] : memref<40x125xi32, #tpu.memory_space<vmem>> -> memref<1x125xi32, #tpu.memory_space<vmem>>
        %dma_start3A_192 = tpu.memref_squeeze %dma_start3A_191 : memref<1x125xi32, #tpu.memory_space<vmem>> -> memref<125xi32, #tpu.memory_space<vmem>>
        %dma_start3A_193 = arith.constant 0 : i32
        %dma_start3A_194 = arith.constant 0 : i32
        %dma_start3A_195 = tpu.memref_slice %arg13[%dma_start3A_193, %dma_start3A_194] : memref<10240x128xf32, #tpu.memory_space<vmem_shared>> -> memref<10240x128xf32, #tpu.memory_space<vmem_shared>>
        tpu.enqueue_indirect_dma source(%arg16 : memref<125x128xf32, #tpu.memory_space<vmem>>) target(%dma_start3A_195 : memref<10240x128xf32, #tpu.memory_space<vmem_shared>>) offsets(%dma_start3A_192 : memref<125xi32, #tpu.memory_space<vmem>>) semaphore(%run_scoped3A_189 : memref<!tpu.dma_semaphore, #tpu.memory_space<semaphore_mem>>) {add = true}
        %dma_wait3A_196 = arith.constant 0 : i32
        %dma_wait3A_197 = tpu.memref_slice %arg14[%add3A_156, %dma_wait3A_196] : memref<40x125xi32, #tpu.memory_space<vmem>> -> memref<1x125xi32, #tpu.memory_space<vmem>>
        %dma_wait3A_198 = tpu.memref_squeeze %dma_wait3A_197 : memref<1x125xi32, #tpu.memory_space<vmem>> -> memref<125xi32, #tpu.memory_space<vmem>>
        %dma_wait3A_199 = arith.constant 0 : i32
        %dma_wait3A_200 = arith.constant 0 : i32
        %dma_wait3A_201 = tpu.memref_slice %arg13[%dma_wait3A_199, %dma_wait3A_200] : memref<10240x128xf32, #tpu.memory_space<vmem_shared>> -> memref<10240x128xf32, #tpu.memory_space<vmem_shared>>
        tpu.wait_indirect_dma semaphore(%run_scoped3A_189 : memref<!tpu.dma_semaphore, #tpu.memory_space<semaphore_mem>>) src(%arg16 : memref<125x128xf32, #tpu.memory_space<vmem>>) dst(%dma_wait3A_201 : memref<10240x128xf32, #tpu.memory_space<vmem_shared>>)
        tpu.yield
      }) : () -> ()
      %add3A_163 = arith.constant 2 : i32
      %add3A_164 = arith.addi %add3A_156, %add3A_163 : i32
      %dma_start3A_165 = arith.constant 0 : i32
      %dma_start3A_166 = tpu.memref_slice %arg21[%add3A_164, %dma_start3A_165] : memref<40x125xi32, #tpu.memory_space<vmem>> -> memref<1x125xi32, #tpu.memory_space<vmem>>
      %dma_start3A_167 = tpu.memref_squeeze %dma_start3A_166 : memref<1x125xi32, #tpu.memory_space<vmem>> -> memref<125xi32, #tpu.memory_space<vmem>>
      %dma_start3A_168 = arith.constant 0 : i32
      %dma_start3A_169 = arith.constant 0 : i32
      %dma_start3A_170 = tpu.memref_slice %arg2[%dma_start3A_168, %dma_start3A_169] : memref<10000x128xf32, #tpu.memory_space<hbm>> -> memref<10000x128xf32, #tpu.memory_space<hbm>>
      tpu.enqueue_indirect_dma source(%dma_start3A_170 : memref<10000x128xf32, #tpu.memory_space<hbm>>) target(%arg16 : memref<125x128xf32, #tpu.memory_space<vmem>>) offsets(%dma_start3A_167 : memref<125xi32, #tpu.memory_space<vmem>>) semaphore(%arg17 : memref<!tpu.dma_semaphore, #tpu.memory_space<semaphore_mem>>)
      %add3A_171 = arith.constant 1 : i32
      %add3A_172 = arith.addi %add3A_156, %add3A_171 : i32
      %dma_wait3A_173 = arith.constant 0 : i32
      %dma_wait3A_174 = tpu.memref_slice %arg21[%add3A_172, %dma_wait3A_173] : memref<40x125xi32, #tpu.memory_space<vmem>> -> memref<1x125xi32, #tpu.memory_space<vmem>>
      %dma_wait3A_175 = tpu.memref_squeeze %dma_wait3A_174 : memref<1x125xi32, #tpu.memory_space<vmem>> -> memref<125xi32, #tpu.memory_space<vmem>>
      %dma_wait3A_176 = arith.constant 0 : i32
      %dma_wait3A_177 = arith.constant 0 : i32
      %dma_wait3A_178 = tpu.memref_slice %arg2[%dma_wait3A_176, %dma_wait3A_177] : memref<10000x128xf32, #tpu.memory_space<hbm>> -> memref<10000x128xf32, #tpu.memory_space<hbm>>
      tpu.wait_indirect_dma semaphore(%arg18 : memref<!tpu.dma_semaphore, #tpu.memory_space<semaphore_mem>>) src(%dma_wait3A_178 : memref<10000x128xf32, #tpu.memory_space<hbm>>) dst(%arg15 : memref<125x128xf32, #tpu.memory_space<vmem>>)
      %add3A_179 = arith.constant 1 : i32
      %add3A_180 = arith.addi %add3A_156, %add3A_179 : i32
      "tpu.region"() ({
        %run_scoped3A_189 = tpu.sem_alloc : memref<!tpu.dma_semaphore, #tpu.memory_space<semaphore_mem>>
        %dma_start3A_190 = arith.constant 0 : i32
        %dma_start3A_191 = tpu.memref_slice %arg14[%add3A_180, %dma_start3A_190] : memref<40x125xi32, #tpu.memory_space<vmem>> -> memref<1x125xi32, #tpu.memory_space<vmem>>
        %dma_start3A_192 = tpu.memref_squeeze %dma_start3A_191 : memref<1x125xi32, #tpu.memory_space<vmem>> -> memref<125xi32, #tpu.memory_space<vmem>>
        %dma_start3A_193 = arith.constant 0 : i32
        %dma_start3A_194 = arith.constant 0 : i32
        %dma_start3A_195 = tpu.memref_slice %arg13[%dma_start3A_193, %dma_start3A_194] : memref<10240x128xf32, #tpu.memory_space<vmem_shared>> -> memref<10240x128xf32, #tpu.memory_space<vmem_shared>>
        tpu.enqueue_indirect_dma source(%arg15 : memref<125x128xf32, #tpu.memory_space<vmem>>) target(%dma_start3A_195 : memref<10240x128xf32, #tpu.memory_space<vmem_shared>>) offsets(%dma_start3A_192 : memref<125xi32, #tpu.memory_space<vmem>>) semaphore(%run_scoped3A_189 : memref<!tpu.dma_semaphore, #tpu.memory_space<semaphore_mem>>) {add = true}
        %dma_wait3A_196 = arith.constant 0 : i32
        %dma_wait3A_197 = tpu.memref_slice %arg14[%add3A_180, %dma_wait3A_196] : memref<40x125xi32, #tpu.memory_space<vmem>> -> memref<1x125xi32, #tpu.memory_space<vmem>>
        %dma_wait3A_198 = tpu.memref_squeeze %dma_wait3A_197 : memref<1x125xi32, #tpu.memory_space<vmem>> -> memref<125xi32, #tpu.memory_space<vmem>>
        %dma_wait3A_199 = arith.constant 0 : i32
        %dma_wait3A_200 = arith.constant 0 : i32
        %dma_wait3A_201 = tpu.memref_slice %arg13[%dma_wait3A_199, %dma_wait3A_200] : memref<10240x128xf32, #tpu.memory_space<vmem_shared>> -> memref<10240x128xf32, #tpu.memory_space<vmem_shared>>
        tpu.wait_indirect_dma semaphore(%run_scoped3A_189 : memref<!tpu.dma_semaphore, #tpu.memory_space<semaphore_mem>>) src(%arg15 : memref<125x128xf32, #tpu.memory_space<vmem>>) dst(%dma_wait3A_201 : memref<10240x128xf32, #tpu.memory_space<vmem_shared>>)
        tpu.yield
      }) : () -> ()
      %add3A_181 = arith.constant 3 : i32
      %add3A_182 = arith.addi %add3A_156, %add3A_181 : i32
      %dma_start3A_183 = arith.constant 0 : i32
      %dma_start3A_184 = tpu.memref_slice %arg21[%add3A_182, %dma_start3A_183] : memref<40x125xi32, #tpu.memory_space<vmem>> -> memref<1x125xi32, #tpu.memory_space<vmem>>
      %dma_start3A_185 = tpu.memref_squeeze %dma_start3A_184 : memref<1x125xi32, #tpu.memory_space<vmem>> -> memref<125xi32, #tpu.memory_space<vmem>>
      %dma_start3A_186 = arith.constant 0 : i32
      %dma_start3A_187 = arith.constant 0 : i32
      %dma_start3A_188 = tpu.memref_slice %arg2[%dma_start3A_186, %dma_start3A_187] : memref<10000x128xf32, #tpu.memory_space<hbm>> -> memref<10000x128xf32, #tpu.memory_space<hbm>>
      tpu.enqueue_indirect_dma source(%dma_start3A_188 : memref<10000x128xf32, #tpu.memory_space<hbm>>) target(%arg15 : memref<125x128xf32, #tpu.memory_space<vmem>>) offsets(%dma_start3A_185 : memref<125xi32, #tpu.memory_space<vmem>>) semaphore(%arg18 : memref<!tpu.dma_semaphore, #tpu.memory_space<semaphore_mem>>)
    }
    %scan3A_23 = arith.constant 19 : i32
    %dma_wait3A = arith.constant 38 : i32
    %dma_wait3A_24 = arith.constant 0 : i32
    %dma_wait3A_25 = tpu.memref_slice %arg21[%dma_wait3A, %dma_wait3A_24] : memref<40x125xi32, #tpu.memory_space<vmem>> -> memref<1x125xi32, #tpu.memory_space<vmem>>
    %dma_wait3A_26 = tpu.memref_squeeze %dma_wait3A_25 : memref<1x125xi32, #tpu.memory_space<vmem>> -> memref<125xi32, #tpu.memory_space<vmem>>
    %dma_wait3A_27 = arith.constant 0 : i32
    %dma_wait3A_28 = arith.constant 0 : i32
    %dma_wait3A_29 = tpu.memref_slice %arg2[%dma_wait3A_27, %dma_wait3A_28] : memref<10000x128xf32, #tpu.memory_space<hbm>> -> memref<10000x128xf32, #tpu.memory_space<hbm>>
    tpu.wait_indirect_dma semaphore(%arg17 : memref<!tpu.dma_semaphore, #tpu.memory_space<semaphore_mem>>) src(%dma_wait3A_29 : memref<10000x128xf32, #tpu.memory_space<hbm>>) dst(%arg16 : memref<125x128xf32, #tpu.memory_space<vmem>>)
    %run_scoped3A_30 = arith.constant 38 : i32
    "tpu.region"() ({
      %run_scoped3A_152 = tpu.sem_alloc : memref<!tpu.dma_semaphore, #tpu.memory_space<semaphore_mem>>
      %dma_start3A_153 = arith.constant 0 : i32
      %dma_start3A_154 = tpu.memref_slice %arg14[%run_scoped3A_30, %dma_start3A_153] : memref<40x125xi32, #tpu.memory_space<vmem>> -> memref<1x125xi32, #tpu.memory_space<vmem>>
      %dma_start3A_155 = tpu.memref_squeeze %dma_start3A_154 : memref<1x125xi32, #tpu.memory_space<vmem>> -> memref<125xi32, #tpu.memory_space<vmem>>
      %dma_start3A_156 = arith.constant 0 : i32
      %dma_start3A_157 = arith.constant 0 : i32
      %dma_start3A_158 = tpu.memref_slice %arg13[%dma_start3A_156, %dma_start3A_157] : memref<10240x128xf32, #tpu.memory_space<vmem_shared>> -> memref<10240x128xf32, #tpu.memory_space<vmem_shared>>
      tpu.enqueue_indirect_dma source(%arg16 : memref<125x128xf32, #tpu.memory_space<vmem>>) target(%dma_start3A_158 : memref<10240x128xf32, #tpu.memory_space<vmem_shared>>) offsets(%dma_start3A_155 : memref<125xi32, #tpu.memory_space<vmem>>) semaphore(%run_scoped3A_152 : memref<!tpu.dma_semaphore, #tpu.memory_space<semaphore_mem>>) {add = true}
      %dma_wait3A_159 = arith.constant 0 : i32
      %dma_wait3A_160 = tpu.memref_slice %arg14[%run_scoped3A_30, %dma_wait3A_159] : memref<40x125xi32, #tpu.memory_space<vmem>> -> memref<1x125xi32, #tpu.memory_space<vmem>>
      %dma_wait3A_161 = tpu.memref_squeeze %dma_wait3A_160 : memref<1x125xi32, #tpu.memory_space<vmem>> -> memref<125xi32, #tpu.memory_space<vmem>>
      %dma_wait3A_162 = arith.constant 0 : i32
      %dma_wait3A_163 = arith.constant 0 : i32
      %dma_wait3A_164 = tpu.memref_slice %arg13[%dma_wait3A_162, %dma_wait3A_163] : memref<10240x128xf32, #tpu.memory_space<vmem_shared>> -> memref<10240x128xf32, #tpu.memory_space<vmem_shared>>
      tpu.wait_indirect_dma semaphore(%run_scoped3A_152 : memref<!tpu.dma_semaphore, #tpu.memory_space<semaphore_mem>>) src(%arg16 : memref<125x128xf32, #tpu.memory_space<vmem>>) dst(%dma_wait3A_164 : memref<10240x128xf32, #tpu.memory_space<vmem_shared>>)
      tpu.yield
    }) : () -> ()
    %dma_wait3A_31 = arith.constant 39 : i32
    %dma_wait3A_32 = arith.constant 0 : i32
    %dma_wait3A_33 = tpu.memref_slice %arg21[%dma_wait3A_31, %dma_wait3A_32] : memref<40x125xi32, #tpu.memory_space<vmem>> -> memref<1x125xi32, #tpu.memory_space<vmem>>
    %dma_wait3A_34 = tpu.memref_squeeze %dma_wait3A_33 : memref<1x125xi32, #tpu.memory_space<vmem>> -> memref<125xi32, #tpu.memory_space<vmem>>
    %dma_wait3A_35 = arith.constant 0 : i32
    %dma_wait3A_36 = arith.constant 0 : i32
    %dma_wait3A_37 = tpu.memref_slice %arg2[%dma_wait3A_35, %dma_wait3A_36] : memref<10000x128xf32, #tpu.memory_space<hbm>> -> memref<10000x128xf32, #tpu.memory_space<hbm>>
    tpu.wait_indirect_dma semaphore(%arg18 : memref<!tpu.dma_semaphore, #tpu.memory_space<semaphore_mem>>) src(%dma_wait3A_37 : memref<10000x128xf32, #tpu.memory_space<hbm>>) dst(%arg15 : memref<125x128xf32, #tpu.memory_space<vmem>>)
    %run_scoped3A_38 = arith.constant 39 : i32
    "tpu.region"() ({
      %run_scoped3A_152 = tpu.sem_alloc : memref<!tpu.dma_semaphore, #tpu.memory_space<semaphore_mem>>
      %dma_start3A_153 = arith.constant 0 : i32
      %dma_start3A_154 = tpu.memref_slice %arg14[%run_scoped3A_38, %dma_start3A_153] : memref<40x125xi32, #tpu.memory_space<vmem>> -> memref<1x125xi32, #tpu.memory_space<vmem>>
      %dma_start3A_155 = tpu.memref_squeeze %dma_start3A_154 : memref<1x125xi32, #tpu.memory_space<vmem>> -> memref<125xi32, #tpu.memory_space<vmem>>
      %dma_start3A_156 = arith.constant 0 : i32
      %dma_start3A_157 = arith.constant 0 : i32
      %dma_start3A_158 = tpu.memref_slice %arg13[%dma_start3A_156, %dma_start3A_157] : memref<10240x128xf32, #tpu.memory_space<vmem_shared>> -> memref<10240x128xf32, #tpu.memory_space<vmem_shared>>
      tpu.enqueue_indirect_dma source(%arg15 : memref<125x128xf32, #tpu.memory_space<vmem>>) target(%dma_start3A_158 : memref<10240x128xf32, #tpu.memory_space<vmem_shared>>) offsets(%dma_start3A_155 : memref<125xi32, #tpu.memory_space<vmem>>) semaphore(%run_scoped3A_152 : memref<!tpu.dma_semaphore, #tpu.memory_space<semaphore_mem>>) {add = true}
      %dma_wait3A_159 = arith.constant 0 : i32
      %dma_wait3A_160 = tpu.memref_slice %arg14[%run_scoped3A_38, %dma_wait3A_159] : memref<40x125xi32, #tpu.memory_space<vmem>> -> memref<1x125xi32, #tpu.memory_space<vmem>>
      %dma_wait3A_161 = tpu.memref_squeeze %dma_wait3A_160 : memref<1x125xi32, #tpu.memory_space<vmem>> -> memref<125xi32, #tpu.memory_space<vmem>>
      %dma_wait3A_162 = arith.constant 0 : i32
      %dma_wait3A_163 = arith.constant 0 : i32
      %dma_wait3A_164 = tpu.memref_slice %arg13[%dma_wait3A_162, %dma_wait3A_163] : memref<10240x128xf32, #tpu.memory_space<vmem_shared>> -> memref<10240x128xf32, #tpu.memory_space<vmem_shared>>
      tpu.wait_indirect_dma semaphore(%run_scoped3A_152 : memref<!tpu.dma_semaphore, #tpu.memory_space<semaphore_mem>>) src(%arg15 : memref<125x128xf32, #tpu.memory_space<vmem>>) dst(%dma_wait3A_164 : memref<10240x128xf32, #tpu.memory_space<vmem_shared>>)
      tpu.yield
    }) : () -> ()
    %barrier3A_39 = arith.constant 0 : index
    tpu.barrier barrier_id(%barrier3A_39)
    "tpu.region"() ({
      %run_scoped3A_152 = tpu.sem_alloc : memref<!tpu.dma_semaphore, #tpu.memory_space<semaphore_mem>>
      %dma_start3A_153 = arith.constant 0 : i32
      %dma_start3A_154 = tpu.memref_slice %arg9[%add3A_5, %dma_start3A_153] : memref<20480x128xf32, #tpu.memory_space<hbm>> -> memref<640x128xf32, #tpu.memory_space<hbm>>
      %dma_start3A_155 = arith.constant 0 : i32
      %dma_start3A_156 = tpu.memref_slice %arg13[%mul3A_2, %dma_start3A_155] : memref<10240x128xf32, #tpu.memory_space<vmem_shared>> -> memref<640x128xf32, #tpu.memory_space<vmem_shared>>
      tpu.enqueue_dma source(%dma_start3A_156 : memref<640x128xf32, #tpu.memory_space<vmem_shared>>) target(%dma_start3A_154 : memref<640x128xf32, #tpu.memory_space<hbm>>) target_semaphore(%run_scoped3A_152 : memref<!tpu.dma_semaphore, #tpu.memory_space<semaphore_mem>>)
      %dma_wait3A_157 = arith.constant 0 : i32
      %dma_wait3A_158 = tpu.memref_slice %arg9[%add3A_5, %dma_wait3A_157] : memref<20480x128xf32, #tpu.memory_space<hbm>> -> memref<640x128xf32, #tpu.memory_space<hbm>>
      %dma_wait3A_159 = arith.constant 0 : i32
      %dma_wait3A_160 = tpu.memref_slice %arg13[%mul3A_2, %dma_wait3A_159] : memref<10240x128xf32, #tpu.memory_space<vmem_shared>> -> memref<640x128xf32, #tpu.memory_space<vmem_shared>>
      tpu.wait_dma2 semaphore(%run_scoped3A_152 : memref<!tpu.dma_semaphore, #tpu.memory_space<semaphore_mem>>) src(%dma_wait3A_160 : memref<640x128xf32, #tpu.memory_space<vmem_shared>>) dst(%dma_wait3A_158 : memref<640x128xf32, #tpu.memory_space<hbm>>)
      tpu.yield
    }) : () -> ()
    "tpu.region"() ({
      %run_scoped3A_152 = tpu.sem_alloc : memref<!tpu.dma_semaphore, #tpu.memory_space<semaphore_mem>>
      %dma_start3A_153 = arith.constant 0 : i32
      %dma_start3A_154 = tpu.memref_slice %arg13[%mul3A_2, %dma_start3A_153] : memref<10240x128xf32, #tpu.memory_space<vmem_shared>> -> memref<640x128xf32, #tpu.memory_space<vmem_shared>>
      tpu.enqueue_dma source(%arg7 : memref<640x128xf32, #tpu.memory_space<hbm>>) target(%dma_start3A_154 : memref<640x128xf32, #tpu.memory_space<vmem_shared>>) target_semaphore(%run_scoped3A_152 : memref<!tpu.dma_semaphore, #tpu.memory_space<semaphore_mem>>)
      %dma_wait3A_155 = arith.constant 0 : i32
      %dma_wait3A_156 = tpu.memref_slice %arg13[%mul3A_2, %dma_wait3A_155] : memref<10240x128xf32, #tpu.memory_space<vmem_shared>> -> memref<640x128xf32, #tpu.memory_space<vmem_shared>>
      tpu.wait_dma2 semaphore(%run_scoped3A_152 : memref<!tpu.dma_semaphore, #tpu.memory_space<semaphore_mem>>) src(%arg7 : memref<640x128xf32, #tpu.memory_space<hbm>>) dst(%dma_wait3A_156 : memref<640x128xf32, #tpu.memory_space<vmem_shared>>)
      tpu.yield
    }) : () -> ()
    %barrier3A_40 = arith.constant 0 : index
    tpu.barrier barrier_id(%barrier3A_40)
    %dma_start3A_41 = arith.constant 0 : i32
    %dma_start3A_42 = arith.constant 0 : i32
    %dma_start3A_43 = tpu.memref_slice %arg21[%dma_start3A_41, %dma_start3A_42] : memref<40x125xi32, #tpu.memory_space<vmem>> -> memref<1x125xi32, #tpu.memory_space<vmem>>
    %dma_start3A_44 = tpu.memref_squeeze %dma_start3A_43 : memref<1x125xi32, #tpu.memory_space<vmem>> -> memref<125xi32, #tpu.memory_space<vmem>>
    %dma_start3A_45 = arith.constant 0 : i32
    %dma_start3A_46 = arith.constant 0 : i32
    %dma_start3A_47 = tpu.memref_slice %arg3[%dma_start3A_45, %dma_start3A_46] : memref<10000x128xf32, #tpu.memory_space<hbm>> -> memref<10000x128xf32, #tpu.memory_space<hbm>>
    tpu.enqueue_indirect_dma source(%dma_start3A_47 : memref<10000x128xf32, #tpu.memory_space<hbm>>) target(%arg16 : memref<125x128xf32, #tpu.memory_space<vmem>>) offsets(%dma_start3A_44 : memref<125xi32, #tpu.memory_space<vmem>>) semaphore(%arg17 : memref<!tpu.dma_semaphore, #tpu.memory_space<semaphore_mem>>)
    %dma_start3A_48 = arith.constant 1 : i32
    %dma_start3A_49 = arith.constant 0 : i32
    %dma_start3A_50 = tpu.memref_slice %arg21[%dma_start3A_48, %dma_start3A_49] : memref<40x125xi32, #tpu.memory_space<vmem>> -> memref<1x125xi32, #tpu.memory_space<vmem>>
    %dma_start3A_51 = tpu.memref_squeeze %dma_start3A_50 : memref<1x125xi32, #tpu.memory_space<vmem>> -> memref<125xi32, #tpu.memory_space<vmem>>
    %dma_start3A_52 = arith.constant 0 : i32
    %dma_start3A_53 = arith.constant 0 : i32
    %dma_start3A_54 = tpu.memref_slice %arg3[%dma_start3A_52, %dma_start3A_53] : memref<10000x128xf32, #tpu.memory_space<hbm>> -> memref<10000x128xf32, #tpu.memory_space<hbm>>
    tpu.enqueue_indirect_dma source(%dma_start3A_54 : memref<10000x128xf32, #tpu.memory_space<hbm>>) target(%arg15 : memref<125x128xf32, #tpu.memory_space<vmem>>) offsets(%dma_start3A_51 : memref<125xi32, #tpu.memory_space<vmem>>) semaphore(%arg18 : memref<!tpu.dma_semaphore, #tpu.memory_space<semaphore_mem>>)
    %scan3A_55 = arith.constant 0 : i32
    %scan3A_56 = arith.constant 19 : i32
    %scan3A_57 = arith.addi %scan3A_55, %scan3A_56 : i32
    %scan3A_58 = arith.constant 1 : i32
    scf.for %scan3A_152 = %scan3A_55 to %scan3A_57 step %scan3A_58  : i32 {
      %mul3A_153 = arith.constant 2 : i32
      %mul3A_154 = arith.muli %scan3A_152, %mul3A_153 : i32
      %add3A_155 = arith.constant 0 : i32
      %add3A_156 = arith.addi %add3A_155, %mul3A_154 : i32
      %dma_wait3A_157 = arith.constant 0 : i32
      %dma_wait3A_158 = tpu.memref_slice %arg21[%add3A_156, %dma_wait3A_157] : memref<40x125xi32, #tpu.memory_space<vmem>> -> memref<1x125xi32, #tpu.memory_space<vmem>>
      %dma_wait3A_159 = tpu.memref_squeeze %dma_wait3A_158 : memref<1x125xi32, #tpu.memory_space<vmem>> -> memref<125xi32, #tpu.memory_space<vmem>>
      %dma_wait3A_160 = arith.constant 0 : i32
      %dma_wait3A_161 = arith.constant 0 : i32
      %dma_wait3A_162 = tpu.memref_slice %arg3[%dma_wait3A_160, %dma_wait3A_161] : memref<10000x128xf32, #tpu.memory_space<hbm>> -> memref<10000x128xf32, #tpu.memory_space<hbm>>
      tpu.wait_indirect_dma semaphore(%arg17 : memref<!tpu.dma_semaphore, #tpu.memory_space<semaphore_mem>>) src(%dma_wait3A_162 : memref<10000x128xf32, #tpu.memory_space<hbm>>) dst(%arg16 : memref<125x128xf32, #tpu.memory_space<vmem>>)
      "tpu.region"() ({
        %run_scoped3A_189 = tpu.sem_alloc : memref<!tpu.dma_semaphore, #tpu.memory_space<semaphore_mem>>
        %dma_start3A_190 = arith.constant 0 : i32
        %dma_start3A_191 = tpu.memref_slice %arg14[%add3A_156, %dma_start3A_190] : memref<40x125xi32, #tpu.memory_space<vmem>> -> memref<1x125xi32, #tpu.memory_space<vmem>>
        %dma_start3A_192 = tpu.memref_squeeze %dma_start3A_191 : memref<1x125xi32, #tpu.memory_space<vmem>> -> memref<125xi32, #tpu.memory_space<vmem>>
        %dma_start3A_193 = arith.constant 0 : i32
        %dma_start3A_194 = arith.constant 0 : i32
        %dma_start3A_195 = tpu.memref_slice %arg13[%dma_start3A_193, %dma_start3A_194] : memref<10240x128xf32, #tpu.memory_space<vmem_shared>> -> memref<10240x128xf32, #tpu.memory_space<vmem_shared>>
        tpu.enqueue_indirect_dma source(%arg16 : memref<125x128xf32, #tpu.memory_space<vmem>>) target(%dma_start3A_195 : memref<10240x128xf32, #tpu.memory_space<vmem_shared>>) offsets(%dma_start3A_192 : memref<125xi32, #tpu.memory_space<vmem>>) semaphore(%run_scoped3A_189 : memref<!tpu.dma_semaphore, #tpu.memory_space<semaphore_mem>>) {add = true}
        %dma_wait3A_196 = arith.constant 0 : i32
        %dma_wait3A_197 = tpu.memref_slice %arg14[%add3A_156, %dma_wait3A_196] : memref<40x125xi32, #tpu.memory_space<vmem>> -> memref<1x125xi32, #tpu.memory_space<vmem>>
        %dma_wait3A_198 = tpu.memref_squeeze %dma_wait3A_197 : memref<1x125xi32, #tpu.memory_space<vmem>> -> memref<125xi32, #tpu.memory_space<vmem>>
        %dma_wait3A_199 = arith.constant 0 : i32
        %dma_wait3A_200 = arith.constant 0 : i32
        %dma_wait3A_201 = tpu.memref_slice %arg13[%dma_wait3A_199, %dma_wait3A_200] : memref<10240x128xf32, #tpu.memory_space<vmem_shared>> -> memref<10240x128xf32, #tpu.memory_space<vmem_shared>>
        tpu.wait_indirect_dma semaphore(%run_scoped3A_189 : memref<!tpu.dma_semaphore, #tpu.memory_space<semaphore_mem>>) src(%arg16 : memref<125x128xf32, #tpu.memory_space<vmem>>) dst(%dma_wait3A_201 : memref<10240x128xf32, #tpu.memory_space<vmem_shared>>)
        tpu.yield
      }) : () -> ()
      %add3A_163 = arith.constant 2 : i32
      %add3A_164 = arith.addi %add3A_156, %add3A_163 : i32
      %dma_start3A_165 = arith.constant 0 : i32
      %dma_start3A_166 = tpu.memref_slice %arg21[%add3A_164, %dma_start3A_165] : memref<40x125xi32, #tpu.memory_space<vmem>> -> memref<1x125xi32, #tpu.memory_space<vmem>>
      %dma_start3A_167 = tpu.memref_squeeze %dma_start3A_166 : memref<1x125xi32, #tpu.memory_space<vmem>> -> memref<125xi32, #tpu.memory_space<vmem>>
      %dma_start3A_168 = arith.constant 0 : i32
      %dma_start3A_169 = arith.constant 0 : i32
      %dma_start3A_170 = tpu.memref_slice %arg3[%dma_start3A_168, %dma_start3A_169] : memref<10000x128xf32, #tpu.memory_space<hbm>> -> memref<10000x128xf32, #tpu.memory_space<hbm>>
      tpu.enqueue_indirect_dma source(%dma_start3A_170 : memref<10000x128xf32, #tpu.memory_space<hbm>>) target(%arg16 : memref<125x128xf32, #tpu.memory_space<vmem>>) offsets(%dma_start3A_167 : memref<125xi32, #tpu.memory_space<vmem>>) semaphore(%arg17 : memref<!tpu.dma_semaphore, #tpu.memory_space<semaphore_mem>>)
      %add3A_171 = arith.constant 1 : i32
      %add3A_172 = arith.addi %add3A_156, %add3A_171 : i32
      %dma_wait3A_173 = arith.constant 0 : i32
      %dma_wait3A_174 = tpu.memref_slice %arg21[%add3A_172, %dma_wait3A_173] : memref<40x125xi32, #tpu.memory_space<vmem>> -> memref<1x125xi32, #tpu.memory_space<vmem>>
      %dma_wait3A_175 = tpu.memref_squeeze %dma_wait3A_174 : memref<1x125xi32, #tpu.memory_space<vmem>> -> memref<125xi32, #tpu.memory_space<vmem>>
      %dma_wait3A_176 = arith.constant 0 : i32
      %dma_wait3A_177 = arith.constant 0 : i32
      %dma_wait3A_178 = tpu.memref_slice %arg3[%dma_wait3A_176, %dma_wait3A_177] : memref<10000x128xf32, #tpu.memory_space<hbm>> -> memref<10000x128xf32, #tpu.memory_space<hbm>>
      tpu.wait_indirect_dma semaphore(%arg18 : memref<!tpu.dma_semaphore, #tpu.memory_space<semaphore_mem>>) src(%dma_wait3A_178 : memref<10000x128xf32, #tpu.memory_space<hbm>>) dst(%arg15 : memref<125x128xf32, #tpu.memory_space<vmem>>)
      %add3A_179 = arith.constant 1 : i32
      %add3A_180 = arith.addi %add3A_156, %add3A_179 : i32
      "tpu.region"() ({
        %run_scoped3A_189 = tpu.sem_alloc : memref<!tpu.dma_semaphore, #tpu.memory_space<semaphore_mem>>
        %dma_start3A_190 = arith.constant 0 : i32
        %dma_start3A_191 = tpu.memref_slice %arg14[%add3A_180, %dma_start3A_190] : memref<40x125xi32, #tpu.memory_space<vmem>> -> memref<1x125xi32, #tpu.memory_space<vmem>>
        %dma_start3A_192 = tpu.memref_squeeze %dma_start3A_191 : memref<1x125xi32, #tpu.memory_space<vmem>> -> memref<125xi32, #tpu.memory_space<vmem>>
        %dma_start3A_193 = arith.constant 0 : i32
        %dma_start3A_194 = arith.constant 0 : i32
        %dma_start3A_195 = tpu.memref_slice %arg13[%dma_start3A_193, %dma_start3A_194] : memref<10240x128xf32, #tpu.memory_space<vmem_shared>> -> memref<10240x128xf32, #tpu.memory_space<vmem_shared>>
        tpu.enqueue_indirect_dma source(%arg15 : memref<125x128xf32, #tpu.memory_space<vmem>>) target(%dma_start3A_195 : memref<10240x128xf32, #tpu.memory_space<vmem_shared>>) offsets(%dma_start3A_192 : memref<125xi32, #tpu.memory_space<vmem>>) semaphore(%run_scoped3A_189 : memref<!tpu.dma_semaphore, #tpu.memory_space<semaphore_mem>>) {add = true}
        %dma_wait3A_196 = arith.constant 0 : i32
        %dma_wait3A_197 = tpu.memref_slice %arg14[%add3A_180, %dma_wait3A_196] : memref<40x125xi32, #tpu.memory_space<vmem>> -> memref<1x125xi32, #tpu.memory_space<vmem>>
        %dma_wait3A_198 = tpu.memref_squeeze %dma_wait3A_197 : memref<1x125xi32, #tpu.memory_space<vmem>> -> memref<125xi32, #tpu.memory_space<vmem>>
        %dma_wait3A_199 = arith.constant 0 : i32
        %dma_wait3A_200 = arith.constant 0 : i32
        %dma_wait3A_201 = tpu.memref_slice %arg13[%dma_wait3A_199, %dma_wait3A_200] : memref<10240x128xf32, #tpu.memory_space<vmem_shared>> -> memref<10240x128xf32, #tpu.memory_space<vmem_shared>>
        tpu.wait_indirect_dma semaphore(%run_scoped3A_189 : memref<!tpu.dma_semaphore, #tpu.memory_space<semaphore_mem>>) src(%arg15 : memref<125x128xf32, #tpu.memory_space<vmem>>) dst(%dma_wait3A_201 : memref<10240x128xf32, #tpu.memory_space<vmem_shared>>)
        tpu.yield
      }) : () -> ()
      %add3A_181 = arith.constant 3 : i32
      %add3A_182 = arith.addi %add3A_156, %add3A_181 : i32
      %dma_start3A_183 = arith.constant 0 : i32
      %dma_start3A_184 = tpu.memref_slice %arg21[%add3A_182, %dma_start3A_183] : memref<40x125xi32, #tpu.memory_space<vmem>> -> memref<1x125xi32, #tpu.memory_space<vmem>>
      %dma_start3A_185 = tpu.memref_squeeze %dma_start3A_184 : memref<1x125xi32, #tpu.memory_space<vmem>> -> memref<125xi32, #tpu.memory_space<vmem>>
      %dma_start3A_186 = arith.constant 0 : i32
      %dma_start3A_187 = arith.constant 0 : i32
      %dma_start3A_188 = tpu.memref_slice %arg3[%dma_start3A_186, %dma_start3A_187] : memref<10000x128xf32, #tpu.memory_space<hbm>> -> memref<10000x128xf32, #tpu.memory_space<hbm>>
      tpu.enqueue_indirect_dma source(%dma_start3A_188 : memref<10000x128xf32, #tpu.memory_space<hbm>>) target(%arg15 : memref<125x128xf32, #tpu.memory_space<vmem>>) offsets(%dma_start3A_185 : memref<125xi32, #tpu.memory_space<vmem>>) semaphore(%arg18 : memref<!tpu.dma_semaphore, #tpu.memory_space<semaphore_mem>>)
    }
    %scan3A_59 = arith.constant 19 : i32
    %dma_wait3A_60 = arith.constant 38 : i32
    %dma_wait3A_61 = arith.constant 0 : i32
    %dma_wait3A_62 = tpu.memref_slice %arg21[%dma_wait3A_60, %dma_wait3A_61] : memref<40x125xi32, #tpu.memory_space<vmem>> -> memref<1x125xi32, #tpu.memory_space<vmem>>
    %dma_wait3A_63 = tpu.memref_squeeze %dma_wait3A_62 : memref<1x125xi32, #tpu.memory_space<vmem>> -> memref<125xi32, #tpu.memory_space<vmem>>
    %dma_wait3A_64 = arith.constant 0 : i32
    %dma_wait3A_65 = arith.constant 0 : i32
    %dma_wait3A_66 = tpu.memref_slice %arg3[%dma_wait3A_64, %dma_wait3A_65] : memref<10000x128xf32, #tpu.memory_space<hbm>> -> memref<10000x128xf32, #tpu.memory_space<hbm>>
    tpu.wait_indirect_dma semaphore(%arg17 : memref<!tpu.dma_semaphore, #tpu.memory_space<semaphore_mem>>) src(%dma_wait3A_66 : memref<10000x128xf32, #tpu.memory_space<hbm>>) dst(%arg16 : memref<125x128xf32, #tpu.memory_space<vmem>>)
    %run_scoped3A_67 = arith.constant 38 : i32
    "tpu.region"() ({
      %run_scoped3A_152 = tpu.sem_alloc : memref<!tpu.dma_semaphore, #tpu.memory_space<semaphore_mem>>
      %dma_start3A_153 = arith.constant 0 : i32
      %dma_start3A_154 = tpu.memref_slice %arg14[%run_scoped3A_67, %dma_start3A_153] : memref<40x125xi32, #tpu.memory_space<vmem>> -> memref<1x125xi32, #tpu.memory_space<vmem>>
      %dma_start3A_155 = tpu.memref_squeeze %dma_start3A_154 : memref<1x125xi32, #tpu.memory_space<vmem>> -> memref<125xi32, #tpu.memory_space<vmem>>
      %dma_start3A_156 = arith.constant 0 : i32
      %dma_start3A_157 = arith.constant 0 : i32
      %dma_start3A_158 = tpu.memref_slice %arg13[%dma_start3A_156, %dma_start3A_157] : memref<10240x128xf32, #tpu.memory_space<vmem_shared>> -> memref<10240x128xf32, #tpu.memory_space<vmem_shared>>
      tpu.enqueue_indirect_dma source(%arg16 : memref<125x128xf32, #tpu.memory_space<vmem>>) target(%dma_start3A_158 : memref<10240x128xf32, #tpu.memory_space<vmem_shared>>) offsets(%dma_start3A_155 : memref<125xi32, #tpu.memory_space<vmem>>) semaphore(%run_scoped3A_152 : memref<!tpu.dma_semaphore, #tpu.memory_space<semaphore_mem>>) {add = true}
      %dma_wait3A_159 = arith.constant 0 : i32
      %dma_wait3A_160 = tpu.memref_slice %arg14[%run_scoped3A_67, %dma_wait3A_159] : memref<40x125xi32, #tpu.memory_space<vmem>> -> memref<1x125xi32, #tpu.memory_space<vmem>>
      %dma_wait3A_161 = tpu.memref_squeeze %dma_wait3A_160 : memref<1x125xi32, #tpu.memory_space<vmem>> -> memref<125xi32, #tpu.memory_space<vmem>>
      %dma_wait3A_162 = arith.constant 0 : i32
      %dma_wait3A_163 = arith.constant 0 : i32
      %dma_wait3A_164 = tpu.memref_slice %arg13[%dma_wait3A_162, %dma_wait3A_163] : memref<10240x128xf32, #tpu.memory_space<vmem_shared>> -> memref<10240x128xf32, #tpu.memory_space<vmem_shared>>
      tpu.wait_indirect_dma semaphore(%run_scoped3A_152 : memref<!tpu.dma_semaphore, #tpu.memory_space<semaphore_mem>>) src(%arg16 : memref<125x128xf32, #tpu.memory_space<vmem>>) dst(%dma_wait3A_164 : memref<10240x128xf32, #tpu.memory_space<vmem_shared>>)
      tpu.yield
    }) : () -> ()
    %dma_wait3A_68 = arith.constant 39 : i32
    %dma_wait3A_69 = arith.constant 0 : i32
    %dma_wait3A_70 = tpu.memref_slice %arg21[%dma_wait3A_68, %dma_wait3A_69] : memref<40x125xi32, #tpu.memory_space<vmem>> -> memref<1x125xi32, #tpu.memory_space<vmem>>
    %dma_wait3A_71 = tpu.memref_squeeze %dma_wait3A_70 : memref<1x125xi32, #tpu.memory_space<vmem>> -> memref<125xi32, #tpu.memory_space<vmem>>
    %dma_wait3A_72 = arith.constant 0 : i32
    %dma_wait3A_73 = arith.constant 0 : i32
    %dma_wait3A_74 = tpu.memref_slice %arg3[%dma_wait3A_72, %dma_wait3A_73] : memref<10000x128xf32, #tpu.memory_space<hbm>> -> memref<10000x128xf32, #tpu.memory_space<hbm>>
    tpu.wait_indirect_dma semaphore(%arg18 : memref<!tpu.dma_semaphore, #tpu.memory_space<semaphore_mem>>) src(%dma_wait3A_74 : memref<10000x128xf32, #tpu.memory_space<hbm>>) dst(%arg15 : memref<125x128xf32, #tpu.memory_space<vmem>>)
    %run_scoped3A_75 = arith.constant 39 : i32
    "tpu.region"() ({
      %run_scoped3A_152 = tpu.sem_alloc : memref<!tpu.dma_semaphore, #tpu.memory_space<semaphore_mem>>
      %dma_start3A_153 = arith.constant 0 : i32
      %dma_start3A_154 = tpu.memref_slice %arg14[%run_scoped3A_75, %dma_start3A_153] : memref<40x125xi32, #tpu.memory_space<vmem>> -> memref<1x125xi32, #tpu.memory_space<vmem>>
      %dma_start3A_155 = tpu.memref_squeeze %dma_start3A_154 : memref<1x125xi32, #tpu.memory_space<vmem>> -> memref<125xi32, #tpu.memory_space<vmem>>
      %dma_start3A_156 = arith.constant 0 : i32
      %dma_start3A_157 = arith.constant 0 : i32
      %dma_start3A_158 = tpu.memref_slice %arg13[%dma_start3A_156, %dma_start3A_157] : memref<10240x128xf32, #tpu.memory_space<vmem_shared>> -> memref<10240x128xf32, #tpu.memory_space<vmem_shared>>
      tpu.enqueue_indirect_dma source(%arg15 : memref<125x128xf32, #tpu.memory_space<vmem>>) target(%dma_start3A_158 : memref<10240x128xf32, #tpu.memory_space<vmem_shared>>) offsets(%dma_start3A_155 : memref<125xi32, #tpu.memory_space<vmem>>) semaphore(%run_scoped3A_152 : memref<!tpu.dma_semaphore, #tpu.memory_space<semaphore_mem>>) {add = true}
      %dma_wait3A_159 = arith.constant 0 : i32
      %dma_wait3A_160 = tpu.memref_slice %arg14[%run_scoped3A_75, %dma_wait3A_159] : memref<40x125xi32, #tpu.memory_space<vmem>> -> memref<1x125xi32, #tpu.memory_space<vmem>>
      %dma_wait3A_161 = tpu.memref_squeeze %dma_wait3A_160 : memref<1x125xi32, #tpu.memory_space<vmem>> -> memref<125xi32, #tpu.memory_space<vmem>>
      %dma_wait3A_162 = arith.constant 0 : i32
      %dma_wait3A_163 = arith.constant 0 : i32
      %dma_wait3A_164 = tpu.memref_slice %arg13[%dma_wait3A_162, %dma_wait3A_163] : memref<10240x128xf32, #tpu.memory_space<vmem_shared>> -> memref<10240x128xf32, #tpu.memory_space<vmem_shared>>
      tpu.wait_indirect_dma semaphore(%run_scoped3A_152 : memref<!tpu.dma_semaphore, #tpu.memory_space<semaphore_mem>>) src(%arg15 : memref<125x128xf32, #tpu.memory_space<vmem>>) dst(%dma_wait3A_164 : memref<10240x128xf32, #tpu.memory_space<vmem_shared>>)
      tpu.yield
    }) : () -> ()
    %barrier3A_76 = arith.constant 0 : index
    tpu.barrier barrier_id(%barrier3A_76)
    "tpu.region"() ({
      %run_scoped3A_152 = tpu.sem_alloc : memref<!tpu.dma_semaphore, #tpu.memory_space<semaphore_mem>>
      %dma_start3A_153 = arith.constant 0 : i32
      %dma_start3A_154 = tpu.memref_slice %arg10[%add3A_5, %dma_start3A_153] : memref<20480x128xf32, #tpu.memory_space<hbm>> -> memref<640x128xf32, #tpu.memory_space<hbm>>
      %dma_start3A_155 = arith.constant 0 : i32
      %dma_start3A_156 = tpu.memref_slice %arg13[%mul3A_2, %dma_start3A_155] : memref<10240x128xf32, #tpu.memory_space<vmem_shared>> -> memref<640x128xf32, #tpu.memory_space<vmem_shared>>
      tpu.enqueue_dma source(%dma_start3A_156 : memref<640x128xf32, #tpu.memory_space<vmem_shared>>) target(%dma_start3A_154 : memref<640x128xf32, #tpu.memory_space<hbm>>) target_semaphore(%run_scoped3A_152 : memref<!tpu.dma_semaphore, #tpu.memory_space<semaphore_mem>>)
      %dma_wait3A_157 = arith.constant 0 : i32
      %dma_wait3A_158 = tpu.memref_slice %arg10[%add3A_5, %dma_wait3A_157] : memref<20480x128xf32, #tpu.memory_space<hbm>> -> memref<640x128xf32, #tpu.memory_space<hbm>>
      %dma_wait3A_159 = arith.constant 0 : i32
      %dma_wait3A_160 = tpu.memref_slice %arg13[%mul3A_2, %dma_wait3A_159] : memref<10240x128xf32, #tpu.memory_space<vmem_shared>> -> memref<640x128xf32, #tpu.memory_space<vmem_shared>>
      tpu.wait_dma2 semaphore(%run_scoped3A_152 : memref<!tpu.dma_semaphore, #tpu.memory_space<semaphore_mem>>) src(%dma_wait3A_160 : memref<640x128xf32, #tpu.memory_space<vmem_shared>>) dst(%dma_wait3A_158 : memref<640x128xf32, #tpu.memory_space<hbm>>)
      tpu.yield
    }) : () -> ()
    "tpu.region"() ({
      %run_scoped3A_152 = tpu.sem_alloc : memref<!tpu.dma_semaphore, #tpu.memory_space<semaphore_mem>>
      %dma_start3A_153 = arith.constant 0 : i32
      %dma_start3A_154 = tpu.memref_slice %arg13[%mul3A_2, %dma_start3A_153] : memref<10240x128xf32, #tpu.memory_space<vmem_shared>> -> memref<640x128xf32, #tpu.memory_space<vmem_shared>>
      tpu.enqueue_dma source(%arg7 : memref<640x128xf32, #tpu.memory_space<hbm>>) target(%dma_start3A_154 : memref<640x128xf32, #tpu.memory_space<vmem_shared>>) target_semaphore(%run_scoped3A_152 : memref<!tpu.dma_semaphore, #tpu.memory_space<semaphore_mem>>)
      %dma_wait3A_155 = arith.constant 0 : i32
      %dma_wait3A_156 = tpu.memref_slice %arg13[%mul3A_2, %dma_wait3A_155] : memref<10240x128xf32, #tpu.memory_space<vmem_shared>> -> memref<640x128xf32, #tpu.memory_space<vmem_shared>>
      tpu.wait_dma2 semaphore(%run_scoped3A_152 : memref<!tpu.dma_semaphore, #tpu.memory_space<semaphore_mem>>) src(%arg7 : memref<640x128xf32, #tpu.memory_space<hbm>>) dst(%dma_wait3A_156 : memref<640x128xf32, #tpu.memory_space<vmem_shared>>)
      tpu.yield
    }) : () -> ()
    %barrier3A_77 = arith.constant 0 : index
    tpu.barrier barrier_id(%barrier3A_77)
    %dma_start3A_78 = arith.constant 0 : i32
    %dma_start3A_79 = arith.constant 0 : i32
    %dma_start3A_80 = tpu.memref_slice %arg21[%dma_start3A_78, %dma_start3A_79] : memref<40x125xi32, #tpu.memory_space<vmem>> -> memref<1x125xi32, #tpu.memory_space<vmem>>
    %dma_start3A_81 = tpu.memref_squeeze %dma_start3A_80 : memref<1x125xi32, #tpu.memory_space<vmem>> -> memref<125xi32, #tpu.memory_space<vmem>>
    %dma_start3A_82 = arith.constant 0 : i32
    %dma_start3A_83 = arith.constant 0 : i32
    %dma_start3A_84 = tpu.memref_slice %arg4[%dma_start3A_82, %dma_start3A_83] : memref<10000x128xf32, #tpu.memory_space<hbm>> -> memref<10000x128xf32, #tpu.memory_space<hbm>>
    tpu.enqueue_indirect_dma source(%dma_start3A_84 : memref<10000x128xf32, #tpu.memory_space<hbm>>) target(%arg16 : memref<125x128xf32, #tpu.memory_space<vmem>>) offsets(%dma_start3A_81 : memref<125xi32, #tpu.memory_space<vmem>>) semaphore(%arg17 : memref<!tpu.dma_semaphore, #tpu.memory_space<semaphore_mem>>)
    %dma_start3A_85 = arith.constant 1 : i32
    %dma_start3A_86 = arith.constant 0 : i32
    %dma_start3A_87 = tpu.memref_slice %arg21[%dma_start3A_85, %dma_start3A_86] : memref<40x125xi32, #tpu.memory_space<vmem>> -> memref<1x125xi32, #tpu.memory_space<vmem>>
    %dma_start3A_88 = tpu.memref_squeeze %dma_start3A_87 : memref<1x125xi32, #tpu.memory_space<vmem>> -> memref<125xi32, #tpu.memory_space<vmem>>
    %dma_start3A_89 = arith.constant 0 : i32
    %dma_start3A_90 = arith.constant 0 : i32
    %dma_start3A_91 = tpu.memref_slice %arg4[%dma_start3A_89, %dma_start3A_90] : memref<10000x128xf32, #tpu.memory_space<hbm>> -> memref<10000x128xf32, #tpu.memory_space<hbm>>
    tpu.enqueue_indirect_dma source(%dma_start3A_91 : memref<10000x128xf32, #tpu.memory_space<hbm>>) target(%arg15 : memref<125x128xf32, #tpu.memory_space<vmem>>) offsets(%dma_start3A_88 : memref<125xi32, #tpu.memory_space<vmem>>) semaphore(%arg18 : memref<!tpu.dma_semaphore, #tpu.memory_space<semaphore_mem>>)
    %scan3A_92 = arith.constant 0 : i32
    %scan3A_93 = arith.constant 19 : i32
    %scan3A_94 = arith.addi %scan3A_92, %scan3A_93 : i32
    %scan3A_95 = arith.constant 1 : i32
    scf.for %scan3A_152 = %scan3A_92 to %scan3A_94 step %scan3A_95  : i32 {
      %mul3A_153 = arith.constant 2 : i32
      %mul3A_154 = arith.muli %scan3A_152, %mul3A_153 : i32
      %add3A_155 = arith.constant 0 : i32
      %add3A_156 = arith.addi %add3A_155, %mul3A_154 : i32
      %dma_wait3A_157 = arith.constant 0 : i32
      %dma_wait3A_158 = tpu.memref_slice %arg21[%add3A_156, %dma_wait3A_157] : memref<40x125xi32, #tpu.memory_space<vmem>> -> memref<1x125xi32, #tpu.memory_space<vmem>>
      %dma_wait3A_159 = tpu.memref_squeeze %dma_wait3A_158 : memref<1x125xi32, #tpu.memory_space<vmem>> -> memref<125xi32, #tpu.memory_space<vmem>>
      %dma_wait3A_160 = arith.constant 0 : i32
      %dma_wait3A_161 = arith.constant 0 : i32
      %dma_wait3A_162 = tpu.memref_slice %arg4[%dma_wait3A_160, %dma_wait3A_161] : memref<10000x128xf32, #tpu.memory_space<hbm>> -> memref<10000x128xf32, #tpu.memory_space<hbm>>
      tpu.wait_indirect_dma semaphore(%arg17 : memref<!tpu.dma_semaphore, #tpu.memory_space<semaphore_mem>>) src(%dma_wait3A_162 : memref<10000x128xf32, #tpu.memory_space<hbm>>) dst(%arg16 : memref<125x128xf32, #tpu.memory_space<vmem>>)
      "tpu.region"() ({
        %run_scoped3A_189 = tpu.sem_alloc : memref<!tpu.dma_semaphore, #tpu.memory_space<semaphore_mem>>
        %dma_start3A_190 = arith.constant 0 : i32
        %dma_start3A_191 = tpu.memref_slice %arg14[%add3A_156, %dma_start3A_190] : memref<40x125xi32, #tpu.memory_space<vmem>> -> memref<1x125xi32, #tpu.memory_space<vmem>>
        %dma_start3A_192 = tpu.memref_squeeze %dma_start3A_191 : memref<1x125xi32, #tpu.memory_space<vmem>> -> memref<125xi32, #tpu.memory_space<vmem>>
        %dma_start3A_193 = arith.constant 0 : i32
        %dma_start3A_194 = arith.constant 0 : i32
        %dma_start3A_195 = tpu.memref_slice %arg13[%dma_start3A_193, %dma_start3A_194] : memref<10240x128xf32, #tpu.memory_space<vmem_shared>> -> memref<10240x128xf32, #tpu.memory_space<vmem_shared>>
        tpu.enqueue_indirect_dma source(%arg16 : memref<125x128xf32, #tpu.memory_space<vmem>>) target(%dma_start3A_195 : memref<10240x128xf32, #tpu.memory_space<vmem_shared>>) offsets(%dma_start3A_192 : memref<125xi32, #tpu.memory_space<vmem>>) semaphore(%run_scoped3A_189 : memref<!tpu.dma_semaphore, #tpu.memory_space<semaphore_mem>>) {add = true}
        %dma_wait3A_196 = arith.constant 0 : i32
        %dma_wait3A_197 = tpu.memref_slice %arg14[%add3A_156, %dma_wait3A_196] : memref<40x125xi32, #tpu.memory_space<vmem>> -> memref<1x125xi32, #tpu.memory_space<vmem>>
        %dma_wait3A_198 = tpu.memref_squeeze %dma_wait3A_197 : memref<1x125xi32, #tpu.memory_space<vmem>> -> memref<125xi32, #tpu.memory_space<vmem>>
        %dma_wait3A_199 = arith.constant 0 : i32
        %dma_wait3A_200 = arith.constant 0 : i32
        %dma_wait3A_201 = tpu.memref_slice %arg13[%dma_wait3A_199, %dma_wait3A_200] : memref<10240x128xf32, #tpu.memory_space<vmem_shared>> -> memref<10240x128xf32, #tpu.memory_space<vmem_shared>>
        tpu.wait_indirect_dma semaphore(%run_scoped3A_189 : memref<!tpu.dma_semaphore, #tpu.memory_space<semaphore_mem>>) src(%arg16 : memref<125x128xf32, #tpu.memory_space<vmem>>) dst(%dma_wait3A_201 : memref<10240x128xf32, #tpu.memory_space<vmem_shared>>)
        tpu.yield
      }) : () -> ()
      %add3A_163 = arith.constant 2 : i32
      %add3A_164 = arith.addi %add3A_156, %add3A_163 : i32
      %dma_start3A_165 = arith.constant 0 : i32
      %dma_start3A_166 = tpu.memref_slice %arg21[%add3A_164, %dma_start3A_165] : memref<40x125xi32, #tpu.memory_space<vmem>> -> memref<1x125xi32, #tpu.memory_space<vmem>>
      %dma_start3A_167 = tpu.memref_squeeze %dma_start3A_166 : memref<1x125xi32, #tpu.memory_space<vmem>> -> memref<125xi32, #tpu.memory_space<vmem>>
      %dma_start3A_168 = arith.constant 0 : i32
      %dma_start3A_169 = arith.constant 0 : i32
      %dma_start3A_170 = tpu.memref_slice %arg4[%dma_start3A_168, %dma_start3A_169] : memref<10000x128xf32, #tpu.memory_space<hbm>> -> memref<10000x128xf32, #tpu.memory_space<hbm>>
      tpu.enqueue_indirect_dma source(%dma_start3A_170 : memref<10000x128xf32, #tpu.memory_space<hbm>>) target(%arg16 : memref<125x128xf32, #tpu.memory_space<vmem>>) offsets(%dma_start3A_167 : memref<125xi32, #tpu.memory_space<vmem>>) semaphore(%arg17 : memref<!tpu.dma_semaphore, #tpu.memory_space<semaphore_mem>>)
      %add3A_171 = arith.constant 1 : i32
      %add3A_172 = arith.addi %add3A_156, %add3A_171 : i32
      %dma_wait3A_173 = arith.constant 0 : i32
      %dma_wait3A_174 = tpu.memref_slice %arg21[%add3A_172, %dma_wait3A_173] : memref<40x125xi32, #tpu.memory_space<vmem>> -> memref<1x125xi32, #tpu.memory_space<vmem>>
      %dma_wait3A_175 = tpu.memref_squeeze %dma_wait3A_174 : memref<1x125xi32, #tpu.memory_space<vmem>> -> memref<125xi32, #tpu.memory_space<vmem>>
      %dma_wait3A_176 = arith.constant 0 : i32
      %dma_wait3A_177 = arith.constant 0 : i32
      %dma_wait3A_178 = tpu.memref_slice %arg4[%dma_wait3A_176, %dma_wait3A_177] : memref<10000x128xf32, #tpu.memory_space<hbm>> -> memref<10000x128xf32, #tpu.memory_space<hbm>>
      tpu.wait_indirect_dma semaphore(%arg18 : memref<!tpu.dma_semaphore, #tpu.memory_space<semaphore_mem>>) src(%dma_wait3A_178 : memref<10000x128xf32, #tpu.memory_space<hbm>>) dst(%arg15 : memref<125x128xf32, #tpu.memory_space<vmem>>)
      %add3A_179 = arith.constant 1 : i32
      %add3A_180 = arith.addi %add3A_156, %add3A_179 : i32
      "tpu.region"() ({
        %run_scoped3A_189 = tpu.sem_alloc : memref<!tpu.dma_semaphore, #tpu.memory_space<semaphore_mem>>
        %dma_start3A_190 = arith.constant 0 : i32
        %dma_start3A_191 = tpu.memref_slice %arg14[%add3A_180, %dma_start3A_190] : memref<40x125xi32, #tpu.memory_space<vmem>> -> memref<1x125xi32, #tpu.memory_space<vmem>>
        %dma_start3A_192 = tpu.memref_squeeze %dma_start3A_191 : memref<1x125xi32, #tpu.memory_space<vmem>> -> memref<125xi32, #tpu.memory_space<vmem>>
        %dma_start3A_193 = arith.constant 0 : i32
        %dma_start3A_194 = arith.constant 0 : i32
        %dma_start3A_195 = tpu.memref_slice %arg13[%dma_start3A_193, %dma_start3A_194] : memref<10240x128xf32, #tpu.memory_space<vmem_shared>> -> memref<10240x128xf32, #tpu.memory_space<vmem_shared>>
        tpu.enqueue_indirect_dma source(%arg15 : memref<125x128xf32, #tpu.memory_space<vmem>>) target(%dma_start3A_195 : memref<10240x128xf32, #tpu.memory_space<vmem_shared>>) offsets(%dma_start3A_192 : memref<125xi32, #tpu.memory_space<vmem>>) semaphore(%run_scoped3A_189 : memref<!tpu.dma_semaphore, #tpu.memory_space<semaphore_mem>>) {add = true}
        %dma_wait3A_196 = arith.constant 0 : i32
        %dma_wait3A_197 = tpu.memref_slice %arg14[%add3A_180, %dma_wait3A_196] : memref<40x125xi32, #tpu.memory_space<vmem>> -> memref<1x125xi32, #tpu.memory_space<vmem>>
        %dma_wait3A_198 = tpu.memref_squeeze %dma_wait3A_197 : memref<1x125xi32, #tpu.memory_space<vmem>> -> memref<125xi32, #tpu.memory_space<vmem>>
        %dma_wait3A_199 = arith.constant 0 : i32
        %dma_wait3A_200 = arith.constant 0 : i32
        %dma_wait3A_201 = tpu.memref_slice %arg13[%dma_wait3A_199, %dma_wait3A_200] : memref<10240x128xf32, #tpu.memory_space<vmem_shared>> -> memref<10240x128xf32, #tpu.memory_space<vmem_shared>>
        tpu.wait_indirect_dma semaphore(%run_scoped3A_189 : memref<!tpu.dma_semaphore, #tpu.memory_space<semaphore_mem>>) src(%arg15 : memref<125x128xf32, #tpu.memory_space<vmem>>) dst(%dma_wait3A_201 : memref<10240x128xf32, #tpu.memory_space<vmem_shared>>)
        tpu.yield
      }) : () -> ()
      %add3A_181 = arith.constant 3 : i32
      %add3A_182 = arith.addi %add3A_156, %add3A_181 : i32
      %dma_start3A_183 = arith.constant 0 : i32
      %dma_start3A_184 = tpu.memref_slice %arg21[%add3A_182, %dma_start3A_183] : memref<40x125xi32, #tpu.memory_space<vmem>> -> memref<1x125xi32, #tpu.memory_space<vmem>>
      %dma_start3A_185 = tpu.memref_squeeze %dma_start3A_184 : memref<1x125xi32, #tpu.memory_space<vmem>> -> memref<125xi32, #tpu.memory_space<vmem>>
      %dma_start3A_186 = arith.constant 0 : i32
      %dma_start3A_187 = arith.constant 0 : i32
      %dma_start3A_188 = tpu.memref_slice %arg4[%dma_start3A_186, %dma_start3A_187] : memref<10000x128xf32, #tpu.memory_space<hbm>> -> memref<10000x128xf32, #tpu.memory_space<hbm>>
      tpu.enqueue_indirect_dma source(%dma_start3A_188 : memref<10000x128xf32, #tpu.memory_space<hbm>>) target(%arg15 : memref<125x128xf32, #tpu.memory_space<vmem>>) offsets(%dma_start3A_185 : memref<125xi32, #tpu.memory_space<vmem>>) semaphore(%arg18 : memref<!tpu.dma_semaphore, #tpu.memory_space<semaphore_mem>>)
    }
    %scan3A_96 = arith.constant 19 : i32
    %dma_wait3A_97 = arith.constant 38 : i32
    %dma_wait3A_98 = arith.constant 0 : i32
    %dma_wait3A_99 = tpu.memref_slice %arg21[%dma_wait3A_97, %dma_wait3A_98] : memref<40x125xi32, #tpu.memory_space<vmem>> -> memref<1x125xi32, #tpu.memory_space<vmem>>
    %dma_wait3A_100 = tpu.memref_squeeze %dma_wait3A_99 : memref<1x125xi32, #tpu.memory_space<vmem>> -> memref<125xi32, #tpu.memory_space<vmem>>
    %dma_wait3A_101 = arith.constant 0 : i32
    %dma_wait3A_102 = arith.constant 0 : i32
    %dma_wait3A_103 = tpu.memref_slice %arg4[%dma_wait3A_101, %dma_wait3A_102] : memref<10000x128xf32, #tpu.memory_space<hbm>> -> memref<10000x128xf32, #tpu.memory_space<hbm>>
    tpu.wait_indirect_dma semaphore(%arg17 : memref<!tpu.dma_semaphore, #tpu.memory_space<semaphore_mem>>) src(%dma_wait3A_103 : memref<10000x128xf32, #tpu.memory_space<hbm>>) dst(%arg16 : memref<125x128xf32, #tpu.memory_space<vmem>>)
    %run_scoped3A_104 = arith.constant 38 : i32
    "tpu.region"() ({
      %run_scoped3A_152 = tpu.sem_alloc : memref<!tpu.dma_semaphore, #tpu.memory_space<semaphore_mem>>
      %dma_start3A_153 = arith.constant 0 : i32
      %dma_start3A_154 = tpu.memref_slice %arg14[%run_scoped3A_104, %dma_start3A_153] : memref<40x125xi32, #tpu.memory_space<vmem>> -> memref<1x125xi32, #tpu.memory_space<vmem>>
      %dma_start3A_155 = tpu.memref_squeeze %dma_start3A_154 : memref<1x125xi32, #tpu.memory_space<vmem>> -> memref<125xi32, #tpu.memory_space<vmem>>
      %dma_start3A_156 = arith.constant 0 : i32
      %dma_start3A_157 = arith.constant 0 : i32
      %dma_start3A_158 = tpu.memref_slice %arg13[%dma_start3A_156, %dma_start3A_157] : memref<10240x128xf32, #tpu.memory_space<vmem_shared>> -> memref<10240x128xf32, #tpu.memory_space<vmem_shared>>
      tpu.enqueue_indirect_dma source(%arg16 : memref<125x128xf32, #tpu.memory_space<vmem>>) target(%dma_start3A_158 : memref<10240x128xf32, #tpu.memory_space<vmem_shared>>) offsets(%dma_start3A_155 : memref<125xi32, #tpu.memory_space<vmem>>) semaphore(%run_scoped3A_152 : memref<!tpu.dma_semaphore, #tpu.memory_space<semaphore_mem>>) {add = true}
      %dma_wait3A_159 = arith.constant 0 : i32
      %dma_wait3A_160 = tpu.memref_slice %arg14[%run_scoped3A_104, %dma_wait3A_159] : memref<40x125xi32, #tpu.memory_space<vmem>> -> memref<1x125xi32, #tpu.memory_space<vmem>>
      %dma_wait3A_161 = tpu.memref_squeeze %dma_wait3A_160 : memref<1x125xi32, #tpu.memory_space<vmem>> -> memref<125xi32, #tpu.memory_space<vmem>>
      %dma_wait3A_162 = arith.constant 0 : i32
      %dma_wait3A_163 = arith.constant 0 : i32
      %dma_wait3A_164 = tpu.memref_slice %arg13[%dma_wait3A_162, %dma_wait3A_163] : memref<10240x128xf32, #tpu.memory_space<vmem_shared>> -> memref<10240x128xf32, #tpu.memory_space<vmem_shared>>
      tpu.wait_indirect_dma semaphore(%run_scoped3A_152 : memref<!tpu.dma_semaphore, #tpu.memory_space<semaphore_mem>>) src(%arg16 : memref<125x128xf32, #tpu.memory_space<vmem>>) dst(%dma_wait3A_164 : memref<10240x128xf32, #tpu.memory_space<vmem_shared>>)
      tpu.yield
    }) : () -> ()
    %dma_wait3A_105 = arith.constant 39 : i32
    %dma_wait3A_106 = arith.constant 0 : i32
    %dma_wait3A_107 = tpu.memref_slice %arg21[%dma_wait3A_105, %dma_wait3A_106] : memref<40x125xi32, #tpu.memory_space<vmem>> -> memref<1x125xi32, #tpu.memory_space<vmem>>
    %dma_wait3A_108 = tpu.memref_squeeze %dma_wait3A_107 : memref<1x125xi32, #tpu.memory_space<vmem>> -> memref<125xi32, #tpu.memory_space<vmem>>
    %dma_wait3A_109 = arith.constant 0 : i32
    %dma_wait3A_110 = arith.constant 0 : i32
    %dma_wait3A_111 = tpu.memref_slice %arg4[%dma_wait3A_109, %dma_wait3A_110] : memref<10000x128xf32, #tpu.memory_space<hbm>> -> memref<10000x128xf32, #tpu.memory_space<hbm>>
    tpu.wait_indirect_dma semaphore(%arg18 : memref<!tpu.dma_semaphore, #tpu.memory_space<semaphore_mem>>) src(%dma_wait3A_111 : memref<10000x128xf32, #tpu.memory_space<hbm>>) dst(%arg15 : memref<125x128xf32, #tpu.memory_space<vmem>>)
    %run_scoped3A_112 = arith.constant 39 : i32
    "tpu.region"() ({
      %run_scoped3A_152 = tpu.sem_alloc : memref<!tpu.dma_semaphore, #tpu.memory_space<semaphore_mem>>
      %dma_start3A_153 = arith.constant 0 : i32
      %dma_start3A_154 = tpu.memref_slice %arg14[%run_scoped3A_112, %dma_start3A_153] : memref<40x125xi32, #tpu.memory_space<vmem>> -> memref<1x125xi32, #tpu.memory_space<vmem>>
      %dma_start3A_155 = tpu.memref_squeeze %dma_start3A_154 : memref<1x125xi32, #tpu.memory_space<vmem>> -> memref<125xi32, #tpu.memory_space<vmem>>
      %dma_start3A_156 = arith.constant 0 : i32
      %dma_start3A_157 = arith.constant 0 : i32
      %dma_start3A_158 = tpu.memref_slice %arg13[%dma_start3A_156, %dma_start3A_157] : memref<10240x128xf32, #tpu.memory_space<vmem_shared>> -> memref<10240x128xf32, #tpu.memory_space<vmem_shared>>
      tpu.enqueue_indirect_dma source(%arg15 : memref<125x128xf32, #tpu.memory_space<vmem>>) target(%dma_start3A_158 : memref<10240x128xf32, #tpu.memory_space<vmem_shared>>) offsets(%dma_start3A_155 : memref<125xi32, #tpu.memory_space<vmem>>) semaphore(%run_scoped3A_152 : memref<!tpu.dma_semaphore, #tpu.memory_space<semaphore_mem>>) {add = true}
      %dma_wait3A_159 = arith.constant 0 : i32
      %dma_wait3A_160 = tpu.memref_slice %arg14[%run_scoped3A_112, %dma_wait3A_159] : memref<40x125xi32, #tpu.memory_space<vmem>> -> memref<1x125xi32, #tpu.memory_space<vmem>>
      %dma_wait3A_161 = tpu.memref_squeeze %dma_wait3A_160 : memref<1x125xi32, #tpu.memory_space<vmem>> -> memref<125xi32, #tpu.memory_space<vmem>>
      %dma_wait3A_162 = arith.constant 0 : i32
      %dma_wait3A_163 = arith.constant 0 : i32
      %dma_wait3A_164 = tpu.memref_slice %arg13[%dma_wait3A_162, %dma_wait3A_163] : memref<10240x128xf32, #tpu.memory_space<vmem_shared>> -> memref<10240x128xf32, #tpu.memory_space<vmem_shared>>
      tpu.wait_indirect_dma semaphore(%run_scoped3A_152 : memref<!tpu.dma_semaphore, #tpu.memory_space<semaphore_mem>>) src(%arg15 : memref<125x128xf32, #tpu.memory_space<vmem>>) dst(%dma_wait3A_164 : memref<10240x128xf32, #tpu.memory_space<vmem_shared>>)
      tpu.yield
    }) : () -> ()
    %barrier3A_113 = arith.constant 0 : index
    tpu.barrier barrier_id(%barrier3A_113)
    "tpu.region"() ({
      %run_scoped3A_152 = tpu.sem_alloc : memref<!tpu.dma_semaphore, #tpu.memory_space<semaphore_mem>>
      %dma_start3A_153 = arith.constant 0 : i32
      %dma_start3A_154 = tpu.memref_slice %arg11[%add3A_5, %dma_start3A_153] : memref<20480x128xf32, #tpu.memory_space<hbm>> -> memref<640x128xf32, #tpu.memory_space<hbm>>
      %dma_start3A_155 = arith.constant 0 : i32
      %dma_start3A_156 = tpu.memref_slice %arg13[%mul3A_2, %dma_start3A_155] : memref<10240x128xf32, #tpu.memory_space<vmem_shared>> -> memref<640x128xf32, #tpu.memory_space<vmem_shared>>
      tpu.enqueue_dma source(%dma_start3A_156 : memref<640x128xf32, #tpu.memory_space<vmem_shared>>) target(%dma_start3A_154 : memref<640x128xf32, #tpu.memory_space<hbm>>) target_semaphore(%run_scoped3A_152 : memref<!tpu.dma_semaphore, #tpu.memory_space<semaphore_mem>>)
      %dma_wait3A_157 = arith.constant 0 : i32
      %dma_wait3A_158 = tpu.memref_slice %arg11[%add3A_5, %dma_wait3A_157] : memref<20480x128xf32, #tpu.memory_space<hbm>> -> memref<640x128xf32, #tpu.memory_space<hbm>>
      %dma_wait3A_159 = arith.constant 0 : i32
      %dma_wait3A_160 = tpu.memref_slice %arg13[%mul3A_2, %dma_wait3A_159] : memref<10240x128xf32, #tpu.memory_space<vmem_shared>> -> memref<640x128xf32, #tpu.memory_space<vmem_shared>>
      tpu.wait_dma2 semaphore(%run_scoped3A_152 : memref<!tpu.dma_semaphore, #tpu.memory_space<semaphore_mem>>) src(%dma_wait3A_160 : memref<640x128xf32, #tpu.memory_space<vmem_shared>>) dst(%dma_wait3A_158 : memref<640x128xf32, #tpu.memory_space<hbm>>)
      tpu.yield
    }) : () -> ()
    "tpu.region"() ({
      %run_scoped3A_152 = tpu.sem_alloc : memref<!tpu.dma_semaphore, #tpu.memory_space<semaphore_mem>>
      %dma_start3A_153 = arith.constant 0 : i32
      %dma_start3A_154 = tpu.memref_slice %arg13[%mul3A_2, %dma_start3A_153] : memref<10240x128xf32, #tpu.memory_space<vmem_shared>> -> memref<640x128xf32, #tpu.memory_space<vmem_shared>>
      tpu.enqueue_dma source(%arg7 : memref<640x128xf32, #tpu.memory_space<hbm>>) target(%dma_start3A_154 : memref<640x128xf32, #tpu.memory_space<vmem_shared>>) target_semaphore(%run_scoped3A_152 : memref<!tpu.dma_semaphore, #tpu.memory_space<semaphore_mem>>)
      %dma_wait3A_155 = arith.constant 0 : i32
      %dma_wait3A_156 = tpu.memref_slice %arg13[%mul3A_2, %dma_wait3A_155] : memref<10240x128xf32, #tpu.memory_space<vmem_shared>> -> memref<640x128xf32, #tpu.memory_space<vmem_shared>>
      tpu.wait_dma2 semaphore(%run_scoped3A_152 : memref<!tpu.dma_semaphore, #tpu.memory_space<semaphore_mem>>) src(%arg7 : memref<640x128xf32, #tpu.memory_space<hbm>>) dst(%dma_wait3A_156 : memref<640x128xf32, #tpu.memory_space<vmem_shared>>)
      tpu.yield
    }) : () -> ()
    %barrier3A_114 = arith.constant 0 : index
    tpu.barrier barrier_id(%barrier3A_114)
    %dma_start3A_115 = arith.constant 0 : i32
    %dma_start3A_116 = arith.constant 0 : i32
    %dma_start3A_117 = tpu.memref_slice %arg21[%dma_start3A_115, %dma_start3A_116] : memref<40x125xi32, #tpu.memory_space<vmem>> -> memref<1x125xi32, #tpu.memory_space<vmem>>
    %dma_start3A_118 = tpu.memref_squeeze %dma_start3A_117 : memref<1x125xi32, #tpu.memory_space<vmem>> -> memref<125xi32, #tpu.memory_space<vmem>>
    %dma_start3A_119 = arith.constant 0 : i32
    %dma_start3A_120 = arith.constant 0 : i32
    %dma_start3A_121 = tpu.memref_slice %arg5[%dma_start3A_119, %dma_start3A_120] : memref<10000x128xf32, #tpu.memory_space<hbm>> -> memref<10000x128xf32, #tpu.memory_space<hbm>>
    tpu.enqueue_indirect_dma source(%dma_start3A_121 : memref<10000x128xf32, #tpu.memory_space<hbm>>) target(%arg16 : memref<125x128xf32, #tpu.memory_space<vmem>>) offsets(%dma_start3A_118 : memref<125xi32, #tpu.memory_space<vmem>>) semaphore(%arg17 : memref<!tpu.dma_semaphore, #tpu.memory_space<semaphore_mem>>)
    %dma_start3A_122 = arith.constant 1 : i32
    %dma_start3A_123 = arith.constant 0 : i32
    %dma_start3A_124 = tpu.memref_slice %arg21[%dma_start3A_122, %dma_start3A_123] : memref<40x125xi32, #tpu.memory_space<vmem>> -> memref<1x125xi32, #tpu.memory_space<vmem>>
    %dma_start3A_125 = tpu.memref_squeeze %dma_start3A_124 : memref<1x125xi32, #tpu.memory_space<vmem>> -> memref<125xi32, #tpu.memory_space<vmem>>
    %dma_start3A_126 = arith.constant 0 : i32
    %dma_start3A_127 = arith.constant 0 : i32
    %dma_start3A_128 = tpu.memref_slice %arg5[%dma_start3A_126, %dma_start3A_127] : memref<10000x128xf32, #tpu.memory_space<hbm>> -> memref<10000x128xf32, #tpu.memory_space<hbm>>
    tpu.enqueue_indirect_dma source(%dma_start3A_128 : memref<10000x128xf32, #tpu.memory_space<hbm>>) target(%arg15 : memref<125x128xf32, #tpu.memory_space<vmem>>) offsets(%dma_start3A_125 : memref<125xi32, #tpu.memory_space<vmem>>) semaphore(%arg18 : memref<!tpu.dma_semaphore, #tpu.memory_space<semaphore_mem>>)
    %scan3A_129 = arith.constant 0 : i32
    %scan3A_130 = arith.constant 19 : i32
    %scan3A_131 = arith.addi %scan3A_129, %scan3A_130 : i32
    %scan3A_132 = arith.constant 1 : i32
    scf.for %scan3A_152 = %scan3A_129 to %scan3A_131 step %scan3A_132  : i32 {
      %mul3A_153 = arith.constant 2 : i32
      %mul3A_154 = arith.muli %scan3A_152, %mul3A_153 : i32
      %add3A_155 = arith.constant 0 : i32
      %add3A_156 = arith.addi %add3A_155, %mul3A_154 : i32
      %dma_wait3A_157 = arith.constant 0 : i32
      %dma_wait3A_158 = tpu.memref_slice %arg21[%add3A_156, %dma_wait3A_157] : memref<40x125xi32, #tpu.memory_space<vmem>> -> memref<1x125xi32, #tpu.memory_space<vmem>>
      %dma_wait3A_159 = tpu.memref_squeeze %dma_wait3A_158 : memref<1x125xi32, #tpu.memory_space<vmem>> -> memref<125xi32, #tpu.memory_space<vmem>>
      %dma_wait3A_160 = arith.constant 0 : i32
      %dma_wait3A_161 = arith.constant 0 : i32
      %dma_wait3A_162 = tpu.memref_slice %arg5[%dma_wait3A_160, %dma_wait3A_161] : memref<10000x128xf32, #tpu.memory_space<hbm>> -> memref<10000x128xf32, #tpu.memory_space<hbm>>
      tpu.wait_indirect_dma semaphore(%arg17 : memref<!tpu.dma_semaphore, #tpu.memory_space<semaphore_mem>>) src(%dma_wait3A_162 : memref<10000x128xf32, #tpu.memory_space<hbm>>) dst(%arg16 : memref<125x128xf32, #tpu.memory_space<vmem>>)
      "tpu.region"() ({
        %run_scoped3A_189 = tpu.sem_alloc : memref<!tpu.dma_semaphore, #tpu.memory_space<semaphore_mem>>
        %dma_start3A_190 = arith.constant 0 : i32
        %dma_start3A_191 = tpu.memref_slice %arg14[%add3A_156, %dma_start3A_190] : memref<40x125xi32, #tpu.memory_space<vmem>> -> memref<1x125xi32, #tpu.memory_space<vmem>>
        %dma_start3A_192 = tpu.memref_squeeze %dma_start3A_191 : memref<1x125xi32, #tpu.memory_space<vmem>> -> memref<125xi32, #tpu.memory_space<vmem>>
        %dma_start3A_193 = arith.constant 0 : i32
        %dma_start3A_194 = arith.constant 0 : i32
        %dma_start3A_195 = tpu.memref_slice %arg13[%dma_start3A_193, %dma_start3A_194] : memref<10240x128xf32, #tpu.memory_space<vmem_shared>> -> memref<10240x128xf32, #tpu.memory_space<vmem_shared>>
        tpu.enqueue_indirect_dma source(%arg16 : memref<125x128xf32, #tpu.memory_space<vmem>>) target(%dma_start3A_195 : memref<10240x128xf32, #tpu.memory_space<vmem_shared>>) offsets(%dma_start3A_192 : memref<125xi32, #tpu.memory_space<vmem>>) semaphore(%run_scoped3A_189 : memref<!tpu.dma_semaphore, #tpu.memory_space<semaphore_mem>>) {add = true}
        %dma_wait3A_196 = arith.constant 0 : i32
        %dma_wait3A_197 = tpu.memref_slice %arg14[%add3A_156, %dma_wait3A_196] : memref<40x125xi32, #tpu.memory_space<vmem>> -> memref<1x125xi32, #tpu.memory_space<vmem>>
        %dma_wait3A_198 = tpu.memref_squeeze %dma_wait3A_197 : memref<1x125xi32, #tpu.memory_space<vmem>> -> memref<125xi32, #tpu.memory_space<vmem>>
        %dma_wait3A_199 = arith.constant 0 : i32
        %dma_wait3A_200 = arith.constant 0 : i32
        %dma_wait3A_201 = tpu.memref_slice %arg13[%dma_wait3A_199, %dma_wait3A_200] : memref<10240x128xf32, #tpu.memory_space<vmem_shared>> -> memref<10240x128xf32, #tpu.memory_space<vmem_shared>>
        tpu.wait_indirect_dma semaphore(%run_scoped3A_189 : memref<!tpu.dma_semaphore, #tpu.memory_space<semaphore_mem>>) src(%arg16 : memref<125x128xf32, #tpu.memory_space<vmem>>) dst(%dma_wait3A_201 : memref<10240x128xf32, #tpu.memory_space<vmem_shared>>)
        tpu.yield
      }) : () -> ()
      %add3A_163 = arith.constant 2 : i32
      %add3A_164 = arith.addi %add3A_156, %add3A_163 : i32
      %dma_start3A_165 = arith.constant 0 : i32
      %dma_start3A_166 = tpu.memref_slice %arg21[%add3A_164, %dma_start3A_165] : memref<40x125xi32, #tpu.memory_space<vmem>> -> memref<1x125xi32, #tpu.memory_space<vmem>>
      %dma_start3A_167 = tpu.memref_squeeze %dma_start3A_166 : memref<1x125xi32, #tpu.memory_space<vmem>> -> memref<125xi32, #tpu.memory_space<vmem>>
      %dma_start3A_168 = arith.constant 0 : i32
      %dma_start3A_169 = arith.constant 0 : i32
      %dma_start3A_170 = tpu.memref_slice %arg5[%dma_start3A_168, %dma_start3A_169] : memref<10000x128xf32, #tpu.memory_space<hbm>> -> memref<10000x128xf32, #tpu.memory_space<hbm>>
      tpu.enqueue_indirect_dma source(%dma_start3A_170 : memref<10000x128xf32, #tpu.memory_space<hbm>>) target(%arg16 : memref<125x128xf32, #tpu.memory_space<vmem>>) offsets(%dma_start3A_167 : memref<125xi32, #tpu.memory_space<vmem>>) semaphore(%arg17 : memref<!tpu.dma_semaphore, #tpu.memory_space<semaphore_mem>>)
      %add3A_171 = arith.constant 1 : i32
      %add3A_172 = arith.addi %add3A_156, %add3A_171 : i32
      %dma_wait3A_173 = arith.constant 0 : i32
      %dma_wait3A_174 = tpu.memref_slice %arg21[%add3A_172, %dma_wait3A_173] : memref<40x125xi32, #tpu.memory_space<vmem>> -> memref<1x125xi32, #tpu.memory_space<vmem>>
      %dma_wait3A_175 = tpu.memref_squeeze %dma_wait3A_174 : memref<1x125xi32, #tpu.memory_space<vmem>> -> memref<125xi32, #tpu.memory_space<vmem>>
      %dma_wait3A_176 = arith.constant 0 : i32
      %dma_wait3A_177 = arith.constant 0 : i32
      %dma_wait3A_178 = tpu.memref_slice %arg5[%dma_wait3A_176, %dma_wait3A_177] : memref<10000x128xf32, #tpu.memory_space<hbm>> -> memref<10000x128xf32, #tpu.memory_space<hbm>>
      tpu.wait_indirect_dma semaphore(%arg18 : memref<!tpu.dma_semaphore, #tpu.memory_space<semaphore_mem>>) src(%dma_wait3A_178 : memref<10000x128xf32, #tpu.memory_space<hbm>>) dst(%arg15 : memref<125x128xf32, #tpu.memory_space<vmem>>)
      %add3A_179 = arith.constant 1 : i32
      %add3A_180 = arith.addi %add3A_156, %add3A_179 : i32
      "tpu.region"() ({
        %run_scoped3A_189 = tpu.sem_alloc : memref<!tpu.dma_semaphore, #tpu.memory_space<semaphore_mem>>
        %dma_start3A_190 = arith.constant 0 : i32
        %dma_start3A_191 = tpu.memref_slice %arg14[%add3A_180, %dma_start3A_190] : memref<40x125xi32, #tpu.memory_space<vmem>> -> memref<1x125xi32, #tpu.memory_space<vmem>>
        %dma_start3A_192 = tpu.memref_squeeze %dma_start3A_191 : memref<1x125xi32, #tpu.memory_space<vmem>> -> memref<125xi32, #tpu.memory_space<vmem>>
        %dma_start3A_193 = arith.constant 0 : i32
        %dma_start3A_194 = arith.constant 0 : i32
        %dma_start3A_195 = tpu.memref_slice %arg13[%dma_start3A_193, %dma_start3A_194] : memref<10240x128xf32, #tpu.memory_space<vmem_shared>> -> memref<10240x128xf32, #tpu.memory_space<vmem_shared>>
        tpu.enqueue_indirect_dma source(%arg15 : memref<125x128xf32, #tpu.memory_space<vmem>>) target(%dma_start3A_195 : memref<10240x128xf32, #tpu.memory_space<vmem_shared>>) offsets(%dma_start3A_192 : memref<125xi32, #tpu.memory_space<vmem>>) semaphore(%run_scoped3A_189 : memref<!tpu.dma_semaphore, #tpu.memory_space<semaphore_mem>>) {add = true}
        %dma_wait3A_196 = arith.constant 0 : i32
        %dma_wait3A_197 = tpu.memref_slice %arg14[%add3A_180, %dma_wait3A_196] : memref<40x125xi32, #tpu.memory_space<vmem>> -> memref<1x125xi32, #tpu.memory_space<vmem>>
        %dma_wait3A_198 = tpu.memref_squeeze %dma_wait3A_197 : memref<1x125xi32, #tpu.memory_space<vmem>> -> memref<125xi32, #tpu.memory_space<vmem>>
        %dma_wait3A_199 = arith.constant 0 : i32
        %dma_wait3A_200 = arith.constant 0 : i32
        %dma_wait3A_201 = tpu.memref_slice %arg13[%dma_wait3A_199, %dma_wait3A_200] : memref<10240x128xf32, #tpu.memory_space<vmem_shared>> -> memref<10240x128xf32, #tpu.memory_space<vmem_shared>>
        tpu.wait_indirect_dma semaphore(%run_scoped3A_189 : memref<!tpu.dma_semaphore, #tpu.memory_space<semaphore_mem>>) src(%arg15 : memref<125x128xf32, #tpu.memory_space<vmem>>) dst(%dma_wait3A_201 : memref<10240x128xf32, #tpu.memory_space<vmem_shared>>)
        tpu.yield
      }) : () -> ()
      %add3A_181 = arith.constant 3 : i32
      %add3A_182 = arith.addi %add3A_156, %add3A_181 : i32
      %dma_start3A_183 = arith.constant 0 : i32
      %dma_start3A_184 = tpu.memref_slice %arg21[%add3A_182, %dma_start3A_183] : memref<40x125xi32, #tpu.memory_space<vmem>> -> memref<1x125xi32, #tpu.memory_space<vmem>>
      %dma_start3A_185 = tpu.memref_squeeze %dma_start3A_184 : memref<1x125xi32, #tpu.memory_space<vmem>> -> memref<125xi32, #tpu.memory_space<vmem>>
      %dma_start3A_186 = arith.constant 0 : i32
      %dma_start3A_187 = arith.constant 0 : i32
      %dma_start3A_188 = tpu.memref_slice %arg5[%dma_start3A_186, %dma_start3A_187] : memref<10000x128xf32, #tpu.memory_space<hbm>> -> memref<10000x128xf32, #tpu.memory_space<hbm>>
      tpu.enqueue_indirect_dma source(%dma_start3A_188 : memref<10000x128xf32, #tpu.memory_space<hbm>>) target(%arg15 : memref<125x128xf32, #tpu.memory_space<vmem>>) offsets(%dma_start3A_185 : memref<125xi32, #tpu.memory_space<vmem>>) semaphore(%arg18 : memref<!tpu.dma_semaphore, #tpu.memory_space<semaphore_mem>>)
    }
    %scan3A_133 = arith.constant 19 : i32
    %dma_wait3A_134 = arith.constant 38 : i32
    %dma_wait3A_135 = arith.constant 0 : i32
    %dma_wait3A_136 = tpu.memref_slice %arg21[%dma_wait3A_134, %dma_wait3A_135] : memref<40x125xi32, #tpu.memory_space<vmem>> -> memref<1x125xi32, #tpu.memory_space<vmem>>
    %dma_wait3A_137 = tpu.memref_squeeze %dma_wait3A_136 : memref<1x125xi32, #tpu.memory_space<vmem>> -> memref<125xi32, #tpu.memory_space<vmem>>
    %dma_wait3A_138 = arith.constant 0 : i32
    %dma_wait3A_139 = arith.constant 0 : i32
    %dma_wait3A_140 = tpu.memref_slice %arg5[%dma_wait3A_138, %dma_wait3A_139] : memref<10000x128xf32, #tpu.memory_space<hbm>> -> memref<10000x128xf32, #tpu.memory_space<hbm>>
    tpu.wait_indirect_dma semaphore(%arg17 : memref<!tpu.dma_semaphore, #tpu.memory_space<semaphore_mem>>) src(%dma_wait3A_140 : memref<10000x128xf32, #tpu.memory_space<hbm>>) dst(%arg16 : memref<125x128xf32, #tpu.memory_space<vmem>>)
    %run_scoped3A_141 = arith.constant 38 : i32
    "tpu.region"() ({
      %run_scoped3A_152 = tpu.sem_alloc : memref<!tpu.dma_semaphore, #tpu.memory_space<semaphore_mem>>
      %dma_start3A_153 = arith.constant 0 : i32
      %dma_start3A_154 = tpu.memref_slice %arg14[%run_scoped3A_141, %dma_start3A_153] : memref<40x125xi32, #tpu.memory_space<vmem>> -> memref<1x125xi32, #tpu.memory_space<vmem>>
      %dma_start3A_155 = tpu.memref_squeeze %dma_start3A_154 : memref<1x125xi32, #tpu.memory_space<vmem>> -> memref<125xi32, #tpu.memory_space<vmem>>
      %dma_start3A_156 = arith.constant 0 : i32
      %dma_start3A_157 = arith.constant 0 : i32
      %dma_start3A_158 = tpu.memref_slice %arg13[%dma_start3A_156, %dma_start3A_157] : memref<10240x128xf32, #tpu.memory_space<vmem_shared>> -> memref<10240x128xf32, #tpu.memory_space<vmem_shared>>
      tpu.enqueue_indirect_dma source(%arg16 : memref<125x128xf32, #tpu.memory_space<vmem>>) target(%dma_start3A_158 : memref<10240x128xf32, #tpu.memory_space<vmem_shared>>) offsets(%dma_start3A_155 : memref<125xi32, #tpu.memory_space<vmem>>) semaphore(%run_scoped3A_152 : memref<!tpu.dma_semaphore, #tpu.memory_space<semaphore_mem>>) {add = true}
      %dma_wait3A_159 = arith.constant 0 : i32
      %dma_wait3A_160 = tpu.memref_slice %arg14[%run_scoped3A_141, %dma_wait3A_159] : memref<40x125xi32, #tpu.memory_space<vmem>> -> memref<1x125xi32, #tpu.memory_space<vmem>>
      %dma_wait3A_161 = tpu.memref_squeeze %dma_wait3A_160 : memref<1x125xi32, #tpu.memory_space<vmem>> -> memref<125xi32, #tpu.memory_space<vmem>>
      %dma_wait3A_162 = arith.constant 0 : i32
      %dma_wait3A_163 = arith.constant 0 : i32
      %dma_wait3A_164 = tpu.memref_slice %arg13[%dma_wait3A_162, %dma_wait3A_163] : memref<10240x128xf32, #tpu.memory_space<vmem_shared>> -> memref<10240x128xf32, #tpu.memory_space<vmem_shared>>
      tpu.wait_indirect_dma semaphore(%run_scoped3A_152 : memref<!tpu.dma_semaphore, #tpu.memory_space<semaphore_mem>>) src(%arg16 : memref<125x128xf32, #tpu.memory_space<vmem>>) dst(%dma_wait3A_164 : memref<10240x128xf32, #tpu.memory_space<vmem_shared>>)
      tpu.yield
    }) : () -> ()
    %dma_wait3A_142 = arith.constant 39 : i32
    %dma_wait3A_143 = arith.constant 0 : i32
    %dma_wait3A_144 = tpu.memref_slice %arg21[%dma_wait3A_142, %dma_wait3A_143] : memref<40x125xi32, #tpu.memory_space<vmem>> -> memref<1x125xi32, #tpu.memory_space<vmem>>
    %dma_wait3A_145 = tpu.memref_squeeze %dma_wait3A_144 : memref<1x125xi32, #tpu.memory_space<vmem>> -> memref<125xi32, #tpu.memory_space<vmem>>
    %dma_wait3A_146 = arith.constant 0 : i32
    %dma_wait3A_147 = arith.constant 0 : i32
    %dma_wait3A_148 = tpu.memref_slice %arg5[%dma_wait3A_146, %dma_wait3A_147] : memref<10000x128xf32, #tpu.memory_space<hbm>> -> memref<10000x128xf32, #tpu.memory_space<hbm>>
    tpu.wait_indirect_dma semaphore(%arg18 : memref<!tpu.dma_semaphore, #tpu.memory_space<semaphore_mem>>) src(%dma_wait3A_148 : memref<10000x128xf32, #tpu.memory_space<hbm>>) dst(%arg15 : memref<125x128xf32, #tpu.memory_space<vmem>>)
    %run_scoped3A_149 = arith.constant 39 : i32
    "tpu.region"() ({
      %run_scoped3A_152 = tpu.sem_alloc : memref<!tpu.dma_semaphore, #tpu.memory_space<semaphore_mem>>
      %dma_start3A_153 = arith.constant 0 : i32
      %dma_start3A_154 = tpu.memref_slice %arg14[%run_scoped3A_149, %dma_start3A_153] : memref<40x125xi32, #tpu.memory_space<vmem>> -> memref<1x125xi32, #tpu.memory_space<vmem>>
      %dma_start3A_155 = tpu.memref_squeeze %dma_start3A_154 : memref<1x125xi32, #tpu.memory_space<vmem>> -> memref<125xi32, #tpu.memory_space<vmem>>
      %dma_start3A_156 = arith.constant 0 : i32
      %dma_start3A_157 = arith.constant 0 : i32
      %dma_start3A_158 = tpu.memref_slice %arg13[%dma_start3A_156, %dma_start3A_157] : memref<10240x128xf32, #tpu.memory_space<vmem_shared>> -> memref<10240x128xf32, #tpu.memory_space<vmem_shared>>
      tpu.enqueue_indirect_dma source(%arg15 : memref<125x128xf32, #tpu.memory_space<vmem>>) target(%dma_start3A_158 : memref<10240x128xf32, #tpu.memory_space<vmem_shared>>) offsets(%dma_start3A_155 : memref<125xi32, #tpu.memory_space<vmem>>) semaphore(%run_scoped3A_152 : memref<!tpu.dma_semaphore, #tpu.memory_space<semaphore_mem>>) {add = true}
      %dma_wait3A_159 = arith.constant 0 : i32
      %dma_wait3A_160 = tpu.memref_slice %arg14[%run_scoped3A_149, %dma_wait3A_159] : memref<40x125xi32, #tpu.memory_space<vmem>> -> memref<1x125xi32, #tpu.memory_space<vmem>>
      %dma_wait3A_161 = tpu.memref_squeeze %dma_wait3A_160 : memref<1x125xi32, #tpu.memory_space<vmem>> -> memref<125xi32, #tpu.memory_space<vmem>>
      %dma_wait3A_162 = arith.constant 0 : i32
      %dma_wait3A_163 = arith.constant 0 : i32
      %dma_wait3A_164 = tpu.memref_slice %arg13[%dma_wait3A_162, %dma_wait3A_163] : memref<10240x128xf32, #tpu.memory_space<vmem_shared>> -> memref<10240x128xf32, #tpu.memory_space<vmem_shared>>
      tpu.wait_indirect_dma semaphore(%run_scoped3A_152 : memref<!tpu.dma_semaphore, #tpu.memory_space<semaphore_mem>>) src(%arg15 : memref<125x128xf32, #tpu.memory_space<vmem>>) dst(%dma_wait3A_164 : memref<10240x128xf32, #tpu.memory_space<vmem_shared>>)
      tpu.yield
    }) : () -> ()
    %barrier3A_150 = arith.constant 0 : index
    tpu.barrier barrier_id(%barrier3A_150)
    "tpu.region"() ({
      %run_scoped3A_152 = tpu.sem_alloc : memref<!tpu.dma_semaphore, #tpu.memory_space<semaphore_mem>>
      %dma_start3A_153 = arith.constant 0 : i32
      %dma_start3A_154 = tpu.memref_slice %arg12[%add3A_5, %dma_start3A_153] : memref<20480x128xf32, #tpu.memory_space<hbm>> -> memref<640x128xf32, #tpu.memory_space<hbm>>
      %dma_start3A_155 = arith.constant 0 : i32
      %dma_start3A_156 = tpu.memref_slice %arg13[%mul3A_2, %dma_start3A_155] : memref<10240x128xf32, #tpu.memory_space<vmem_shared>> -> memref<640x128xf32, #tpu.memory_space<vmem_shared>>
      tpu.enqueue_dma source(%dma_start3A_156 : memref<640x128xf32, #tpu.memory_space<vmem_shared>>) target(%dma_start3A_154 : memref<640x128xf32, #tpu.memory_space<hbm>>) target_semaphore(%run_scoped3A_152 : memref<!tpu.dma_semaphore, #tpu.memory_space<semaphore_mem>>)
      %dma_wait3A_157 = arith.constant 0 : i32
      %dma_wait3A_158 = tpu.memref_slice %arg12[%add3A_5, %dma_wait3A_157] : memref<20480x128xf32, #tpu.memory_space<hbm>> -> memref<640x128xf32, #tpu.memory_space<hbm>>
      %dma_wait3A_159 = arith.constant 0 : i32
      %dma_wait3A_160 = tpu.memref_slice %arg13[%mul3A_2, %dma_wait3A_159] : memref<10240x128xf32, #tpu.memory_space<vmem_shared>> -> memref<640x128xf32, #tpu.memory_space<vmem_shared>>
      tpu.wait_dma2 semaphore(%run_scoped3A_152 : memref<!tpu.dma_semaphore, #tpu.memory_space<semaphore_mem>>) src(%dma_wait3A_160 : memref<640x128xf32, #tpu.memory_space<vmem_shared>>) dst(%dma_wait3A_158 : memref<640x128xf32, #tpu.memory_space<hbm>>)
      tpu.yield
    }) : () -> ()
    %barrier3A_151 = arith.constant 0 : index
    tpu.barrier barrier_id(%barrier3A_151)
    return
  }
}

#map = affine_map<(d0, d1) -> (0, 0)>
#map1 = affine_map<(d0, d1) -> (0, 0, 0, 0)>
module attributes {stable_mosaic.version = 14 : i64} {
  func.func @k(%arg0: i32, %arg1: i32, %arg2: memref<10000x128xf32, #tpu.memory_space<hbm>>, %arg3: memref<2x32x40x125xi32, #tpu.memory_space<hbm>>, %arg4: memref<640x128xf32, #tpu.memory_space<hbm>>, %arg5: memref<125x128xf32, #tpu.memory_space<hbm>>, %arg6: memref<20480x128xf32, #tpu.memory_space<hbm>>, %arg7: memref<10240x128xf32, #tpu.memory_space<vmem_shared>>, %arg8: memref<40x125xi32, #tpu.memory_space<vmem>>, %arg9: memref<125x128xf32, #tpu.memory_space<vmem>>, %arg10: memref<125x128xf32, #tpu.memory_space<vmem>>, %arg11: memref<!tpu.dma_semaphore, #tpu.memory_space<semaphore_mem>>, %arg12: memref<!tpu.dma_semaphore, #tpu.memory_space<semaphore_mem>>, %arg13: memref<!tpu.dma_semaphore, #tpu.memory_space<semaphore_mem>>, %arg14: memref<!tpu.dma_semaphore, #tpu.memory_space<semaphore_mem>>, %arg15: memref<40x125xi32, #tpu.memory_space<vmem>>) attributes {dimension_semantics = [#tpu.dimension_semantics<core_parallel>, #tpu.dimension_semantics<subcore_parallel>], iteration_bounds = array<i64: 2, 16>, scalar_prefetch = 0 : i64, scratch_operands = 9 : i64, tpu.core_type = #tpu.core_type<sc_vector_subcore>, window_params = [{transform_indices = #map}, {transform_indices = #map1}, {transform_indices = #map}, {transform_indices = #map}, {transform_indices = #map}]} {
    %mul3A = arith.constant 16 : i32
    %mul3A_0 = arith.muli %arg0, %mul3A : i32
    %add3A = arith.addi %mul3A_0, %arg1 : i32
    %mul3A_1 = arith.constant 640 : i32
    %mul3A_2 = arith.muli %arg1, %mul3A_1 : i32
    %mul3A_3 = arith.constant 10240 : i32
    %mul3A_4 = arith.muli %arg0, %mul3A_3 : i32
    %add3A_5 = arith.addi %mul3A_4, %mul3A_2 : i32
    %run_scoped3A = arith.constant 0 : i32
    "tpu.region"() ({
      %run_scoped3A_41 = tpu.sem_alloc : memref<!tpu.dma_semaphore, #tpu.memory_space<semaphore_mem>>
      %dma_start3A_42 = arith.constant 0 : i32
      %dma_start3A_43 = arith.constant 0 : i32
      %dma_start3A_44 = tpu.memref_slice %arg3[%run_scoped3A, %add3A, %dma_start3A_42, %dma_start3A_43] : memref<2x32x40x125xi32, #tpu.memory_space<hbm>> -> memref<1x1x40x125xi32, #tpu.memory_space<hbm>>
      %dma_start3A_45 = tpu.memref_squeeze %dma_start3A_44 : memref<1x1x40x125xi32, #tpu.memory_space<hbm>> -> memref<40x125xi32, #tpu.memory_space<hbm>>
      %dma_start3A_46 = arith.constant 0 : i32
      %dma_start3A_47 = arith.constant 0 : i32
      %dma_start3A_48 = tpu.memref_slice %arg3[%run_scoped3A, %add3A, %dma_start3A_46, %dma_start3A_47] : memref<2x32x40x125xi32, #tpu.memory_space<hbm>> -> memref<1x1x40x125xi32, #tpu.memory_space<hbm>>
      %dma_start3A_49 = tpu.memref_squeeze %dma_start3A_48 : memref<1x1x40x125xi32, #tpu.memory_space<hbm>> -> memref<40x125xi32, #tpu.memory_space<hbm>>
      tpu.enqueue_dma source(%dma_start3A_49 : memref<40x125xi32, #tpu.memory_space<hbm>>) target(%arg15 : memref<40x125xi32, #tpu.memory_space<vmem>>) target_semaphore(%run_scoped3A_41 : memref<!tpu.dma_semaphore, #tpu.memory_space<semaphore_mem>>)
      %dma_wait3A_50 = arith.constant 0 : i32
      %dma_wait3A_51 = arith.constant 0 : i32
      %dma_wait3A_52 = tpu.memref_slice %arg3[%run_scoped3A, %add3A, %dma_wait3A_50, %dma_wait3A_51] : memref<2x32x40x125xi32, #tpu.memory_space<hbm>> -> memref<1x1x40x125xi32, #tpu.memory_space<hbm>>
      %dma_wait3A_53 = tpu.memref_squeeze %dma_wait3A_52 : memref<1x1x40x125xi32, #tpu.memory_space<hbm>> -> memref<40x125xi32, #tpu.memory_space<hbm>>
      %dma_wait3A_54 = arith.constant 0 : i32
      %dma_wait3A_55 = arith.constant 0 : i32
      %dma_wait3A_56 = tpu.memref_slice %arg3[%run_scoped3A, %add3A, %dma_wait3A_54, %dma_wait3A_55] : memref<2x32x40x125xi32, #tpu.memory_space<hbm>> -> memref<1x1x40x125xi32, #tpu.memory_space<hbm>>
      %dma_wait3A_57 = tpu.memref_squeeze %dma_wait3A_56 : memref<1x1x40x125xi32, #tpu.memory_space<hbm>> -> memref<40x125xi32, #tpu.memory_space<hbm>>
      tpu.wait_dma2 semaphore(%run_scoped3A_41 : memref<!tpu.dma_semaphore, #tpu.memory_space<semaphore_mem>>) src(%dma_wait3A_57 : memref<40x125xi32, #tpu.memory_space<hbm>>) dst(%arg15 : memref<40x125xi32, #tpu.memory_space<vmem>>)
      tpu.yield
    }) : () -> ()
    %run_scoped3A_6 = arith.constant 1 : i32
    "tpu.region"() ({
      %run_scoped3A_41 = tpu.sem_alloc : memref<!tpu.dma_semaphore, #tpu.memory_space<semaphore_mem>>
      %dma_start3A_42 = arith.constant 0 : i32
      %dma_start3A_43 = arith.constant 0 : i32
      %dma_start3A_44 = tpu.memref_slice %arg3[%run_scoped3A_6, %add3A, %dma_start3A_42, %dma_start3A_43] : memref<2x32x40x125xi32, #tpu.memory_space<hbm>> -> memref<1x1x40x125xi32, #tpu.memory_space<hbm>>
      %dma_start3A_45 = tpu.memref_squeeze %dma_start3A_44 : memref<1x1x40x125xi32, #tpu.memory_space<hbm>> -> memref<40x125xi32, #tpu.memory_space<hbm>>
      %dma_start3A_46 = arith.constant 0 : i32
      %dma_start3A_47 = arith.constant 0 : i32
      %dma_start3A_48 = tpu.memref_slice %arg3[%run_scoped3A_6, %add3A, %dma_start3A_46, %dma_start3A_47] : memref<2x32x40x125xi32, #tpu.memory_space<hbm>> -> memref<1x1x40x125xi32, #tpu.memory_space<hbm>>
      %dma_start3A_49 = tpu.memref_squeeze %dma_start3A_48 : memref<1x1x40x125xi32, #tpu.memory_space<hbm>> -> memref<40x125xi32, #tpu.memory_space<hbm>>
      tpu.enqueue_dma source(%dma_start3A_49 : memref<40x125xi32, #tpu.memory_space<hbm>>) target(%arg8 : memref<40x125xi32, #tpu.memory_space<vmem>>) target_semaphore(%run_scoped3A_41 : memref<!tpu.dma_semaphore, #tpu.memory_space<semaphore_mem>>)
      %dma_wait3A_50 = arith.constant 0 : i32
      %dma_wait3A_51 = arith.constant 0 : i32
      %dma_wait3A_52 = tpu.memref_slice %arg3[%run_scoped3A_6, %add3A, %dma_wait3A_50, %dma_wait3A_51] : memref<2x32x40x125xi32, #tpu.memory_space<hbm>> -> memref<1x1x40x125xi32, #tpu.memory_space<hbm>>
      %dma_wait3A_53 = tpu.memref_squeeze %dma_wait3A_52 : memref<1x1x40x125xi32, #tpu.memory_space<hbm>> -> memref<40x125xi32, #tpu.memory_space<hbm>>
      %dma_wait3A_54 = arith.constant 0 : i32
      %dma_wait3A_55 = arith.constant 0 : i32
      %dma_wait3A_56 = tpu.memref_slice %arg3[%run_scoped3A_6, %add3A, %dma_wait3A_54, %dma_wait3A_55] : memref<2x32x40x125xi32, #tpu.memory_space<hbm>> -> memref<1x1x40x125xi32, #tpu.memory_space<hbm>>
      %dma_wait3A_57 = tpu.memref_squeeze %dma_wait3A_56 : memref<1x1x40x125xi32, #tpu.memory_space<hbm>> -> memref<40x125xi32, #tpu.memory_space<hbm>>
      tpu.wait_dma2 semaphore(%run_scoped3A_41 : memref<!tpu.dma_semaphore, #tpu.memory_space<semaphore_mem>>) src(%dma_wait3A_57 : memref<40x125xi32, #tpu.memory_space<hbm>>) dst(%arg8 : memref<40x125xi32, #tpu.memory_space<vmem>>)
      tpu.yield
    }) : () -> ()
    "tpu.region"() ({
      %run_scoped3A_41 = tpu.sem_alloc : memref<!tpu.dma_semaphore, #tpu.memory_space<semaphore_mem>>
      %dma_start3A_42 = arith.constant 0 : i32
      %dma_start3A_43 = tpu.memref_slice %arg7[%mul3A_2, %dma_start3A_42] : memref<10240x128xf32, #tpu.memory_space<vmem_shared>> -> memref<640x128xf32, #tpu.memory_space<vmem_shared>>
      tpu.enqueue_dma source(%arg4 : memref<640x128xf32, #tpu.memory_space<hbm>>) target(%dma_start3A_43 : memref<640x128xf32, #tpu.memory_space<vmem_shared>>) target_semaphore(%run_scoped3A_41 : memref<!tpu.dma_semaphore, #tpu.memory_space<semaphore_mem>>)
      %dma_wait3A_44 = arith.constant 0 : i32
      %dma_wait3A_45 = tpu.memref_slice %arg7[%mul3A_2, %dma_wait3A_44] : memref<10240x128xf32, #tpu.memory_space<vmem_shared>> -> memref<640x128xf32, #tpu.memory_space<vmem_shared>>
      tpu.wait_dma2 semaphore(%run_scoped3A_41 : memref<!tpu.dma_semaphore, #tpu.memory_space<semaphore_mem>>) src(%arg4 : memref<640x128xf32, #tpu.memory_space<hbm>>) dst(%dma_wait3A_45 : memref<640x128xf32, #tpu.memory_space<vmem_shared>>)
      tpu.yield
    }) : () -> ()
    %barrier3A = arith.constant 0 : index
    tpu.barrier barrier_id(%barrier3A)
    %dma_start3A = arith.constant 0 : i32
    %dma_start3A_7 = arith.constant 0 : i32
    %dma_start3A_8 = tpu.memref_slice %arg15[%dma_start3A, %dma_start3A_7] : memref<40x125xi32, #tpu.memory_space<vmem>> -> memref<1x125xi32, #tpu.memory_space<vmem>>
    %dma_start3A_9 = tpu.memref_squeeze %dma_start3A_8 : memref<1x125xi32, #tpu.memory_space<vmem>> -> memref<125xi32, #tpu.memory_space<vmem>>
    %dma_start3A_10 = arith.constant 0 : i32
    %dma_start3A_11 = arith.constant 0 : i32
    %dma_start3A_12 = tpu.memref_slice %arg2[%dma_start3A_10, %dma_start3A_11] : memref<10000x128xf32, #tpu.memory_space<hbm>> -> memref<10000x128xf32, #tpu.memory_space<hbm>>
    tpu.enqueue_indirect_dma source(%dma_start3A_12 : memref<10000x128xf32, #tpu.memory_space<hbm>>) target(%arg10 : memref<125x128xf32, #tpu.memory_space<vmem>>) offsets(%dma_start3A_9 : memref<125xi32, #tpu.memory_space<vmem>>) semaphore(%arg11 : memref<!tpu.dma_semaphore, #tpu.memory_space<semaphore_mem>>)
    %dma_start3A_13 = arith.constant 1 : i32
    %dma_start3A_14 = arith.constant 0 : i32
    %dma_start3A_15 = tpu.memref_slice %arg15[%dma_start3A_13, %dma_start3A_14] : memref<40x125xi32, #tpu.memory_space<vmem>> -> memref<1x125xi32, #tpu.memory_space<vmem>>
    %dma_start3A_16 = tpu.memref_squeeze %dma_start3A_15 : memref<1x125xi32, #tpu.memory_space<vmem>> -> memref<125xi32, #tpu.memory_space<vmem>>
    %dma_start3A_17 = arith.constant 0 : i32
    %dma_start3A_18 = arith.constant 0 : i32
    %dma_start3A_19 = tpu.memref_slice %arg2[%dma_start3A_17, %dma_start3A_18] : memref<10000x128xf32, #tpu.memory_space<hbm>> -> memref<10000x128xf32, #tpu.memory_space<hbm>>
    tpu.enqueue_indirect_dma source(%dma_start3A_19 : memref<10000x128xf32, #tpu.memory_space<hbm>>) target(%arg9 : memref<125x128xf32, #tpu.memory_space<vmem>>) offsets(%dma_start3A_16 : memref<125xi32, #tpu.memory_space<vmem>>) semaphore(%arg12 : memref<!tpu.dma_semaphore, #tpu.memory_space<semaphore_mem>>)
    %scan3A = arith.constant 0 : i32
    %scan3A_20 = arith.constant 19 : i32
    %scan3A_21 = arith.addi %scan3A, %scan3A_20 : i32
    %scan3A_22 = arith.constant 1 : i32
    scf.for %scan3A_41 = %scan3A to %scan3A_21 step %scan3A_22  : i32 {
      %mul3A_42 = arith.constant 2 : i32
      %mul3A_43 = arith.muli %scan3A_41, %mul3A_42 : i32
      %add3A_44 = arith.constant 0 : i32
      %add3A_45 = arith.addi %add3A_44, %mul3A_43 : i32
      %dma_wait3A_46 = arith.constant 0 : i32
      %dma_wait3A_47 = tpu.memref_slice %arg15[%add3A_45, %dma_wait3A_46] : memref<40x125xi32, #tpu.memory_space<vmem>> -> memref<1x125xi32, #tpu.memory_space<vmem>>
      %dma_wait3A_48 = tpu.memref_squeeze %dma_wait3A_47 : memref<1x125xi32, #tpu.memory_space<vmem>> -> memref<125xi32, #tpu.memory_space<vmem>>
      %dma_wait3A_49 = arith.constant 0 : i32
      %dma_wait3A_50 = arith.constant 0 : i32
      %dma_wait3A_51 = tpu.memref_slice %arg2[%dma_wait3A_49, %dma_wait3A_50] : memref<10000x128xf32, #tpu.memory_space<hbm>> -> memref<10000x128xf32, #tpu.memory_space<hbm>>
      tpu.wait_indirect_dma semaphore(%arg11 : memref<!tpu.dma_semaphore, #tpu.memory_space<semaphore_mem>>) src(%dma_wait3A_51 : memref<10000x128xf32, #tpu.memory_space<hbm>>) dst(%arg10 : memref<125x128xf32, #tpu.memory_space<vmem>>)
      "tpu.region"() ({
        %run_scoped3A_78 = tpu.sem_alloc : memref<!tpu.dma_semaphore, #tpu.memory_space<semaphore_mem>>
        %dma_start3A_79 = arith.constant 0 : i32
        %dma_start3A_80 = tpu.memref_slice %arg8[%add3A_45, %dma_start3A_79] : memref<40x125xi32, #tpu.memory_space<vmem>> -> memref<1x125xi32, #tpu.memory_space<vmem>>
        %dma_start3A_81 = tpu.memref_squeeze %dma_start3A_80 : memref<1x125xi32, #tpu.memory_space<vmem>> -> memref<125xi32, #tpu.memory_space<vmem>>
        %dma_start3A_82 = arith.constant 0 : i32
        %dma_start3A_83 = arith.constant 0 : i32
        %dma_start3A_84 = tpu.memref_slice %arg7[%dma_start3A_82, %dma_start3A_83] : memref<10240x128xf32, #tpu.memory_space<vmem_shared>> -> memref<10240x128xf32, #tpu.memory_space<vmem_shared>>
        tpu.enqueue_indirect_dma source(%arg10 : memref<125x128xf32, #tpu.memory_space<vmem>>) target(%dma_start3A_84 : memref<10240x128xf32, #tpu.memory_space<vmem_shared>>) offsets(%dma_start3A_81 : memref<125xi32, #tpu.memory_space<vmem>>) semaphore(%run_scoped3A_78 : memref<!tpu.dma_semaphore, #tpu.memory_space<semaphore_mem>>) {add = true}
        %dma_wait3A_85 = arith.constant 0 : i32
        %dma_wait3A_86 = tpu.memref_slice %arg8[%add3A_45, %dma_wait3A_85] : memref<40x125xi32, #tpu.memory_space<vmem>> -> memref<1x125xi32, #tpu.memory_space<vmem>>
        %dma_wait3A_87 = tpu.memref_squeeze %dma_wait3A_86 : memref<1x125xi32, #tpu.memory_space<vmem>> -> memref<125xi32, #tpu.memory_space<vmem>>
        %dma_wait3A_88 = arith.constant 0 : i32
        %dma_wait3A_89 = arith.constant 0 : i32
        %dma_wait3A_90 = tpu.memref_slice %arg7[%dma_wait3A_88, %dma_wait3A_89] : memref<10240x128xf32, #tpu.memory_space<vmem_shared>> -> memref<10240x128xf32, #tpu.memory_space<vmem_shared>>
        tpu.wait_indirect_dma semaphore(%run_scoped3A_78 : memref<!tpu.dma_semaphore, #tpu.memory_space<semaphore_mem>>) src(%arg10 : memref<125x128xf32, #tpu.memory_space<vmem>>) dst(%dma_wait3A_90 : memref<10240x128xf32, #tpu.memory_space<vmem_shared>>)
        tpu.yield
      }) : () -> ()
      %add3A_52 = arith.constant 2 : i32
      %add3A_53 = arith.addi %add3A_45, %add3A_52 : i32
      %dma_start3A_54 = arith.constant 0 : i32
      %dma_start3A_55 = tpu.memref_slice %arg15[%add3A_53, %dma_start3A_54] : memref<40x125xi32, #tpu.memory_space<vmem>> -> memref<1x125xi32, #tpu.memory_space<vmem>>
      %dma_start3A_56 = tpu.memref_squeeze %dma_start3A_55 : memref<1x125xi32, #tpu.memory_space<vmem>> -> memref<125xi32, #tpu.memory_space<vmem>>
      %dma_start3A_57 = arith.constant 0 : i32
      %dma_start3A_58 = arith.constant 0 : i32
      %dma_start3A_59 = tpu.memref_slice %arg2[%dma_start3A_57, %dma_start3A_58] : memref<10000x128xf32, #tpu.memory_space<hbm>> -> memref<10000x128xf32, #tpu.memory_space<hbm>>
      tpu.enqueue_indirect_dma source(%dma_start3A_59 : memref<10000x128xf32, #tpu.memory_space<hbm>>) target(%arg10 : memref<125x128xf32, #tpu.memory_space<vmem>>) offsets(%dma_start3A_56 : memref<125xi32, #tpu.memory_space<vmem>>) semaphore(%arg11 : memref<!tpu.dma_semaphore, #tpu.memory_space<semaphore_mem>>)
      %add3A_60 = arith.constant 1 : i32
      %add3A_61 = arith.addi %add3A_45, %add3A_60 : i32
      %dma_wait3A_62 = arith.constant 0 : i32
      %dma_wait3A_63 = tpu.memref_slice %arg15[%add3A_61, %dma_wait3A_62] : memref<40x125xi32, #tpu.memory_space<vmem>> -> memref<1x125xi32, #tpu.memory_space<vmem>>
      %dma_wait3A_64 = tpu.memref_squeeze %dma_wait3A_63 : memref<1x125xi32, #tpu.memory_space<vmem>> -> memref<125xi32, #tpu.memory_space<vmem>>
      %dma_wait3A_65 = arith.constant 0 : i32
      %dma_wait3A_66 = arith.constant 0 : i32
      %dma_wait3A_67 = tpu.memref_slice %arg2[%dma_wait3A_65, %dma_wait3A_66] : memref<10000x128xf32, #tpu.memory_space<hbm>> -> memref<10000x128xf32, #tpu.memory_space<hbm>>
      tpu.wait_indirect_dma semaphore(%arg12 : memref<!tpu.dma_semaphore, #tpu.memory_space<semaphore_mem>>) src(%dma_wait3A_67 : memref<10000x128xf32, #tpu.memory_space<hbm>>) dst(%arg9 : memref<125x128xf32, #tpu.memory_space<vmem>>)
      %add3A_68 = arith.constant 1 : i32
      %add3A_69 = arith.addi %add3A_45, %add3A_68 : i32
      "tpu.region"() ({
        %run_scoped3A_78 = tpu.sem_alloc : memref<!tpu.dma_semaphore, #tpu.memory_space<semaphore_mem>>
        %dma_start3A_79 = arith.constant 0 : i32
        %dma_start3A_80 = tpu.memref_slice %arg8[%add3A_69, %dma_start3A_79] : memref<40x125xi32, #tpu.memory_space<vmem>> -> memref<1x125xi32, #tpu.memory_space<vmem>>
        %dma_start3A_81 = tpu.memref_squeeze %dma_start3A_80 : memref<1x125xi32, #tpu.memory_space<vmem>> -> memref<125xi32, #tpu.memory_space<vmem>>
        %dma_start3A_82 = arith.constant 0 : i32
        %dma_start3A_83 = arith.constant 0 : i32
        %dma_start3A_84 = tpu.memref_slice %arg7[%dma_start3A_82, %dma_start3A_83] : memref<10240x128xf32, #tpu.memory_space<vmem_shared>> -> memref<10240x128xf32, #tpu.memory_space<vmem_shared>>
        tpu.enqueue_indirect_dma source(%arg9 : memref<125x128xf32, #tpu.memory_space<vmem>>) target(%dma_start3A_84 : memref<10240x128xf32, #tpu.memory_space<vmem_shared>>) offsets(%dma_start3A_81 : memref<125xi32, #tpu.memory_space<vmem>>) semaphore(%run_scoped3A_78 : memref<!tpu.dma_semaphore, #tpu.memory_space<semaphore_mem>>) {add = true}
        %dma_wait3A_85 = arith.constant 0 : i32
        %dma_wait3A_86 = tpu.memref_slice %arg8[%add3A_69, %dma_wait3A_85] : memref<40x125xi32, #tpu.memory_space<vmem>> -> memref<1x125xi32, #tpu.memory_space<vmem>>
        %dma_wait3A_87 = tpu.memref_squeeze %dma_wait3A_86 : memref<1x125xi32, #tpu.memory_space<vmem>> -> memref<125xi32, #tpu.memory_space<vmem>>
        %dma_wait3A_88 = arith.constant 0 : i32
        %dma_wait3A_89 = arith.constant 0 : i32
        %dma_wait3A_90 = tpu.memref_slice %arg7[%dma_wait3A_88, %dma_wait3A_89] : memref<10240x128xf32, #tpu.memory_space<vmem_shared>> -> memref<10240x128xf32, #tpu.memory_space<vmem_shared>>
        tpu.wait_indirect_dma semaphore(%run_scoped3A_78 : memref<!tpu.dma_semaphore, #tpu.memory_space<semaphore_mem>>) src(%arg9 : memref<125x128xf32, #tpu.memory_space<vmem>>) dst(%dma_wait3A_90 : memref<10240x128xf32, #tpu.memory_space<vmem_shared>>)
        tpu.yield
      }) : () -> ()
      %add3A_70 = arith.constant 3 : i32
      %add3A_71 = arith.addi %add3A_45, %add3A_70 : i32
      %dma_start3A_72 = arith.constant 0 : i32
      %dma_start3A_73 = tpu.memref_slice %arg15[%add3A_71, %dma_start3A_72] : memref<40x125xi32, #tpu.memory_space<vmem>> -> memref<1x125xi32, #tpu.memory_space<vmem>>
      %dma_start3A_74 = tpu.memref_squeeze %dma_start3A_73 : memref<1x125xi32, #tpu.memory_space<vmem>> -> memref<125xi32, #tpu.memory_space<vmem>>
      %dma_start3A_75 = arith.constant 0 : i32
      %dma_start3A_76 = arith.constant 0 : i32
      %dma_start3A_77 = tpu.memref_slice %arg2[%dma_start3A_75, %dma_start3A_76] : memref<10000x128xf32, #tpu.memory_space<hbm>> -> memref<10000x128xf32, #tpu.memory_space<hbm>>
      tpu.enqueue_indirect_dma source(%dma_start3A_77 : memref<10000x128xf32, #tpu.memory_space<hbm>>) target(%arg9 : memref<125x128xf32, #tpu.memory_space<vmem>>) offsets(%dma_start3A_74 : memref<125xi32, #tpu.memory_space<vmem>>) semaphore(%arg12 : memref<!tpu.dma_semaphore, #tpu.memory_space<semaphore_mem>>)
    }
    %scan3A_23 = arith.constant 19 : i32
    %dma_wait3A = arith.constant 38 : i32
    %dma_wait3A_24 = arith.constant 0 : i32
    %dma_wait3A_25 = tpu.memref_slice %arg15[%dma_wait3A, %dma_wait3A_24] : memref<40x125xi32, #tpu.memory_space<vmem>> -> memref<1x125xi32, #tpu.memory_space<vmem>>
    %dma_wait3A_26 = tpu.memref_squeeze %dma_wait3A_25 : memref<1x125xi32, #tpu.memory_space<vmem>> -> memref<125xi32, #tpu.memory_space<vmem>>
    %dma_wait3A_27 = arith.constant 0 : i32
    %dma_wait3A_28 = arith.constant 0 : i32
    %dma_wait3A_29 = tpu.memref_slice %arg2[%dma_wait3A_27, %dma_wait3A_28] : memref<10000x128xf32, #tpu.memory_space<hbm>> -> memref<10000x128xf32, #tpu.memory_space<hbm>>
    tpu.wait_indirect_dma semaphore(%arg11 : memref<!tpu.dma_semaphore, #tpu.memory_space<semaphore_mem>>) src(%dma_wait3A_29 : memref<10000x128xf32, #tpu.memory_space<hbm>>) dst(%arg10 : memref<125x128xf32, #tpu.memory_space<vmem>>)
    %run_scoped3A_30 = arith.constant 38 : i32
    "tpu.region"() ({
      %run_scoped3A_41 = tpu.sem_alloc : memref<!tpu.dma_semaphore, #tpu.memory_space<semaphore_mem>>
      %dma_start3A_42 = arith.constant 0 : i32
      %dma_start3A_43 = tpu.memref_slice %arg8[%run_scoped3A_30, %dma_start3A_42] : memref<40x125xi32, #tpu.memory_space<vmem>> -> memref<1x125xi32, #tpu.memory_space<vmem>>
      %dma_start3A_44 = tpu.memref_squeeze %dma_start3A_43 : memref<1x125xi32, #tpu.memory_space<vmem>> -> memref<125xi32, #tpu.memory_space<vmem>>
      %dma_start3A_45 = arith.constant 0 : i32
      %dma_start3A_46 = arith.constant 0 : i32
      %dma_start3A_47 = tpu.memref_slice %arg7[%dma_start3A_45, %dma_start3A_46] : memref<10240x128xf32, #tpu.memory_space<vmem_shared>> -> memref<10240x128xf32, #tpu.memory_space<vmem_shared>>
      tpu.enqueue_indirect_dma source(%arg10 : memref<125x128xf32, #tpu.memory_space<vmem>>) target(%dma_start3A_47 : memref<10240x128xf32, #tpu.memory_space<vmem_shared>>) offsets(%dma_start3A_44 : memref<125xi32, #tpu.memory_space<vmem>>) semaphore(%run_scoped3A_41 : memref<!tpu.dma_semaphore, #tpu.memory_space<semaphore_mem>>) {add = true}
      %dma_wait3A_48 = arith.constant 0 : i32
      %dma_wait3A_49 = tpu.memref_slice %arg8[%run_scoped3A_30, %dma_wait3A_48] : memref<40x125xi32, #tpu.memory_space<vmem>> -> memref<1x125xi32, #tpu.memory_space<vmem>>
      %dma_wait3A_50 = tpu.memref_squeeze %dma_wait3A_49 : memref<1x125xi32, #tpu.memory_space<vmem>> -> memref<125xi32, #tpu.memory_space<vmem>>
      %dma_wait3A_51 = arith.constant 0 : i32
      %dma_wait3A_52 = arith.constant 0 : i32
      %dma_wait3A_53 = tpu.memref_slice %arg7[%dma_wait3A_51, %dma_wait3A_52] : memref<10240x128xf32, #tpu.memory_space<vmem_shared>> -> memref<10240x128xf32, #tpu.memory_space<vmem_shared>>
      tpu.wait_indirect_dma semaphore(%run_scoped3A_41 : memref<!tpu.dma_semaphore, #tpu.memory_space<semaphore_mem>>) src(%arg10 : memref<125x128xf32, #tpu.memory_space<vmem>>) dst(%dma_wait3A_53 : memref<10240x128xf32, #tpu.memory_space<vmem_shared>>)
      tpu.yield
    }) : () -> ()
    %dma_wait3A_31 = arith.constant 39 : i32
    %dma_wait3A_32 = arith.constant 0 : i32
    %dma_wait3A_33 = tpu.memref_slice %arg15[%dma_wait3A_31, %dma_wait3A_32] : memref<40x125xi32, #tpu.memory_space<vmem>> -> memref<1x125xi32, #tpu.memory_space<vmem>>
    %dma_wait3A_34 = tpu.memref_squeeze %dma_wait3A_33 : memref<1x125xi32, #tpu.memory_space<vmem>> -> memref<125xi32, #tpu.memory_space<vmem>>
    %dma_wait3A_35 = arith.constant 0 : i32
    %dma_wait3A_36 = arith.constant 0 : i32
    %dma_wait3A_37 = tpu.memref_slice %arg2[%dma_wait3A_35, %dma_wait3A_36] : memref<10000x128xf32, #tpu.memory_space<hbm>> -> memref<10000x128xf32, #tpu.memory_space<hbm>>
    tpu.wait_indirect_dma semaphore(%arg12 : memref<!tpu.dma_semaphore, #tpu.memory_space<semaphore_mem>>) src(%dma_wait3A_37 : memref<10000x128xf32, #tpu.memory_space<hbm>>) dst(%arg9 : memref<125x128xf32, #tpu.memory_space<vmem>>)
    %run_scoped3A_38 = arith.constant 39 : i32
    "tpu.region"() ({
      %run_scoped3A_41 = tpu.sem_alloc : memref<!tpu.dma_semaphore, #tpu.memory_space<semaphore_mem>>
      %dma_start3A_42 = arith.constant 0 : i32
      %dma_start3A_43 = tpu.memref_slice %arg8[%run_scoped3A_38, %dma_start3A_42] : memref<40x125xi32, #tpu.memory_space<vmem>> -> memref<1x125xi32, #tpu.memory_space<vmem>>
      %dma_start3A_44 = tpu.memref_squeeze %dma_start3A_43 : memref<1x125xi32, #tpu.memory_space<vmem>> -> memref<125xi32, #tpu.memory_space<vmem>>
      %dma_start3A_45 = arith.constant 0 : i32
      %dma_start3A_46 = arith.constant 0 : i32
      %dma_start3A_47 = tpu.memref_slice %arg7[%dma_start3A_45, %dma_start3A_46] : memref<10240x128xf32, #tpu.memory_space<vmem_shared>> -> memref<10240x128xf32, #tpu.memory_space<vmem_shared>>
      tpu.enqueue_indirect_dma source(%arg9 : memref<125x128xf32, #tpu.memory_space<vmem>>) target(%dma_start3A_47 : memref<10240x128xf32, #tpu.memory_space<vmem_shared>>) offsets(%dma_start3A_44 : memref<125xi32, #tpu.memory_space<vmem>>) semaphore(%run_scoped3A_41 : memref<!tpu.dma_semaphore, #tpu.memory_space<semaphore_mem>>) {add = true}
      %dma_wait3A_48 = arith.constant 0 : i32
      %dma_wait3A_49 = tpu.memref_slice %arg8[%run_scoped3A_38, %dma_wait3A_48] : memref<40x125xi32, #tpu.memory_space<vmem>> -> memref<1x125xi32, #tpu.memory_space<vmem>>
      %dma_wait3A_50 = tpu.memref_squeeze %dma_wait3A_49 : memref<1x125xi32, #tpu.memory_space<vmem>> -> memref<125xi32, #tpu.memory_space<vmem>>
      %dma_wait3A_51 = arith.constant 0 : i32
      %dma_wait3A_52 = arith.constant 0 : i32
      %dma_wait3A_53 = tpu.memref_slice %arg7[%dma_wait3A_51, %dma_wait3A_52] : memref<10240x128xf32, #tpu.memory_space<vmem_shared>> -> memref<10240x128xf32, #tpu.memory_space<vmem_shared>>
      tpu.wait_indirect_dma semaphore(%run_scoped3A_41 : memref<!tpu.dma_semaphore, #tpu.memory_space<semaphore_mem>>) src(%arg9 : memref<125x128xf32, #tpu.memory_space<vmem>>) dst(%dma_wait3A_53 : memref<10240x128xf32, #tpu.memory_space<vmem_shared>>)
      tpu.yield
    }) : () -> ()
    %barrier3A_39 = arith.constant 0 : index
    tpu.barrier barrier_id(%barrier3A_39)
    "tpu.region"() ({
      %run_scoped3A_41 = tpu.sem_alloc : memref<!tpu.dma_semaphore, #tpu.memory_space<semaphore_mem>>
      %dma_start3A_42 = arith.constant 0 : i32
      %dma_start3A_43 = tpu.memref_slice %arg6[%add3A_5, %dma_start3A_42] : memref<20480x128xf32, #tpu.memory_space<hbm>> -> memref<640x128xf32, #tpu.memory_space<hbm>>
      %dma_start3A_44 = arith.constant 0 : i32
      %dma_start3A_45 = tpu.memref_slice %arg7[%mul3A_2, %dma_start3A_44] : memref<10240x128xf32, #tpu.memory_space<vmem_shared>> -> memref<640x128xf32, #tpu.memory_space<vmem_shared>>
      tpu.enqueue_dma source(%dma_start3A_45 : memref<640x128xf32, #tpu.memory_space<vmem_shared>>) target(%dma_start3A_43 : memref<640x128xf32, #tpu.memory_space<hbm>>) target_semaphore(%run_scoped3A_41 : memref<!tpu.dma_semaphore, #tpu.memory_space<semaphore_mem>>)
      %dma_wait3A_46 = arith.constant 0 : i32
      %dma_wait3A_47 = tpu.memref_slice %arg6[%add3A_5, %dma_wait3A_46] : memref<20480x128xf32, #tpu.memory_space<hbm>> -> memref<640x128xf32, #tpu.memory_space<hbm>>
      %dma_wait3A_48 = arith.constant 0 : i32
      %dma_wait3A_49 = tpu.memref_slice %arg7[%mul3A_2, %dma_wait3A_48] : memref<10240x128xf32, #tpu.memory_space<vmem_shared>> -> memref<640x128xf32, #tpu.memory_space<vmem_shared>>
      tpu.wait_dma2 semaphore(%run_scoped3A_41 : memref<!tpu.dma_semaphore, #tpu.memory_space<semaphore_mem>>) src(%dma_wait3A_49 : memref<640x128xf32, #tpu.memory_space<vmem_shared>>) dst(%dma_wait3A_47 : memref<640x128xf32, #tpu.memory_space<hbm>>)
      tpu.yield
    }) : () -> ()
    %barrier3A_40 = arith.constant 0 : index
    tpu.barrier barrier_id(%barrier3A_40)
    return
  }
}

module attributes {stable_mosaic.version = 14 : i64} {
  func.func @_xt_body(%arg0: i32, %arg1: memref<1000x256xf32, #tpu.memory_space<vmem>>, %arg2: memref<1000x128xf32, #tpu.memory_space<vmem>>, %arg3: memref<1000x128xf32, #tpu.memory_space<vmem>>) attributes {dimension_semantics = [#tpu.dimension_semantics<arbitrary>], iteration_bounds = array<i64: 10>, scalar_prefetch = 0 : i64, scratch_operands = 0 : i64, tpu.core_type = #tpu.core_type<tc>, window_params = [{transform_indices = @transform_0, window_bounds = array<i64: 1000, 256>}, {transform_indices = @transform_1, window_bounds = array<i64: 1000, 128>}, {transform_indices = @transform_2, window_bounds = array<i64: 1000, 128>}]} {
    %get3A = arith.constant 0 : index
    %get3A_0 = arith.constant 0 : index
    %get3A_1 = vector.load %arg1[%get3A, %get3A_0] : memref<1000x256xf32, #tpu.memory_space<vmem>>, vector<1000x256xf32>
    %slice3A = vector.extract_strided_slice %get3A_1 {offsets = [0, 0], sizes = [1000, 128], strides = [1, 1]} : vector<1000x256xf32> to vector<1000x128xf32>
    %swap3A = arith.constant 0 : index
    %swap3A_2 = arith.constant 0 : index
    %swap3A_3 = vector.load %arg2[%swap3A, %swap3A_2] : memref<1000x128xf32, #tpu.memory_space<vmem>>, vector<1000x128xf32>
    tpu.vector_store %arg2[%swap3A, %swap3A_2], %slice3A {strides = array<i32>} : memref<1000x128xf32, #tpu.memory_space<vmem>>, vector<1000x128xf32>,
    %slice3A_4 = vector.extract_strided_slice %get3A_1 {offsets = [0, 128], sizes = [1000, 128], strides = [1, 1]} : vector<1000x256xf32> to vector<1000x128xf32>
    %swap3A_5 = arith.constant 0 : index
    %swap3A_6 = arith.constant 0 : index
    %swap3A_7 = vector.load %arg3[%swap3A_5, %swap3A_6] : memref<1000x128xf32, #tpu.memory_space<vmem>>, vector<1000x128xf32>
    tpu.vector_store %arg3[%swap3A_5, %swap3A_6], %slice3A_4 {strides = array<i32>} : memref<1000x128xf32, #tpu.memory_space<vmem>>, vector<1000x128xf32>,
    return
  }
  func.func @transform_0(%arg0: i32) -> (i32, i32) {
    %c0_i32 = arith.constant 0 : i32
    %c0_i32_0 = arith.constant 0 : i32
    return %arg0, %c0_i32 : i32, i32
  }
  func.func @transform_1(%arg0: i32) -> (i32, i32) {
    %c0_i32 = arith.constant 0 : i32
    %c0_i32_0 = arith.constant 0 : i32
    return %arg0, %c0_i32 : i32, i32
  }
  func.func @transform_2(%arg0: i32) -> (i32, i32) {
    %c0_i32 = arith.constant 0 : i32
    %c0_i32_0 = arith.constant 0 : i32
    return %arg0, %c0_i32 : i32, i32
  }
}

module attributes {stable_mosaic.version = 14 : i64} {
  func.func @_layer0_body(%arg0: i32, %arg1: memref<1000x256xf32, #tpu.memory_space<vmem>>, %arg2: memref<2x1000x128xf32, #tpu.memory_space<vmem>>, %arg3: memref<2x1000x128xf32, #tpu.memory_space<vmem>>, %arg4: memref<2x1000x128xf32, #tpu.memory_space<vmem>>, %arg5: memref<256x512xf32, #tpu.memory_space<vmem>>, %arg6: memref<1x512xf32, #tpu.memory_space<vmem>>, %arg7: memref<1000x128xf32, #tpu.memory_space<vmem>>, %arg8: memref<1000x128xf32, #tpu.memory_space<vmem>>, %arg9: memref<1000x128xf32, #tpu.memory_space<vmem>>, %arg10: memref<1000x128xf32, #tpu.memory_space<vmem>>) attributes {dimension_semantics = [#tpu.dimension_semantics<arbitrary>], iteration_bounds = array<i64: 10>, scalar_prefetch = 0 : i64, scratch_operands = 0 : i64, tpu.core_type = #tpu.core_type<tc>, window_params = [{transform_indices = @transform_0, window_bounds = array<i64: 1000, 256>}, {transform_indices = @transform_1, window_bounds = array<i64: 2, 1000, 128>}, {transform_indices = @transform_2, window_bounds = array<i64: 2, 1000, 128>}, {transform_indices = @transform_3, window_bounds = array<i64: 2, 1000, 128>}, {pipeline_mode = #tpu.pipeline_mode<synchronous>, transform_indices = @transform_4, window_bounds = array<i64: 256, 512>}, {pipeline_mode = #tpu.pipeline_mode<synchronous>, transform_indices = @transform_5, window_bounds = array<i64: 1, 512>}, {transform_indices = @transform_6, window_bounds = array<i64: 1000, 128>}, {transform_indices = @transform_7, window_bounds = array<i64: 1000, 128>}, {transform_indices = @transform_8, window_bounds = array<i64: 1000, 128>}, {transform_indices = @transform_9, window_bounds = array<i64: 1000, 128>}]} {
    %get3A = arith.constant 0 : index
    %get3A_0 = arith.constant 0 : index
    %get3A_1 = arith.constant 0 : index
    %get3A_2 = vector.load %arg4[%get3A, %get3A_0, %get3A_1] : memref<2x1000x128xf32, #tpu.memory_space<vmem>>, vector<2x1000x128xf32>
    %slice3A = vector.extract_strided_slice %get3A_2 {offsets = [0, 0, 0], sizes = [1, 1000, 1], strides = [1, 1, 1]} : vector<2x1000x128xf32> to vector<1x1000x1xf32>
    %squeeze3A = vector.shape_cast %slice3A : vector<1x1000x1xf32> to vector<1000x1xf32>
    %slice3A_3 = vector.extract_strided_slice %get3A_2 {offsets = [1, 0, 0], sizes = [1, 1000, 1], strides = [1, 1, 1]} : vector<2x1000x128xf32> to vector<1x1000x1xf32>
    %squeeze3A_4 = vector.shape_cast %slice3A_3 : vector<1x1000x1xf32> to vector<1000x1xf32>
    %add3A = arith.addf %squeeze3A, %squeeze3A_4 : vector<1000x1xf32>
    %max3A = arith.constant 1.000000e+00 : f32
    %max3A_5 = vector.broadcast %max3A : f32 to vector<1000x1xf32>
    %max3A_6 = arith.maximumf %add3A, %max3A_5 : vector<1000x1xf32>
    %get3A_7 = arith.constant 0 : index
    %get3A_8 = arith.constant 0 : index
    %get3A_9 = arith.constant 0 : index
    %get3A_10 = vector.load %arg2[%get3A_7, %get3A_8, %get3A_9] : memref<2x1000x128xf32, #tpu.memory_space<vmem>>, vector<1x1000x128xf32>
    %get3A_11 = vector.shape_cast %get3A_10 : vector<1x1000x128xf32> to vector<1000x128xf32>
    %get3A_12 = arith.constant 1 : index
    %get3A_13 = arith.constant 0 : index
    %get3A_14 = arith.constant 0 : index
    %get3A_15 = vector.load %arg2[%get3A_12, %get3A_13, %get3A_14] : memref<2x1000x128xf32, #tpu.memory_space<vmem>>, vector<1x1000x128xf32>
    %get3A_16 = vector.shape_cast %get3A_15 : vector<1x1000x128xf32> to vector<1000x128xf32>
    %add3A_17 = arith.addf %get3A_11, %get3A_16 : vector<1000x128xf32>
    %get3A_18 = arith.constant 0 : index
    %get3A_19 = arith.constant 0 : index
    %get3A_20 = arith.constant 0 : index
    %get3A_21 = vector.load %arg3[%get3A_18, %get3A_19, %get3A_20] : memref<2x1000x128xf32, #tpu.memory_space<vmem>>, vector<1x1000x128xf32>
    %get3A_22 = vector.shape_cast %get3A_21 : vector<1x1000x128xf32> to vector<1000x128xf32>
    %get3A_23 = arith.constant 1 : index
    %get3A_24 = arith.constant 0 : index
    %get3A_25 = arith.constant 0 : index
    %get3A_26 = vector.load %arg3[%get3A_23, %get3A_24, %get3A_25] : memref<2x1000x128xf32, #tpu.memory_space<vmem>>, vector<1x1000x128xf32>
    %get3A_27 = vector.shape_cast %get3A_26 : vector<1x1000x128xf32> to vector<1000x128xf32>
    %add3A_28 = arith.addf %get3A_22, %get3A_27 : vector<1000x128xf32>
    %concatenate3A = tpu.concatenate %add3A_17, %add3A_28 in 1 : vector<1000x128xf32>, vector<1000x128xf32> -> vector<1000x256xf32>
    %get3A_29 = arith.constant 0 : index
    %get3A_30 = arith.constant 0 : index
    %get3A_31 = vector.load %arg1[%get3A_29, %get3A_30] : memref<1000x256xf32, #tpu.memory_space<vmem>>, vector<1000x256xf32>
    %div3A = vector.broadcast %max3A_6 : vector<1000x1xf32> to vector<1000x256xf32>
    %div3A_32 = arith.divf %concatenate3A, %div3A : vector<1000x256xf32>
    %add3A_33 = arith.addf %get3A_31, %div3A_32 : vector<1000x256xf32>
    %get3A_34 = arith.constant 0 : index
    %get3A_35 = arith.constant 0 : index
    %get3A_36 = vector.load %arg5[%get3A_34, %get3A_35] : memref<256x512xf32, #tpu.memory_space<vmem>>, vector<256x512xf32>
    %dot_general3A = arith.constant dense<0.000000e+00> : vector<1000x512xf32>
    %dot_general3A_37 = tpu.matmul %add3A_33, %get3A_36, %dot_general3A {dimension_numbers = #tpu.dot_dimension_numbers<[1], [0], [0], [1], [0, 0, 1, 1], [], []>, transpose_lhs_hint = false} : vector<1000x256xf32>, vector<256x512xf32>, vector<1000x512xf32> -> vector<1000x512xf32>
    %get3A_38 = arith.constant 0 : index
    %get3A_39 = arith.constant 0 : index
    %get3A_40 = vector.load %arg6[%get3A_38, %get3A_39] : memref<1x512xf32, #tpu.memory_space<vmem>>, vector<1x512xf32>
    %add3A_41 = vector.broadcast %get3A_40 : vector<1x512xf32> to vector<1000x512xf32>
    %add3A_42 = arith.addf %dot_general3A_37, %add3A_41 : vector<1000x512xf32>
    %max3A_43 = arith.constant 0.000000e+00 : f32
    %max3A_44 = vector.broadcast %max3A_43 : f32 to vector<1000x512xf32>
    %max3A_45 = arith.maximumf %add3A_42, %max3A_44 : vector<1000x512xf32>
    %slice3A_46 = vector.extract_strided_slice %max3A_45 {offsets = [0, 0], sizes = [1000, 128], strides = [1, 1]} : vector<1000x512xf32> to vector<1000x128xf32>
    %swap3A = arith.constant 0 : index
    %swap3A_47 = arith.constant 0 : index
    %swap3A_48 = vector.load %arg7[%swap3A, %swap3A_47] : memref<1000x128xf32, #tpu.memory_space<vmem>>, vector<1000x128xf32>
    tpu.vector_store %arg7[%swap3A, %swap3A_47], %slice3A_46 {strides = array<i32>} : memref<1000x128xf32, #tpu.memory_space<vmem>>, vector<1000x128xf32>,
    %slice3A_49 = vector.extract_strided_slice %max3A_45 {offsets = [0, 128], sizes = [1000, 128], strides = [1, 1]} : vector<1000x512xf32> to vector<1000x128xf32>
    %swap3A_50 = arith.constant 0 : index
    %swap3A_51 = arith.constant 0 : index
    %swap3A_52 = vector.load %arg8[%swap3A_50, %swap3A_51] : memref<1000x128xf32, #tpu.memory_space<vmem>>, vector<1000x128xf32>
    tpu.vector_store %arg8[%swap3A_50, %swap3A_51], %slice3A_49 {strides = array<i32>} : memref<1000x128xf32, #tpu.memory_space<vmem>>, vector<1000x128xf32>,
    %slice3A_53 = vector.extract_strided_slice %max3A_45 {offsets = [0, 256], sizes = [1000, 128], strides = [1, 1]} : vector<1000x512xf32> to vector<1000x128xf32>
    %swap3A_54 = arith.constant 0 : index
    %swap3A_55 = arith.constant 0 : index
    %swap3A_56 = vector.load %arg9[%swap3A_54, %swap3A_55] : memref<1000x128xf32, #tpu.memory_space<vmem>>, vector<1000x128xf32>
    tpu.vector_store %arg9[%swap3A_54, %swap3A_55], %slice3A_53 {strides = array<i32>} : memref<1000x128xf32, #tpu.memory_space<vmem>>, vector<1000x128xf32>,
    %slice3A_57 = vector.extract_strided_slice %max3A_45 {offsets = [0, 384], sizes = [1000, 128], strides = [1, 1]} : vector<1000x512xf32> to vector<1000x128xf32>
    %swap3A_58 = arith.constant 0 : index
    %swap3A_59 = arith.constant 0 : index
    %swap3A_60 = vector.load %arg10[%swap3A_58, %swap3A_59] : memref<1000x128xf32, #tpu.memory_space<vmem>>, vector<1000x128xf32>
    tpu.vector_store %arg10[%swap3A_58, %swap3A_59], %slice3A_57 {strides = array<i32>} : memref<1000x128xf32, #tpu.memory_space<vmem>>, vector<1000x128xf32>,
    return
  }
  func.func @transform_0(%arg0: i32) -> (i32, i32) {
    %c0_i32 = arith.constant 0 : i32
    %c0_i32_0 = arith.constant 0 : i32
    return %arg0, %c0_i32 : i32, i32
  }
  func.func @transform_1(%arg0: i32) -> (i32, i32, i32) {
    %c0_i32 = arith.constant 0 : i32
    %c0_i32_0 = arith.constant 0 : i32
    %c0_i32_1 = arith.constant 0 : i32
    return %c0_i32, %arg0, %c0_i32_0 : i32, i32, i32
  }
  func.func @transform_2(%arg0: i32) -> (i32, i32, i32) {
    %c0_i32 = arith.constant 0 : i32
    %c0_i32_0 = arith.constant 0 : i32
    %c0_i32_1 = arith.constant 0 : i32
    return %c0_i32, %arg0, %c0_i32_0 : i32, i32, i32
  }
  func.func @transform_3(%arg0: i32) -> (i32, i32, i32) {
    %c0_i32 = arith.constant 0 : i32
    %c0_i32_0 = arith.constant 0 : i32
    %c0_i32_1 = arith.constant 0 : i32
    return %c0_i32, %arg0, %c0_i32_0 : i32, i32, i32
  }
  func.func @transform_4(%arg0: i32) -> (i32, i32) {
    %c0_i32 = arith.constant 0 : i32
    %c0_i32_0 = arith.constant 0 : i32
    %c0_i32_1 = arith.constant 0 : i32
    return %c0_i32, %c0_i32_0 : i32, i32
  }
  func.func @transform_5(%arg0: i32) -> (i32, i32) {
    %c0_i32 = arith.constant 0 : i32
    %c0_i32_0 = arith.constant 0 : i32
    %c0_i32_1 = arith.constant 0 : i32
    return %c0_i32, %c0_i32_0 : i32, i32
  }
  func.func @transform_6(%arg0: i32) -> (i32, i32) {
    %c0_i32 = arith.constant 0 : i32
    %c0_i32_0 = arith.constant 0 : i32
    return %arg0, %c0_i32 : i32, i32
  }
  func.func @transform_7(%arg0: i32) -> (i32, i32) {
    %c0_i32 = arith.constant 0 : i32
    %c0_i32_0 = arith.constant 0 : i32
    return %arg0, %c0_i32 : i32, i32
  }
  func.func @transform_8(%arg0: i32) -> (i32, i32) {
    %c0_i32 = arith.constant 0 : i32
    %c0_i32_0 = arith.constant 0 : i32
    return %arg0, %c0_i32 : i32, i32
  }
  func.func @transform_9(%arg0: i32) -> (i32, i32) {
    %c0_i32 = arith.constant 0 : i32
    %c0_i32_0 = arith.constant 0 : i32
    return %arg0, %c0_i32 : i32, i32
  }
}

module attributes {stable_mosaic.version = 14 : i64} {
  func.func @_layer1_body(%arg0: i32, %arg1: memref<1000x128xf32, #tpu.memory_space<vmem>>, %arg2: memref<1000x128xf32, #tpu.memory_space<vmem>>, %arg3: memref<1000x128xf32, #tpu.memory_space<vmem>>, %arg4: memref<1000x128xf32, #tpu.memory_space<vmem>>, %arg5: memref<2x1000x128xf32, #tpu.memory_space<vmem>>, %arg6: memref<2x1000x128xf32, #tpu.memory_space<vmem>>, %arg7: memref<2x1000x128xf32, #tpu.memory_space<vmem>>, %arg8: memref<2x1000x128xf32, #tpu.memory_space<vmem>>, %arg9: memref<2x1000x128xf32, #tpu.memory_space<vmem>>, %arg10: memref<512x512xf32, #tpu.memory_space<vmem>>, %arg11: memref<1x512xf32, #tpu.memory_space<vmem>>, %arg12: memref<512x128xf32, #tpu.memory_space<vmem>>, %arg13: memref<1000x128xf32, #tpu.memory_space<vmem>>) attributes {dimension_semantics = [#tpu.dimension_semantics<arbitrary>], iteration_bounds = array<i64: 10>, scalar_prefetch = 0 : i64, scratch_operands = 0 : i64, tpu.core_type = #tpu.core_type<tc>, window_params = [{transform_indices = @transform_0, window_bounds = array<i64: 1000, 128>}, {transform_indices = @transform_1, window_bounds = array<i64: 1000, 128>}, {transform_indices = @transform_2, window_bounds = array<i64: 1000, 128>}, {transform_indices = @transform_3, window_bounds = array<i64: 1000, 128>}, {transform_indices = @transform_4, window_bounds = array<i64: 2, 1000, 128>}, {transform_indices = @transform_5, window_bounds = array<i64: 2, 1000, 128>}, {transform_indices = @transform_6, window_bounds = array<i64: 2, 1000, 128>}, {transform_indices = @transform_7, window_bounds = array<i64: 2, 1000, 128>}, {transform_indices = @transform_8, window_bounds = array<i64: 2, 1000, 128>}, {pipeline_mode = #tpu.pipeline_mode<synchronous>, transform_indices = @transform_9, window_bounds = array<i64: 512, 512>}, {pipeline_mode = #tpu.pipeline_mode<synchronous>, transform_indices = @transform_10, window_bounds = array<i64: 1, 512>}, {pipeline_mode = #tpu.pipeline_mode<synchronous>, transform_indices = @transform_11, window_bounds = array<i64: 512, 128>}, {transform_indices = @transform_12, window_bounds = array<i64: 1000, 128>}]} {
    %get3A = arith.constant 0 : index
    %get3A_0 = arith.constant 0 : index
    %get3A_1 = arith.constant 0 : index
    %get3A_2 = vector.load %arg9[%get3A, %get3A_0, %get3A_1] : memref<2x1000x128xf32, #tpu.memory_space<vmem>>, vector<2x1000x128xf32>
    %slice3A = vector.extract_strided_slice %get3A_2 {offsets = [0, 0, 0], sizes = [1, 1000, 1], strides = [1, 1, 1]} : vector<2x1000x128xf32> to vector<1x1000x1xf32>
    %squeeze3A = vector.shape_cast %slice3A : vector<1x1000x1xf32> to vector<1000x1xf32>
    %slice3A_3 = vector.extract_strided_slice %get3A_2 {offsets = [1, 0, 0], sizes = [1, 1000, 1], strides = [1, 1, 1]} : vector<2x1000x128xf32> to vector<1x1000x1xf32>
    %squeeze3A_4 = vector.shape_cast %slice3A_3 : vector<1x1000x1xf32> to vector<1000x1xf32>
    %add3A = arith.addf %squeeze3A, %squeeze3A_4 : vector<1000x1xf32>
    %max3A = arith.constant 1.000000e+00 : f32
    %max3A_5 = vector.broadcast %max3A : f32 to vector<1000x1xf32>
    %max3A_6 = arith.maximumf %add3A, %max3A_5 : vector<1000x1xf32>
    %get3A_7 = arith.constant 0 : index
    %get3A_8 = arith.constant 0 : index
    %get3A_9 = vector.load %arg1[%get3A_7, %get3A_8] : memref<1000x128xf32, #tpu.memory_space<vmem>>, vector<1000x128xf32>
    %get3A_10 = arith.constant 0 : index
    %get3A_11 = arith.constant 0 : index
    %get3A_12 = vector.load %arg2[%get3A_10, %get3A_11] : memref<1000x128xf32, #tpu.memory_space<vmem>>, vector<1000x128xf32>
    %get3A_13 = arith.constant 0 : index
    %get3A_14 = arith.constant 0 : index
    %get3A_15 = vector.load %arg3[%get3A_13, %get3A_14] : memref<1000x128xf32, #tpu.memory_space<vmem>>, vector<1000x128xf32>
    %get3A_16 = arith.constant 0 : index
    %get3A_17 = arith.constant 0 : index
    %get3A_18 = vector.load %arg4[%get3A_16, %get3A_17] : memref<1000x128xf32, #tpu.memory_space<vmem>>, vector<1000x128xf32>
    %concatenate3A = tpu.concatenate %get3A_9, %get3A_12, %get3A_15, %get3A_18 in 1 : vector<1000x128xf32>, vector<1000x128xf32>, vector<1000x128xf32>, vector<1000x128xf32> -> vector<1000x512xf32>
    %get3A_19 = arith.constant 0 : index
    %get3A_20 = arith.constant 0 : index
    %get3A_21 = arith.constant 0 : index
    %get3A_22 = vector.load %arg5[%get3A_19, %get3A_20, %get3A_21] : memref<2x1000x128xf32, #tpu.memory_space<vmem>>, vector<1x1000x128xf32>
    %get3A_23 = vector.shape_cast %get3A_22 : vector<1x1000x128xf32> to vector<1000x128xf32>
    %get3A_24 = arith.constant 1 : index
    %get3A_25 = arith.constant 0 : index
    %get3A_26 = arith.constant 0 : index
    %get3A_27 = vector.load %arg5[%get3A_24, %get3A_25, %get3A_26] : memref<2x1000x128xf32, #tpu.memory_space<vmem>>, vector<1x1000x128xf32>
    %get3A_28 = vector.shape_cast %get3A_27 : vector<1x1000x128xf32> to vector<1000x128xf32>
    %add3A_29 = arith.addf %get3A_23, %get3A_28 : vector<1000x128xf32>
    %get3A_30 = arith.constant 0 : index
    %get3A_31 = arith.constant 0 : index
    %get3A_32 = arith.constant 0 : index
    %get3A_33 = vector.load %arg6[%get3A_30, %get3A_31, %get3A_32] : memref<2x1000x128xf32, #tpu.memory_space<vmem>>, vector<1x1000x128xf32>
    %get3A_34 = vector.shape_cast %get3A_33 : vector<1x1000x128xf32> to vector<1000x128xf32>
    %get3A_35 = arith.constant 1 : index
    %get3A_36 = arith.constant 0 : index
    %get3A_37 = arith.constant 0 : index
    %get3A_38 = vector.load %arg6[%get3A_35, %get3A_36, %get3A_37] : memref<2x1000x128xf32, #tpu.memory_space<vmem>>, vector<1x1000x128xf32>
    %get3A_39 = vector.shape_cast %get3A_38 : vector<1x1000x128xf32> to vector<1000x128xf32>
    %add3A_40 = arith.addf %get3A_34, %get3A_39 : vector<1000x128xf32>
    %get3A_41 = arith.constant 0 : index
    %get3A_42 = arith.constant 0 : index
    %get3A_43 = arith.constant 0 : index
    %get3A_44 = vector.load %arg7[%get3A_41, %get3A_42, %get3A_43] : memref<2x1000x128xf32, #tpu.memory_space<vmem>>, vector<1x1000x128xf32>
    %get3A_45 = vector.shape_cast %get3A_44 : vector<1x1000x128xf32> to vector<1000x128xf32>
    %get3A_46 = arith.constant 1 : index
    %get3A_47 = arith.constant 0 : index
    %get3A_48 = arith.constant 0 : index
    %get3A_49 = vector.load %arg7[%get3A_46, %get3A_47, %get3A_48] : memref<2x1000x128xf32, #tpu.memory_space<vmem>>, vector<1x1000x128xf32>
    %get3A_50 = vector.shape_cast %get3A_49 : vector<1x1000x128xf32> to vector<1000x128xf32>
    %add3A_51 = arith.addf %get3A_45, %get3A_50 : vector<1000x128xf32>
    %get3A_52 = arith.constant 0 : index
    %get3A_53 = arith.constant 0 : index
    %get3A_54 = arith.constant 0 : index
    %get3A_55 = vector.load %arg8[%get3A_52, %get3A_53, %get3A_54] : memref<2x1000x128xf32, #tpu.memory_space<vmem>>, vector<1x1000x128xf32>
    %get3A_56 = vector.shape_cast %get3A_55 : vector<1x1000x128xf32> to vector<1000x128xf32>
    %get3A_57 = arith.constant 1 : index
    %get3A_58 = arith.constant 0 : index
    %get3A_59 = arith.constant 0 : index
    %get3A_60 = vector.load %arg8[%get3A_57, %get3A_58, %get3A_59] : memref<2x1000x128xf32, #tpu.memory_space<vmem>>, vector<1x1000x128xf32>
    %get3A_61 = vector.shape_cast %get3A_60 : vector<1x1000x128xf32> to vector<1000x128xf32>
    %add3A_62 = arith.addf %get3A_56, %get3A_61 : vector<1000x128xf32>
    %concatenate3A_63 = tpu.concatenate %add3A_29, %add3A_40, %add3A_51, %add3A_62 in 1 : vector<1000x128xf32>, vector<1000x128xf32>, vector<1000x128xf32>, vector<1000x128xf32> -> vector<1000x512xf32>
    %div3A = vector.broadcast %max3A_6 : vector<1000x1xf32> to vector<1000x512xf32>
    %div3A_64 = arith.divf %concatenate3A_63, %div3A : vector<1000x512xf32>
    %add3A_65 = arith.addf %concatenate3A, %div3A_64 : vector<1000x512xf32>
    %get3A_66 = arith.constant 0 : index
    %get3A_67 = arith.constant 0 : index
    %get3A_68 = vector.load %arg10[%get3A_66, %get3A_67] : memref<512x512xf32, #tpu.memory_space<vmem>>, vector<512x512xf32>
    %dot_general3A = arith.constant dense<0.000000e+00> : vector<1000x512xf32>
    %dot_general3A_69 = tpu.matmul %add3A_65, %get3A_68, %dot_general3A {dimension_numbers = #tpu.dot_dimension_numbers<[1], [0], [0], [1], [0, 0, 1, 1], [], []>, transpose_lhs_hint = false} : vector<1000x512xf32>, vector<512x512xf32>, vector<1000x512xf32> -> vector<1000x512xf32>
    %get3A_70 = arith.constant 0 : index
    %get3A_71 = arith.constant 0 : index
    %get3A_72 = vector.load %arg11[%get3A_70, %get3A_71] : memref<1x512xf32, #tpu.memory_space<vmem>>, vector<1x512xf32>
    %add3A_73 = vector.broadcast %get3A_72 : vector<1x512xf32> to vector<1000x512xf32>
    %add3A_74 = arith.addf %dot_general3A_69, %add3A_73 : vector<1000x512xf32>
    %max3A_75 = arith.constant 0.000000e+00 : f32
    %max3A_76 = vector.broadcast %max3A_75 : f32 to vector<1000x512xf32>
    %max3A_77 = arith.maximumf %add3A_74, %max3A_76 : vector<1000x512xf32>
    %get3A_78 = arith.constant 0 : index
    %get3A_79 = arith.constant 0 : index
    %get3A_80 = vector.load %arg12[%get3A_78, %get3A_79] : memref<512x128xf32, #tpu.memory_space<vmem>>, vector<512x128xf32>
    %dot_general3A_81 = arith.constant dense<0.000000e+00> : vector<1000x128xf32>
    %dot_general3A_82 = tpu.matmul %max3A_77, %get3A_80, %dot_general3A_81 {dimension_numbers = #tpu.dot_dimension_numbers<[1], [0], [0], [1], [0, 0, 1, 1], [], []>, transpose_lhs_hint = false} : vector<1000x512xf32>, vector<512x128xf32>, vector<1000x128xf32> -> vector<1000x128xf32>
    %swap3A = arith.constant 0 : index
    %swap3A_83 = arith.constant 0 : index
    %swap3A_84 = vector.load %arg13[%swap3A, %swap3A_83] : memref<1000x128xf32, #tpu.memory_space<vmem>>, vector<1000x128xf32>
    tpu.vector_store %arg13[%swap3A, %swap3A_83], %dot_general3A_82 {strides = array<i32>} : memref<1000x128xf32, #tpu.memory_space<vmem>>, vector<1000x128xf32>,
    return
  }
  func.func @transform_0(%arg0: i32) -> (i32, i32) {
    %c0_i32 = arith.constant 0 : i32
    %c0_i32_0 = arith.constant 0 : i32
    return %arg0, %c0_i32 : i32, i32
  }
  func.func @transform_1(%arg0: i32) -> (i32, i32) {
    %c0_i32 = arith.constant 0 : i32
    %c0_i32_0 = arith.constant 0 : i32
    return %arg0, %c0_i32 : i32, i32
  }
  func.func @transform_2(%arg0: i32) -> (i32, i32) {
    %c0_i32 = arith.constant 0 : i32
    %c0_i32_0 = arith.constant 0 : i32
    return %arg0, %c0_i32 : i32, i32
  }
  func.func @transform_3(%arg0: i32) -> (i32, i32) {
    %c0_i32 = arith.constant 0 : i32
    %c0_i32_0 = arith.constant 0 : i32
    return %arg0, %c0_i32 : i32, i32
  }
  func.func @transform_4(%arg0: i32) -> (i32, i32, i32) {
    %c0_i32 = arith.constant 0 : i32
    %c0_i32_0 = arith.constant 0 : i32
    %c0_i32_1 = arith.constant 0 : i32
    return %c0_i32, %arg0, %c0_i32_0 : i32, i32, i32
  }
  func.func @transform_5(%arg0: i32) -> (i32, i32, i32) {
    %c0_i32 = arith.constant 0 : i32
    %c0_i32_0 = arith.constant 0 : i32
    %c0_i32_1 = arith.constant 0 : i32
    return %c0_i32, %arg0, %c0_i32_0 : i32, i32, i32
  }
  func.func @transform_6(%arg0: i32) -> (i32, i32, i32) {
    %c0_i32 = arith.constant 0 : i32
    %c0_i32_0 = arith.constant 0 : i32
    %c0_i32_1 = arith.constant 0 : i32
    return %c0_i32, %arg0, %c0_i32_0 : i32, i32, i32
  }
  func.func @transform_7(%arg0: i32) -> (i32, i32, i32) {
    %c0_i32 = arith.constant 0 : i32
    %c0_i32_0 = arith.constant 0 : i32
    %c0_i32_1 = arith.constant 0 : i32
    return %c0_i32, %arg0, %c0_i32_0 : i32, i32, i32
  }
  func.func @transform_8(%arg0: i32) -> (i32, i32, i32) {
    %c0_i32 = arith.constant 0 : i32
    %c0_i32_0 = arith.constant 0 : i32
    %c0_i32_1 = arith.constant 0 : i32
    return %c0_i32, %arg0, %c0_i32_0 : i32, i32, i32
  }
  func.func @transform_9(%arg0: i32) -> (i32, i32) {
    %c0_i32 = arith.constant 0 : i32
    %c0_i32_0 = arith.constant 0 : i32
    %c0_i32_1 = arith.constant 0 : i32
    return %c0_i32, %c0_i32_0 : i32, i32
  }
  func.func @transform_10(%arg0: i32) -> (i32, i32) {
    %c0_i32 = arith.constant 0 : i32
    %c0_i32_0 = arith.constant 0 : i32
    %c0_i32_1 = arith.constant 0 : i32
    return %c0_i32, %c0_i32_0 : i32, i32
  }
  func.func @transform_11(%arg0: i32) -> (i32, i32) {
    %c0_i32 = arith.constant 0 : i32
    %c0_i32_0 = arith.constant 0 : i32
    %c0_i32_1 = arith.constant 0 : i32
    return %c0_i32, %c0_i32_0 : i32, i32
  }
  func.func @transform_12(%arg0: i32) -> (i32, i32) {
    %c0_i32 = arith.constant 0 : i32
    %c0_i32_0 = arith.constant 0 : i32
    return %arg0, %c0_i32 : i32, i32
  }
}

module attributes {stable_mosaic.version = 14 : i64} {
  func.func @_weak_body(%arg0: i32, %arg1: memref<1000x256xf32, #tpu.memory_space<vmem>>, %arg2: memref<256x512xf32, #tpu.memory_space<vmem>>, %arg3: memref<1x512xf32, #tpu.memory_space<vmem>>, %arg4: memref<512x512xf32, #tpu.memory_space<vmem>>, %arg5: memref<1x512xf32, #tpu.memory_space<vmem>>, %arg6: memref<512x128xf32, #tpu.memory_space<vmem>>, %arg7: memref<1x128xf32, #tpu.memory_space<vmem>>, %arg8: memref<1000x128xf32, #tpu.memory_space<vmem>>) attributes {dimension_semantics = [#tpu.dimension_semantics<arbitrary>], iteration_bounds = array<i64: 10>, scalar_prefetch = 0 : i64, scratch_operands = 0 : i64, tpu.core_type = #tpu.core_type<tc>, window_params = [{transform_indices = @transform_0, window_bounds = array<i64: 1000, 256>}, {pipeline_mode = #tpu.pipeline_mode<synchronous>, transform_indices = @transform_1, window_bounds = array<i64: 256, 512>}, {pipeline_mode = #tpu.pipeline_mode<synchronous>, transform_indices = @transform_2, window_bounds = array<i64: 1, 512>}, {pipeline_mode = #tpu.pipeline_mode<synchronous>, transform_indices = @transform_3, window_bounds = array<i64: 512, 512>}, {pipeline_mode = #tpu.pipeline_mode<synchronous>, transform_indices = @transform_4, window_bounds = array<i64: 1, 512>}, {pipeline_mode = #tpu.pipeline_mode<synchronous>, transform_indices = @transform_5, window_bounds = array<i64: 512, 128>}, {pipeline_mode = #tpu.pipeline_mode<synchronous>, transform_indices = @transform_6, window_bounds = array<i64: 1, 128>}, {transform_indices = @transform_7, window_bounds = array<i64: 1000, 128>}]} {
    %get3A = arith.constant 0 : index
    %get3A_0 = arith.constant 0 : index
    %get3A_1 = vector.load %arg1[%get3A, %get3A_0] : memref<1000x256xf32, #tpu.memory_space<vmem>>, vector<1000x256xf32>
    %get3A_2 = arith.constant 0 : index
    %get3A_3 = arith.constant 0 : index
    %get3A_4 = vector.load %arg2[%get3A_2, %get3A_3] : memref<256x512xf32, #tpu.memory_space<vmem>>, vector<256x512xf32>
    %dot_general3A = arith.constant dense<0.000000e+00> : vector<1000x512xf32>
    %dot_general3A_5 = tpu.matmul %get3A_1, %get3A_4, %dot_general3A {dimension_numbers = #tpu.dot_dimension_numbers<[1], [0], [0], [1], [0, 0, 1, 1], [], []>, transpose_lhs_hint = false} : vector<1000x256xf32>, vector<256x512xf32>, vector<1000x512xf32> -> vector<1000x512xf32>
    %get3A_6 = arith.constant 0 : index
    %get3A_7 = arith.constant 0 : index
    %get3A_8 = vector.load %arg3[%get3A_6, %get3A_7] : memref<1x512xf32, #tpu.memory_space<vmem>>, vector<1x512xf32>
    %add3A = vector.broadcast %get3A_8 : vector<1x512xf32> to vector<1000x512xf32>
    %add3A_9 = arith.addf %dot_general3A_5, %add3A : vector<1000x512xf32>
    %max3A = arith.constant 0.000000e+00 : f32
    %max3A_10 = vector.broadcast %max3A : f32 to vector<1000x512xf32>
    %max3A_11 = arith.maximumf %add3A_9, %max3A_10 : vector<1000x512xf32>
    %get3A_12 = arith.constant 0 : index
    %get3A_13 = arith.constant 0 : index
    %get3A_14 = vector.load %arg4[%get3A_12, %get3A_13] : memref<512x512xf32, #tpu.memory_space<vmem>>, vector<512x512xf32>
    %dot_general3A_15 = arith.constant dense<0.000000e+00> : vector<1000x512xf32>
    %dot_general3A_16 = tpu.matmul %max3A_11, %get3A_14, %dot_general3A_15 {dimension_numbers = #tpu.dot_dimension_numbers<[1], [0], [0], [1], [0, 0, 1, 1], [], []>, transpose_lhs_hint = false} : vector<1000x512xf32>, vector<512x512xf32>, vector<1000x512xf32> -> vector<1000x512xf32>
    %get3A_17 = arith.constant 0 : index
    %get3A_18 = arith.constant 0 : index
    %get3A_19 = vector.load %arg5[%get3A_17, %get3A_18] : memref<1x512xf32, #tpu.memory_space<vmem>>, vector<1x512xf32>
    %add3A_20 = vector.broadcast %get3A_19 : vector<1x512xf32> to vector<1000x512xf32>
    %add3A_21 = arith.addf %dot_general3A_16, %add3A_20 : vector<1000x512xf32>
    %max3A_22 = arith.constant 0.000000e+00 : f32
    %max3A_23 = vector.broadcast %max3A_22 : f32 to vector<1000x512xf32>
    %max3A_24 = arith.maximumf %add3A_21, %max3A_23 : vector<1000x512xf32>
    %get3A_25 = arith.constant 0 : index
    %get3A_26 = arith.constant 0 : index
    %get3A_27 = vector.load %arg6[%get3A_25, %get3A_26] : memref<512x128xf32, #tpu.memory_space<vmem>>, vector<512x128xf32>
    %dot_general3A_28 = arith.constant dense<0.000000e+00> : vector<1000x128xf32>
    %dot_general3A_29 = tpu.matmul %max3A_24, %get3A_27, %dot_general3A_28 {dimension_numbers = #tpu.dot_dimension_numbers<[1], [0], [0], [1], [0, 0, 1, 1], [], []>, transpose_lhs_hint = false} : vector<1000x512xf32>, vector<512x128xf32>, vector<1000x128xf32> -> vector<1000x128xf32>
    %get3A_30 = arith.constant 0 : index
    %get3A_31 = arith.constant 0 : index
    %get3A_32 = vector.load %arg7[%get3A_30, %get3A_31] : memref<1x128xf32, #tpu.memory_space<vmem>>, vector<1x128xf32>
    %add3A_33 = vector.broadcast %get3A_32 : vector<1x128xf32> to vector<1000x128xf32>
    %add3A_34 = arith.addf %dot_general3A_29, %add3A_33 : vector<1000x128xf32>
    %swap3A = arith.constant 0 : index
    %swap3A_35 = arith.constant 0 : index
    %swap3A_36 = vector.load %arg8[%swap3A, %swap3A_35] : memref<1000x128xf32, #tpu.memory_space<vmem>>, vector<1000x128xf32>
    tpu.vector_store %arg8[%swap3A, %swap3A_35], %add3A_34 {strides = array<i32>} : memref<1000x128xf32, #tpu.memory_space<vmem>>, vector<1000x128xf32>,
    return
  }
  func.func @transform_0(%arg0: i32) -> (i32, i32) {
    %c0_i32 = arith.constant 0 : i32
    %c0_i32_0 = arith.constant 0 : i32
    return %arg0, %c0_i32 : i32, i32
  }
  func.func @transform_1(%arg0: i32) -> (i32, i32) {
    %c0_i32 = arith.constant 0 : i32
    %c0_i32_0 = arith.constant 0 : i32
    %c0_i32_1 = arith.constant 0 : i32
    return %c0_i32, %c0_i32_0 : i32, i32
  }
  func.func @transform_2(%arg0: i32) -> (i32, i32) {
    %c0_i32 = arith.constant 0 : i32
    %c0_i32_0 = arith.constant 0 : i32
    %c0_i32_1 = arith.constant 0 : i32
    return %c0_i32, %c0_i32_0 : i32, i32
  }
  func.func @transform_3(%arg0: i32) -> (i32, i32) {
    %c0_i32 = arith.constant 0 : i32
    %c0_i32_0 = arith.constant 0 : i32
    %c0_i32_1 = arith.constant 0 : i32
    return %c0_i32, %c0_i32_0 : i32, i32
  }
  func.func @transform_4(%arg0: i32) -> (i32, i32) {
    %c0_i32 = arith.constant 0 : i32
    %c0_i32_0 = arith.constant 0 : i32
    %c0_i32_1 = arith.constant 0 : i32
    return %c0_i32, %c0_i32_0 : i32, i32
  }
  func.func @transform_5(%arg0: i32) -> (i32, i32) {
    %c0_i32 = arith.constant 0 : i32
    %c0_i32_0 = arith.constant 0 : i32
    %c0_i32_1 = arith.constant 0 : i32
    return %c0_i32, %c0_i32_0 : i32, i32
  }
  func.func @transform_6(%arg0: i32) -> (i32, i32) {
    %c0_i32 = arith.constant 0 : i32
    %c0_i32_0 = arith.constant 0 : i32
    %c0_i32_1 = arith.constant 0 : i32
    return %c0_i32, %c0_i32_0 : i32, i32
  }
  func.func @transform_7(%arg0: i32) -> (i32, i32) {
    %c0_i32 = arith.constant 0 : i32
    %c0_i32_0 = arith.constant 0 : i32
    return %arg0, %c0_i32 : i32, i32
  }
}

module attributes {stable_mosaic.version = 14 : i64} {
  func.func @_final_body(%arg0: i32, %arg1: memref<1000x128xf32, #tpu.memory_space<vmem>>, %arg2: memref<2x1000x128xf32, #tpu.memory_space<vmem>>, %arg3: memref<2x1000x128xf32, #tpu.memory_space<vmem>>, %arg4: memref<1x128xf32, #tpu.memory_space<vmem>>, %arg5: memref<1000x128xf32, #tpu.memory_space<vmem>>, %arg6: memref<128x64xf32, #tpu.memory_space<vmem>>, %arg7: memref<1x64xf32, #tpu.memory_space<vmem>>, %arg8: memref<64x1xf32, #tpu.memory_space<vmem>>, %arg9: memref<1x1xf32, #tpu.memory_space<vmem>>, %arg10: memref<1000x128xf32, #tpu.memory_space<vmem>>) attributes {dimension_semantics = [#tpu.dimension_semantics<arbitrary>], iteration_bounds = array<i64: 10>, scalar_prefetch = 0 : i64, scratch_operands = 0 : i64, tpu.core_type = #tpu.core_type<tc>, window_params = [{transform_indices = @transform_0, window_bounds = array<i64: 1000, 128>}, {transform_indices = @transform_1, window_bounds = array<i64: 2, 1000, 128>}, {transform_indices = @transform_2, window_bounds = array<i64: 2, 1000, 128>}, {pipeline_mode = #tpu.pipeline_mode<synchronous>, transform_indices = @transform_3, window_bounds = array<i64: 1, 128>}, {transform_indices = @transform_4, window_bounds = array<i64: 1000, 128>}, {pipeline_mode = #tpu.pipeline_mode<synchronous>, transform_indices = @transform_5, window_bounds = array<i64: 128, 64>}, {pipeline_mode = #tpu.pipeline_mode<synchronous>, transform_indices = @transform_6, window_bounds = array<i64: 1, 64>}, {pipeline_mode = #tpu.pipeline_mode<synchronous>, transform_indices = @transform_7, window_bounds = array<i64: 64, 1>}, {pipeline_mode = #tpu.pipeline_mode<synchronous>, transform_indices = @transform_8, window_bounds = array<i64: 1, 1>}, {transform_indices = @transform_9, window_bounds = array<i64: 1000, 128>}]} {
    %get3A = arith.constant 0 : index
    %get3A_0 = arith.constant 0 : index
    %get3A_1 = arith.constant 0 : index
    %get3A_2 = vector.load %arg3[%get3A, %get3A_0, %get3A_1] : memref<2x1000x128xf32, #tpu.memory_space<vmem>>, vector<2x1000x128xf32>
    %slice3A = vector.extract_strided_slice %get3A_2 {offsets = [0, 0, 0], sizes = [1, 1000, 1], strides = [1, 1, 1]} : vector<2x1000x128xf32> to vector<1x1000x1xf32>
    %squeeze3A = vector.shape_cast %slice3A : vector<1x1000x1xf32> to vector<1000x1xf32>
    %slice3A_3 = vector.extract_strided_slice %get3A_2 {offsets = [1, 0, 0], sizes = [1, 1000, 1], strides = [1, 1, 1]} : vector<2x1000x128xf32> to vector<1x1000x1xf32>
    %squeeze3A_4 = vector.shape_cast %slice3A_3 : vector<1x1000x1xf32> to vector<1000x1xf32>
    %add3A = arith.addf %squeeze3A, %squeeze3A_4 : vector<1000x1xf32>
    %max3A = arith.constant 1.000000e+00 : f32
    %max3A_5 = vector.broadcast %max3A : f32 to vector<1000x1xf32>
    %max3A_6 = arith.maximumf %add3A, %max3A_5 : vector<1000x1xf32>
    %get3A_7 = arith.constant 0 : index
    %get3A_8 = arith.constant 0 : index
    %get3A_9 = vector.load %arg1[%get3A_7, %get3A_8] : memref<1000x128xf32, #tpu.memory_space<vmem>>, vector<1000x128xf32>
    %get3A_10 = arith.constant 0 : index
    %get3A_11 = arith.constant 0 : index
    %get3A_12 = arith.constant 0 : index
    %get3A_13 = vector.load %arg2[%get3A_10, %get3A_11, %get3A_12] : memref<2x1000x128xf32, #tpu.memory_space<vmem>>, vector<1x1000x128xf32>
    %get3A_14 = vector.shape_cast %get3A_13 : vector<1x1000x128xf32> to vector<1000x128xf32>
    %get3A_15 = arith.constant 1 : index
    %get3A_16 = arith.constant 0 : index
    %get3A_17 = arith.constant 0 : index
    %get3A_18 = vector.load %arg2[%get3A_15, %get3A_16, %get3A_17] : memref<2x1000x128xf32, #tpu.memory_space<vmem>>, vector<1x1000x128xf32>
    %get3A_19 = vector.shape_cast %get3A_18 : vector<1x1000x128xf32> to vector<1000x128xf32>
    %add3A_20 = arith.addf %get3A_14, %get3A_19 : vector<1000x128xf32>
    %div3A = vector.broadcast %max3A_6 : vector<1000x1xf32> to vector<1000x128xf32>
    %div3A_21 = arith.divf %add3A_20, %div3A : vector<1000x128xf32>
    %add3A_22 = arith.addf %get3A_9, %div3A_21 : vector<1000x128xf32>
    %get3A_23 = arith.constant 0 : index
    %get3A_24 = arith.constant 0 : index
    %get3A_25 = vector.load %arg4[%get3A_23, %get3A_24] : memref<1x128xf32, #tpu.memory_space<vmem>>, vector<1x128xf32>
    %add3A_26 = vector.broadcast %get3A_25 : vector<1x128xf32> to vector<1000x128xf32>
    %add3A_27 = arith.addf %add3A_22, %add3A_26 : vector<1000x128xf32>
    %get3A_28 = arith.constant 0 : index
    %get3A_29 = arith.constant 0 : index
    %get3A_30 = vector.load %arg5[%get3A_28, %get3A_29] : memref<1000x128xf32, #tpu.memory_space<vmem>>, vector<1000x128xf32>
    %get3A_31 = arith.constant 0 : index
    %get3A_32 = arith.constant 0 : index
    %get3A_33 = vector.load %arg6[%get3A_31, %get3A_32] : memref<128x64xf32, #tpu.memory_space<vmem>>, vector<128x64xf32>
    %dot_general3A = arith.constant dense<0.000000e+00> : vector<1000x64xf32>
    %dot_general3A_34 = tpu.matmul %get3A_30, %get3A_33, %dot_general3A {dimension_numbers = #tpu.dot_dimension_numbers<[1], [0], [0], [1], [0, 0, 1, 1], [], []>, transpose_lhs_hint = false} : vector<1000x128xf32>, vector<128x64xf32>, vector<1000x64xf32> -> vector<1000x64xf32>
    %get3A_35 = arith.constant 0 : index
    %get3A_36 = arith.constant 0 : index
    %get3A_37 = vector.load %arg7[%get3A_35, %get3A_36] : memref<1x64xf32, #tpu.memory_space<vmem>>, vector<1x64xf32>
    %add3A_38 = vector.broadcast %get3A_37 : vector<1x64xf32> to vector<1000x64xf32>
    %add3A_39 = arith.addf %dot_general3A_34, %add3A_38 : vector<1000x64xf32>
    %max3A_40 = arith.constant 0.000000e+00 : f32
    %max3A_41 = vector.broadcast %max3A_40 : f32 to vector<1000x64xf32>
    %max3A_42 = arith.maximumf %add3A_39, %max3A_41 : vector<1000x64xf32>
    %get3A_43 = arith.constant 0 : index
    %get3A_44 = arith.constant 0 : index
    %get3A_45 = vector.load %arg8[%get3A_43, %get3A_44] : memref<64x1xf32, #tpu.memory_space<vmem>>, vector<64x1xf32>
    %dot_general3A_46 = arith.constant dense<0.000000e+00> : vector<1000x1xf32>
    %dot_general3A_47 = tpu.matmul %max3A_42, %get3A_45, %dot_general3A_46 {dimension_numbers = #tpu.dot_dimension_numbers<[1], [0], [0], [1], [0, 0, 1, 1], [], []>, transpose_lhs_hint = false} : vector<1000x64xf32>, vector<64x1xf32>, vector<1000x1xf32> -> vector<1000x1xf32>
    %get3A_48 = arith.constant 0 : index
    %get3A_49 = arith.constant 0 : index
    %get3A_50 = vector.load %arg9[%get3A_48, %get3A_49] : memref<1x1xf32, #tpu.memory_space<vmem>>, vector<1x1xf32>
    %add3A_51 = vector.broadcast %get3A_50 : vector<1x1xf32> to vector<1000x1xf32>
    %add3A_52 = arith.addf %dot_general3A_47, %add3A_51 : vector<1000x1xf32>
    %logistic3A = arith.negf %add3A_52 : vector<1000x1xf32>
    %logistic3A_53 = math.exp %logistic3A : vector<1000x1xf32>
    %logistic3A_54 = arith.constant 1.000000e+00 : f32
    %logistic3A_55 = vector.broadcast %logistic3A_54 : f32 to vector<1000x1xf32>
    %logistic3A_56 = arith.addf %logistic3A_55, %logistic3A_53 : vector<1000x1xf32>
    %logistic3A_57 = arith.divf %logistic3A_55, %logistic3A_56 : vector<1000x1xf32>
    %mul3A = vector.broadcast %logistic3A_57 : vector<1000x1xf32> to vector<1000x128xf32>
    %mul3A_58 = arith.mulf %mul3A, %get3A_30 : vector<1000x128xf32>
    %sub3A = arith.constant 1.000000e+00 : f32
    %sub3A_59 = vector.broadcast %sub3A : f32 to vector<1000x1xf32>
    %sub3A_60 = arith.subf %sub3A_59, %logistic3A_57 : vector<1000x1xf32>
    %mul3A_61 = vector.broadcast %sub3A_60 : vector<1000x1xf32> to vector<1000x128xf32>
    %mul3A_62 = arith.mulf %mul3A_61, %add3A_27 : vector<1000x128xf32>
    %add3A_63 = arith.addf %mul3A_58, %mul3A_62 : vector<1000x128xf32>
    %swap3A = arith.constant 0 : index
    %swap3A_64 = arith.constant 0 : index
    %swap3A_65 = vector.load %arg10[%swap3A, %swap3A_64] : memref<1000x128xf32, #tpu.memory_space<vmem>>, vector<1000x128xf32>
    tpu.vector_store %arg10[%swap3A, %swap3A_64], %add3A_63 {strides = array<i32>} : memref<1000x128xf32, #tpu.memory_space<vmem>>, vector<1000x128xf32>,
    return
  }
  func.func @transform_0(%arg0: i32) -> (i32, i32) {
    %c0_i32 = arith.constant 0 : i32
    %c0_i32_0 = arith.constant 0 : i32
    return %arg0, %c0_i32 : i32, i32
  }
  func.func @transform_1(%arg0: i32) -> (i32, i32, i32) {
    %c0_i32 = arith.constant 0 : i32
    %c0_i32_0 = arith.constant 0 : i32
    %c0_i32_1 = arith.constant 0 : i32
    return %c0_i32, %arg0, %c0_i32_0 : i32, i32, i32
  }
  func.func @transform_2(%arg0: i32) -> (i32, i32, i32) {
    %c0_i32 = arith.constant 0 : i32
    %c0_i32_0 = arith.constant 0 : i32
    %c0_i32_1 = arith.constant 0 : i32
    return %c0_i32, %arg0, %c0_i32_0 : i32, i32, i32
  }
  func.func @transform_3(%arg0: i32) -> (i32, i32) {
    %c0_i32 = arith.constant 0 : i32
    %c0_i32_0 = arith.constant 0 : i32
    %c0_i32_1 = arith.constant 0 : i32
    return %c0_i32, %c0_i32_0 : i32, i32
  }
  func.func @transform_4(%arg0: i32) -> (i32, i32) {
    %c0_i32 = arith.constant 0 : i32
    %c0_i32_0 = arith.constant 0 : i32
    return %arg0, %c0_i32 : i32, i32
  }
  func.func @transform_5(%arg0: i32) -> (i32, i32) {
    %c0_i32 = arith.constant 0 : i32
    %c0_i32_0 = arith.constant 0 : i32
    %c0_i32_1 = arith.constant 0 : i32
    return %c0_i32, %c0_i32_0 : i32, i32
  }
  func.func @transform_6(%arg0: i32) -> (i32, i32) {
    %c0_i32 = arith.constant 0 : i32
    %c0_i32_0 = arith.constant 0 : i32
    %c0_i32_1 = arith.constant 0 : i32
    return %c0_i32, %c0_i32_0 : i32, i32
  }
  func.func @transform_7(%arg0: i32) -> (i32, i32) {
    %c0_i32 = arith.constant 0 : i32
    %c0_i32_0 = arith.constant 0 : i32
    %c0_i32_1 = arith.constant 0 : i32
    return %c0_i32, %c0_i32_0 : i32, i32
  }
  func.func @transform_8(%arg0: i32) -> (i32, i32) {
    %c0_i32 = arith.constant 0 : i32
    %c0_i32_0 = arith.constant 0 : i32
    %c0_i32_1 = arith.constant 0 : i32
    return %c0_i32, %c0_i32_0 : i32, i32
  }
  func.func @transform_9(%arg0: i32) -> (i32, i32) {
    %c0_i32 = arith.constant 0 : i32
    %c0_i32_0 = arith.constant 0 : i32
    return %arg0, %c0_i32 : i32, i32
  }
}

</mosaic_0001>

<sc_bundles>
// kernel: kernel.10.cloned.1.call-start
scs
__scs_entry_jumppad:
0x0: {  	(pc) =	sbr.rel $0x88, $3  }
0x1: {  	(tag) =	ssettag $0x0;
	lr =	simm.s32 $0x1  }
0x2: {  	[smem:$0x3F8F] =	sst lr;
	_ =	strace $0xD0000000  }
0x3: {  	_ = 	snop  }
0x4: {  	_ = 	snop  }
0x5: {  	_ = 	snop  }
0x6: {  	_ = 	snop  }
0x7: {  	_ = 	snop  }
__scs_overlays_trampoline_lowered:
0x8: {  	[smem:$0x3F9E] =	sst s0  }
0x9: {  	[smem:$0x3F9F] =	sst s1  }
0xa: {  	[smem:$0x3FA0] =	sst s2  }
0xb: {  	[smem:$0x3FA1] =	sst s3  }
0xc: {  	[smem:$0x3FA2] =	sst s4  }
0xd: {  	[smem:$0x3FA3] =	sst s5  }
0xe: {  	[smem:$0x3FA4] =	sst s6  }
0xf: {  	[smem:$0x3FA5] =	sst s7  }
0x10: {  	[smem:$0x3FA6] =	sst s8  }
0x11: {  	[smem:$0x3FA7] =	sst s9;
	s0 =	simm.s32 @!p0 $0x0  }
0x12: {  	s1 =	sld [smem:$0x3F8D];
	s0 =	simm.s32 @p0 $0x1  }
0x13: {  	[smem:$0x3FA8] =	sst s0;
	s0 =	simm.s32 @!p1 $0x0  }
0x14: {  	s2 =	sld [smem:$0x3F8C];
	s0 =	simm.s32 @p1 $0x1  }
0x15: {  	[smem:$0x3FA9] =	sst s0;
	s0 =	simm.s32 @!p2 $0x0  }
0x16: {  	s3 =	sld [smem:$0x3FDB];
	s0 =	simm.s32 @p2 $0x1  }
0x17: {  	s4 =	simm.s32 $0x1BF5;
	[smem:$0x3FAB] =	sst s0  }
0x18: {  	s0 =	sld [smem:$0x3F8E];
	_ =	swait.ge [sflag:s4], $0x0  }
0x19: {  	s7 =	sld [smem:$0x3F8F]  }
0x1a: {  	s8 =	sadd.s32 $0xFFFFE003, lr  }
0x1b: {  	s9 =	sadd.s32 $0xFFFFFEF7, lr;
	s5 =	simm.s32 $0xFFFFFFFF;
	p2 =	slt.u32 s8, $0xFFFFF086  }
0x1c: {  	p1 =	slt.u32 s9, $0xF7A;
	s5 =	simm.s32 @!p2 $0x0  }
0x1d: {  	s5 =	simm.s32 @p1 $0x1;
	p0 =	seq.s32 s7, s2  }
0x1e: {  	s7 =	smul.u32 @!p0 $0xF7A, s2;
	p2 =	seq.s32 @!p0 s5, $0x0  }
0x1f: {  	s9 =	smul.u32 $0xF7A, s1;
	s8 =	simm.s32 @!p0 $0x1BF5;
	p2 =	por !p2, p0  }
0x20: {  	[sflag:s8] =	ssyncset.s32 @!p0 $0xFFFFF086;
	s6 =	sadd.s32 @!p0 s3, s7;
	s7 =	simm.s32 @!p0 $0x108  }
0x21: {  	s3 =	sadd.s32 s3, s9;
	s6 =	sadd.s32 @!p0 $0x88, s6;
	s7 =	simm.s32 @p2 $0x1082  }
0x22: {  	[simem:s7], [sflag:s8] =	dma.local @!p0 [hbm:s6], $0xF7A  }
0x23: {  	s9 =	sor.u32 $0xD0000000, s2;
	s6 =	simm.s32 $0x108;
	_ =	swait.ge @!p0 [sflag:s8], $0x0  }
0x24: {  	s3 =	sadd.s32 $0x88, s3;
	s6 =	simm.s32 @!p1 $0x1082;
	[sflag:s4] =	ssyncset.s32 $0xFFFFF086  }
0x25: {  	[simem:s6], [sflag:s4] =	dma.local [hbm:s3], $0xF7A  }
0x26: {  	[smem:$0x3F8F] =	sst s1;
	(tag) =	ssettag s2;
	_ =	strace s9  }
0x27: {  	s1 =	sld [smem:$0x3F9F]  }
0x28: {  	s2 =	sld [smem:$0x3FA0]  }
0x29: {  	s4 =	sld [smem:$0x3FA2]  }
0x2a: {  	p0 =	seq.s32 s5, $0x0;
	s5 =	sld [smem:$0x3FA3]  }
0x2b: {  	s6 =	sld [smem:$0x3FA4]  }
0x2c: {  	s7 =	sld [smem:$0x3FA5]  }
0x2d: {  	s3 =	simm.s32 $0x108;
	s8 =	sld [smem:$0x3FA6]  }
0x2e: {  	s3 =	simm.s32 @!p0 $0x1082;
	s9 =	sld [smem:$0x3FA7]  }
0x2f: {  	lr =	sadd.s32 s0, s3;
	s0 =	sld [smem:$0x3F9E]  }
0x30: {  	s3 =	sld [smem:$0x3FA1]  }
0x31: {  	[smem:$0x3FAA] =	sst s10  }
0x32: {  	s10 =	sld [smem:$0x3FA8];
	_ =	sdelay $0x3  }
0x33: {  	p0 =	seq.s32 s10, $0x1;
	s10 =	sld [smem:$0x3FAA];
	_ =	sdelay $0x3  }
0x34: {  	[smem:$0x3FAA] =	sst s10  }
0x35: {  	s10 =	sld [smem:$0x3FA9];
	_ =	sdelay $0x3  }
0x36: {  	p1 =	seq.s32 s10, $0x1;
	s10 =	sld [smem:$0x3FAA];
	_ =	sdelay $0x3  }
0x37: {  	[smem:$0x3FAA] =	sst s10  }
0x38: {  	s10 =	sld [smem:$0x3FAB]  }
0x39: {  	_ = 	snop;
	(pc) =	sbr.ind lr, $3  }
0x3a: {  	_ = 	snop  }
0x3b: {  	_ = 	snop  }
0x3c: {  	p2 =	seq.s32 s10, $0x1;
	s10 =	sld [smem:$0x3FAA]  }
0x3d: {  	_ =	shalt  }
0x3e: {  	_ =	shalt  }
0x3f: {  	_ =	shalt  }
0x40: {  	_ =	shalt  }
0x41: {  	_ =	shalt  }
0x42: {  	_ =	shalt  }
0x43: {  	_ =	shalt  }
0x44: {  	_ =	shalt  }
0x45: {  	_ =	shalt  }
0x46: {  	_ =	shalt  }
0x47: {  	_ =	shalt  }
0x48: {  	_ =	shalt  }
0x49: {  	_ =	shalt  }
0x4a: {  	_ =	shalt  }
0x4b: {  	_ =	shalt  }
0x4c: {  	_ =	shalt  }
0x4d: {  	_ =	shalt  }
0x4e: {  	_ =	shalt  }
0x4f: {  	_ =	shalt  }
0x50: {  	_ =	shalt  }
0x51: {  	_ =	shalt  }
0x52: {  	_ =	shalt  }
0x53: {  	_ =	shalt  }
0x54: {  	_ =	shalt  }
0x55: {  	_ =	shalt  }
0x56: {  	_ =	shalt  }
0x57: {  	_ =	shalt  }
0x58: {  	_ =	shalt  }
0x59: {  	_ =	shalt  }
0x5a: {  	_ =	shalt  }
0x5b: {  	_ =	shalt  }
0x5c: {  	_ =	shalt  }
0x5d: {  	_ =	shalt  }
0x5e: {  	_ =	shalt  }
0x5f: {  	_ =	shalt  }
0x60: {  	_ =	shalt  }
0x61: {  	_ =	shalt  }
0x62: {  	_ =	shalt  }
0x63: {  	_ =	shalt  }
0x64: {  	_ =	shalt  }
0x65: {  	_ =	shalt  }
0x66: {  	_ =	shalt  }
0x67: {  	_ =	shalt  }
0x68: {  	_ =	shalt  }
0x69: {  	_ =	shalt  }
0x6a: {  	_ =	shalt  }
0x6b: {  	_ =	shalt  }
0x6c: {  	_ =	shalt  }
0x6d: {  	_ =	shalt  }
0x6e: {  	_ =	shalt  }
0x6f: {  	_ =	shalt  }
0x70: {  	_ =	shalt  }
0x71: {  	_ =	shalt  }
0x72: {  	_ =	shalt  }
0x73: {  	_ =	shalt  }
0x74: {  	_ =	shalt  }
0x75: {  	_ =	shalt  }
0x76: {  	_ =	shalt  }
0x77: {  	_ =	shalt  }
0x78: {  	_ =	shalt  }
0x79: {  	_ =	shalt  }
0x7a: {  	_ =	shalt  }
0x7b: {  	_ =	shalt  }
0x7c: {  	_ =	shalt  }
0x7d: {  	_ =	shalt  }
0x7e: {  	_ =	shalt  }
0x7f: {  	_ =	shalt  }
0x80: {  	_ =	shalt  }
0x81: {  	_ =	shalt  }
0x82: {  	_ =	shalt  }
0x83: {  	_ =	shalt  }
0x84: {  	_ =	shalt  }
0x85: {  	_ =	shalt  }
0x86: {  	_ =	shalt  }
0x87: {  	_ =	shalt  }
.Lfunc_end0:
.L_simem_size_0:
called_computation_lowered:
.L_overlay_start_0:
0x88: {  	s2 =	sld [smem:$0x3FD9]  }
0x89: {  	s3 =	sld [smem:$0x3FFE];
	_ =	sdelay $0x1  }
0x8a: {  	s1 =	srdreg.scid  }
0x8b: {  	s0 =	sand.u32 $0x1, s1  }
0x8c: {  	s17 =	sshll.u32 s0, $0xA;
	s2 =	sadd.s32 s3, s2  }
0x8d: {  	s2 =	sadd.s32 s2, s17  }
0x8e: {  	[smem:$0x3FB6] =	sst s2  }
0x8f: {  	_ = 	snop  }
0x90: {  	s2 =	sld [smem:$0x3FD0];
	(tm) =	ssettm $0x1  }
0x91: {  	s18 =	sld [smem:$0x3FFB];
	_ =	sdelay $0x3  }
0x92: {  	_ =	strace s18  }
0x93: {  	s3 =	sld [smem:$0x3FFC];
	_ =	sdelay $0x3  }
0x94: {  	_ =	strace s3  }
0x95: {  	s3 =	sld [smem:$0x3FFD];
	_ =	sdelay $0x3  }
0x96: {  	_ =	strace s3  }
0x97: {  	_ =	strace $0x8FFFFFFF  }
0x98: {  	s19 =	sld [smem:$0x3FDB];
	_ =	sdelay $0x1  }
0x99: {  	s4 =	simm.s32 $_scs_section_size  }
0x9a: {  	s5 =	simm.s32 $_size__tile_overlayer_lowered;
	s6 =	simm.s32 $_tile_overlayer_lowered  }
0x9b: {  	s22 =	simm.s32 $0x1BFF;
	s21 =	sshll.u32 s6, $0x1;
	s3 =	sadd.s32 s4, s19  }
0x9c: {  	s7 =	simm.s32 $0x0;
	s20 =	sshll.u32 s5, $0x1;
	s5 =	sadd.s32 s21, s3  }
0x9d: {  	[timem:s7], [sflag:s22] =	dma.local [hbm:s5], s20  }
0x9e: {  	_ =	swait.ge [sflag:s22], s20  }
0x9f: {  	s4 =	ssub.s32 $0x0, s20;
	[sflag:s22] =	ssyncset.done $0x0  }
0xa0: {  	[sflag:s22] =	ssyncadd.s32 s4;
	_ =	sdelay $0x1  }
0xa1: {  	s23 =	simm.s32 $0x1B8B  }
0xa2: {  	_ =	swait.ge [sflag:s23], $0x1  }
0xa3: {  	[sflag:s23] =	ssyncset.done $0x0  }
0xa4: {  	s25 =	simm.s32 $0x1B8E;
	s24 =	sld [smem:$0x3FFE];
	[sflag:s23] =	ssyncadd.s32 $0xFFFFFFFF  }
0xa5: {  	s26 =	simm.s32 $execute0_lowered;
	[smem:$0x3FD2] =	sst s25  }
0xa6: {  	s5 =	sshll.u32 s26, $0x1;
	_ =	strace $0x80000046;
	[dreg:$0x1] =	wrdreg $0xFFFFFFFF  }
0xa7: {  	s28 =	simm.s32 $_size_execute0_lowered;
	s3 =	sadd.s32 s3, s5;
	[dreg:$0x0] =	wrdreg $0x0  }
0xa8: {  	s5 =	sshll.u32 s28, $0x1;
	[dreg:$0x2] =	wrdreg s3  }
0xa9: {  	[dreg:$0x3] =	wrdreg s5  }
0xaa: {  	[dreg:$0x4] =	wrdreg $0xC0  }
0xab: {  	_ =	task [dreg:s7], $0x5FFFF  }
0xac: {  	[dreg:$0x1] =	wrdreg $0xFFFFFFFF  }
0xad: {  	[dreg:$0x0] =	wrdreg $0x60  }
0xae: {  	[dreg:$0x2] =	wrdreg s2  }
0xaf: {  	[dreg:$0x3] =	wrdreg s24  }
0xb0: {  	[dreg:$0x4] =	wrdreg $0x0  }
0xb1: {  	[dreg:$0x5] =	wrdreg $0x9  }
0xb2: {  	_ =	task.clear_ibuf [dreg:s7], $0x6FFFF;
	_ =	strace $0x90000046  }
0xb3: {  	s29 =	simm.s32 $0x9;
	_ =	strace $0x80000048  }
0xb4: {  	_ =	swait.ge [sflag:s29], $0x1  }
0xb5: {  	[sflag:s29] =	ssyncadd.s32 $0xFFFFFFFF  }
0xb6: {  	_ =	strace $0x90000048  }
0xb7: {  	_ =	sfence  }
0xb8: {  	s30 =	sld [smem:$0x0];
	_ =	sdelay $0x2  }
0xb9: {  	s31 =	sshll.u32 s1, $0xD;
	s1 =	sshrl.u32 s1, $0x2  }
0xba: {  	s3 =	sand.u32 $0x4000, s31;
	s1 =	sadd.s32 s1, s30  }
0xbb: {  	s0 =	sor.u32 s3, s0;
	s1 =	sshll.u32 s1, $0x11  }
0xbc: {  	s0 =	sor.u32 s1, s0  }
0xbd: {  	s0 =	sadd.s32 $0x8F2B, s0  }
0xbe: {  	[sflag:s0] =	ssyncadd.remote.s32 $0x1  }
0xbf: {  	_ =	sfence.sel $0xFFFF  }
0xc0: {  	[dreg:$0x0] =	wrdreg $0xFFFFFFFF;
	(pc) =	sbr.abs _section_cstart, $3  }
0xc1: {  	[dreg:$0x1] =	wrdreg $0xFFFFFFFF  }
0xc2: {  	_ =	task.clear_ibuf [dreg:s7], $0x2FFFF;
	_ =	strace $0x9FFFFFFF  }
0xc3: {  	(tm) =	ssettm $0x7FFFFFFF  }
tec
execute0_lowered:
.L_overlay_start_1:
0x0: {  	(tag) =	ssettag $0x1  }
0x1: {  	s1 =	rddreg [dreg:$0x0]  }
0x2: {  	s8 =	rddreg [dreg:$0x1]  }
0x3: {  	s0 =	srdreg.scid;
	s3 =	rddreg [dreg:$0x2];
	s4 =	simm.s32 $0x0  }
0x4: {  	s15 =	simm.s32 $0x3;
	s16 =	simm.s32 $0x14000;
	s19 =	simm.s32 $0x19400  }
0x5: {  	s20 =	simm.s32 $0x7D;
	s21 =	simm.s32 $0x1D480;
	s22 =	simm.s32 $0x15400  }
0x6: {  	s23 =	simm.s32 $0x1;
	s24 =	simm.s32 $0x2;
	s25 =	simm.s32 $0x15300  }
0x7: {  	s26 =	simm.s32 $0x15380;
	s7 =	sand.u32 $0x1, s0;
	s0 =	stileid.u32  }
0x8: {  	s28 =	simm.s32 $0x0;
	[smem:$0x7FF] =	sst s4;
	s9 =	smul.u32 $0x280, s0  }
0x9: {  	s5 =	sadd.s32 $0xFC00, s8;
	s2 =	sshll.u32 s7, $0x4;
	s10 =	smul.u32 $0x2800, s7  }
0xa: {  	s29 =	ssub.s32 $0x2, s7;
	s12 =	smul.u32 $0x50000, s0;
	s7 =	sadd.s32 $0x39600, s8  }
0xb: {  	s17 =	sshll.u32 s0, $0x6;
	s2 =	sor.u32 s0, s2;
	s30 =	sshrl.u32 s29, $0x1  }
0xc: {  	s17 =	sor.u32 $0x1C03, s17;
	s6 =	smul.u32 $0x1400, s2;
	s2 =	rddreg [dreg:$0x3]  }
0xd: {  	_ =	strace $0x80000047;
	s9 =	sadd.s32 s9, s10;
	s31 =	sshrl.u32 s12, $0x2  }
0xe: {  	s14 =	ssub.s32 s29, s30;
	s9 =	sshll.u32 s9, $0x4;
	s18 =	sadd.s32 s31, s3  }
0xf: {  	s6 =	sshrl.u32 s6, $0x3;
	s13 =	sadd.s32 s9, s8;
	s18 =	sshrl.u32 s18, $0x3  }
0x10: {  	s11 =	sadd.s32 s6, s8;
	s6 =	sadd.s32 $0x36E00, s8;
	s10 =	sadd.s32 $0xD9E00, s13  }
0x11: {  	s12 =	sadd.s32 $0x89E00, s13;
	s8 =	sadd.s32 $0x5C00, s11;
	s9 =	sadd.s32 $0xAC00, s11  }
0x12: {  	s11 =	sadd.s32 $0x39E00, s13;
	s13 =	smax.u32 s14, $0x1;
	s14 =	simm.s32 $0x1D400  }
.LBB2_1:
0x13: {  	[tilespmem:s14], [sflag:$0x3] =	stream.linear.gather [hbm4b:s8+s4], $0x1400, $0x38;
	[tilespmem:$0x1E800] =	vst v63  }
0x14: {  	_ =	swait.ge [sflag:s15], $0x1400  }
0x15: {  	[sflag:s15] =	ssyncset.done $0x0  }
0x16: {  	[sflag:s15] =	ssyncadd.s32 $0xFFFFEC00  }
0x17: {  	[tilespmem:s16], [sflag:$0x3] =	stream.linear.gather [hbm4b:s9+s4], $0x1400, $0x38;
	[tilespmem:$0x1E800] =	vst v63  }
0x18: {  	_ =	swait.ge [sflag:s15], $0x1400  }
0x19: {  	[sflag:s15] =	ssyncset.done $0x0  }
0x1a: {  	[sflag:s15] =	ssyncadd.s32 $0xFFFFEC00  }
0x1b: {  	[spmem:s18], [sflag:s17] =	dma.local [hbm:s6], $0x2800  }
0x1c: {  	_ =	swait.ge [sflag:s15], $0x2800  }
0x1d: {  	[sflag:s15] =	ssyncset.done $0x0  }
0x1e: {  	[sflag:s15] =	ssyncadd.s32 $0xFFFFD800  }
0x1f: {  	[bflag:$0x0] =	sbarrier.arrive $0xFFFF  }
0x20: {  	[tilespmem:s19], [sflag:$0x3] =	stream.linear.gather [hbm4b:s7+s4], $0x3E80, $0x38;
	[tilespmem:$0x1E800] =	vst v63  }
0x21: {  	_ =	swait.ge [sflag:s15], $0x3E80  }
0x22: {  	[sflag:s15] =	ssyncset.done $0x0  }
0x23: {  	s29 =	simm.s32 $0x14000;
	[sflag:s15] =	ssyncadd.s32 $0xFFFFC180  }
0x24: {  	[spmem:s3] =	stream.indirect.scatter.add.f32 [tilespmem:s19], [sflag:$0x3], $0x80, s29, s20, $0xb8;
	[tilespmem:$0x1E800] =	vst v63  }
0x25: {  	s29 =	simm.s32 $0x200;
	_ =	swait.ge [sflag:s15], $0x3E80  }
.LBB2_2:
0x26: {  	s30 =	sshra.s32 s29, $0x2;
	[sflag:s15] =	ssyncset.done $0x0;
	p0 =	sne.s32 s29, $0x4E00  }
.Ltmp0:
0x27: {  	s30 =	sadd.s32 $0x14000, s30;
	[sflag:s15] =	ssyncadd.s32 $0xFFFFC180;
	(pc) =	sbr.rel @p0 .LBB2_2-.Ltmp0, $3  }
0x28: {  	[spmem:s3] =	stream.indirect.scatter.add.f32 [tilespmem:s19], [sflag:$0x3], $0x80, s30, s20, $0xb8;
	[tilespmem:$0x1E800] =	vst v63  }
0x29: {  	s29 =	sadd.s32 $0x200, s29;
	_ =	sdelay $0x1  }
0x2a: {  	_ =	swait.ge [sflag:s15], $0x3E80  }
0x2b: {  	[sflag:s15] =	ssyncset.done $0x0  }
0x2c: {  	[sflag:s15] =	ssyncadd.s32 $0xFFFFC180  }
0x2d: {  	[bflag:$0x0] =	sbarrier.arrive $0xFFFF  }
0x2e: {  	[hbm:s10], [sflag:s17] =	dma.local [spmem:s18], $0x2800  }
0x2f: {  	_ =	swait.ge [sflag:s15], $0x2800  }
0x30: {  	[sflag:s15] =	ssyncset.done $0x0  }
0x31: {  	[sflag:s15] =	ssyncadd.s32 $0xFFFFD800  }
0x32: {  	[spmem:s18], [sflag:s17] =	dma.local [hbm:s6], $0x2800  }
0x33: {  	_ =	swait.ge [sflag:s15], $0x2800  }
0x34: {  	[sflag:s15] =	ssyncset.done $0x0  }
0x35: {  	[sflag:s15] =	ssyncadd.s32 $0xFFFFD800  }
0x36: {  	[bflag:$0x0] =	sbarrier.arrive $0xFFFF  }
0x37: {  	[tilespmem:s19], [sflag:$0x1] =	stream.indirect.gather [hbm4b:s1+s20], $0x80, s14, s20, $0xb8;
	[tilespmem:$0x1E800] =	vst v63  }
0x38: {  	_ = 	snop  }
0x39: {  	[tilespmem:s22], [sflag:$0x2] =	stream.indirect.gather [hbm4b:s1+s20], $0x80, s21, s20, $0xb8;
	[tilespmem:$0x1E800] =	vst v63  }
0x3a: {  	_ =	swait.ge [sflag:s23], $0x3E80  }
0x3b: {  	[sflag:s23] =	ssyncset.done $0x0  }
0x3c: {  	s29 =	simm.s32 $0x14000;
	[sflag:s23] =	ssyncadd.s32 $0xFFFFC180  }
0x3d: {  	[spmem:s3] =	stream.indirect.scatter.add.f32 [tilespmem:s19], [sflag:$0x3], $0x80, s29, s20, $0xb8;
	[tilespmem:$0x1E800] =	vst v63  }
0x3e: {  	_ =	swait.ge [sflag:s15], $0x3E80  }
0x3f: {  	[sflag:s15] =	ssyncset.done $0x0  }
0x40: {  	s29 =	simm.s32 $0x1D500;
	[sflag:s15] =	ssyncadd.s32 $0xFFFFC180  }
0x41: {  	[tilespmem:s19], [sflag:$0x1] =	stream.indirect.gather [hbm4b:s1+s20], $0x80, s29, s20, $0xb8;
	[tilespmem:$0x1E800] =	vst v63  }
0x42: {  	_ =	swait.ge [sflag:s24], $0x3E80  }
0x43: {  	[sflag:s24] =	ssyncset.done $0x0  }
0x44: {  	s29 =	simm.s32 $0x14080;
	[sflag:s24] =	ssyncadd.s32 $0xFFFFC180  }
0x45: {  	[spmem:s3] =	stream.indirect.scatter.add.f32 [tilespmem:s22], [sflag:$0x3], $0x80, s29, s20, $0xb8;
	[tilespmem:$0x1E800] =	vst v63  }
0x46: {  	_ =	swait.ge [sflag:s15], $0x3E80  }
0x47: {  	[sflag:s15] =	ssyncset.done $0x0  }
0x48: {  	s30 =	simm.s32 $0x1D580;
	s29 =	simm.s32 $0x400;
	[sflag:s15] =	ssyncadd.s32 $0xFFFFC180  }
.LBB2_4:
0x49: {  	[tilespmem:s22], [sflag:$0x2] =	stream.indirect.gather [hbm4b:s1+s20], $0x80, s30, s20, $0xb8;
	[tilespmem:$0x1E800] =	vst v63  }
0x4a: {  	s30 =	smov.u32 s29  }
0x4b: {  	p0 =	sne.s32 s29, $0x4800;
	s29 =	sadd.s32 $0x400, s29;
	_ =	swait.ge [sflag:s23], $0x3E80  }
0x4c: {  	s30 =	sshra.s32 s30, $0x2;
	[sflag:s23] =	ssyncset.done $0x0  }
0x4d: {  	s31 =	sadd.s32 $0x14000, s30;
	[sflag:s23] =	ssyncadd.s32 $0xFFFFC180  }
0x4e: {  	[spmem:s3] =	stream.indirect.scatter.add.f32 [tilespmem:s19], [sflag:$0x3], $0x80, s31, s20, $0xb8;
	[tilespmem:$0x1E800] =	vst v63  }
0x4f: {  	_ =	swait.ge [sflag:s15], $0x3E80  }
0x50: {  	[sflag:s15] =	ssyncset.done $0x0  }
0x51: {  	s31 =	sadd.s32 $0x1D500, s30;
	[sflag:s15] =	ssyncadd.s32 $0xFFFFC180  }
0x52: {  	[tilespmem:s19], [sflag:$0x1] =	stream.indirect.gather [hbm4b:s1+s20], $0x80, s31, s20, $0xb8;
	[tilespmem:$0x1E800] =	vst v63  }
0x53: {  	_ =	swait.ge [sflag:s24], $0x3E80  }
0x54: {  	[sflag:s24] =	ssyncset.done $0x0  }
.Ltmp1:
0x55: {  	s31 =	sadd.s32 $0x14080, s30;
	[sflag:s24] =	ssyncadd.s32 $0xFFFFC180;
	(pc) =	sbr.rel @p0 .LBB2_4-.Ltmp1, $4  }
0x56: {  	[spmem:s3] =	stream.indirect.scatter.add.f32 [tilespmem:s22], [sflag:$0x3], $0x80, s31, s20, $0xb8;
	[tilespmem:$0x1E800] =	vst v63  }
0x57: {  	_ =	swait.ge [sflag:s15], $0x3E80  }
0x58: {  	[sflag:s15] =	ssyncset.done $0x0  }
0x59: {  	s30 =	sadd.s32 $0x1D580, s30;
	[sflag:s15] =	ssyncadd.s32 $0xFFFFC180  }
0x5a: {  	[tilespmem:s22], [sflag:$0x2] =	stream.indirect.gather [hbm4b:s1+s20], $0x80, s30, s20, $0xb8;
	[tilespmem:$0x1E800] =	vst v63  }
0x5b: {  	_ =	swait.ge [sflag:s23], $0x3E80  }
0x5c: {  	[sflag:s23] =	ssyncset.done $0x0  }
0x5d: {  	[sflag:s23] =	ssyncadd.s32 $0xFFFFC180  }
0x5e: {  	[spmem:s3] =	stream.indirect.scatter.add.f32 [tilespmem:s19], [sflag:$0x3], $0x80, s25, s20, $0xb8;
	[tilespmem:$0x1E800] =	vst v63  }
0x5f: {  	_ =	swait.ge [sflag:s15], $0x3E80  }
0x60: {  	[sflag:s15] =	ssyncset.done $0x0  }
0x61: {  	[sflag:s15] =	ssyncadd.s32 $0xFFFFC180  }
0x62: {  	_ =	swait.ge [sflag:s24], $0x3E80  }
0x63: {  	[sflag:s24] =	ssyncset.done $0x0  }
0x64: {  	[sflag:s24] =	ssyncadd.s32 $0xFFFFC180  }
0x65: {  	[spmem:s3] =	stream.indirect.scatter.add.f32 [tilespmem:s22], [sflag:$0x3], $0x80, s26, s20, $0xb8;
	[tilespmem:$0x1E800] =	vst v63  }
0x66: {  	_ =	swait.ge [sflag:s15], $0x3E80  }
0x67: {  	[sflag:s15] =	ssyncset.done $0x0  }
0x68: {  	[sflag:s15] =	ssyncadd.s32 $0xFFFFC180  }
0x69: {  	[bflag:$0x0] =	sbarrier.arrive $0xFFFF  }
0x6a: {  	[hbm:s11], [sflag:s17] =	dma.local [spmem:s18], $0x2800  }
0x6b: {  	_ =	swait.ge [sflag:s15], $0x2800  }
0x6c: {  	[sflag:s15] =	ssyncset.done $0x0  }
0x6d: {  	[sflag:s15] =	ssyncadd.s32 $0xFFFFD800  }
0x6e: {  	[spmem:s18], [sflag:s17] =	dma.local [hbm:s6], $0x2800  }
0x6f: {  	_ =	swait.ge [sflag:s15], $0x2800  }
0x70: {  	[sflag:s15] =	ssyncset.done $0x0  }
0x71: {  	[sflag:s15] =	ssyncadd.s32 $0xFFFFD800  }
0x72: {  	[bflag:$0x0] =	sbarrier.arrive $0xFFFF  }
0x73: {  	[tilespmem:s19], [sflag:$0x1] =	stream.indirect.gather [hbm4b:s5+s20], $0x80, s14, s20, $0xb8;
	[tilespmem:$0x1E800] =	vst v63  }
0x74: {  	_ = 	snop  }
0x75: {  	[tilespmem:s22], [sflag:$0x2] =	stream.indirect.gather [hbm4b:s5+s20], $0x80, s21, s20, $0xb8;
	[tilespmem:$0x1E800] =	vst v63  }
0x76: {  	_ =	swait.ge [sflag:s23], $0x3E80  }
0x77: {  	[sflag:s23] =	ssyncset.done $0x0  }
0x78: {  	s29 =	simm.s32 $0x14000;
	[sflag:s23] =	ssyncadd.s32 $0xFFFFC180  }
0x79: {  	[spmem:s3] =	stream.indirect.scatter.add.f32 [tilespmem:s19], [sflag:$0x3], $0x80, s29, s20, $0xb8;
	[tilespmem:$0x1E800] =	vst v63  }
0x7a: {  	_ =	swait.ge [sflag:s15], $0x3E80  }
0x7b: {  	[sflag:s15] =	ssyncset.done $0x0  }
0x7c: {  	s29 =	simm.s32 $0x1D500;
	[sflag:s15] =	ssyncadd.s32 $0xFFFFC180  }
0x7d: {  	[tilespmem:s19], [sflag:$0x1] =	stream.indirect.gather [hbm4b:s5+s20], $0x80, s29, s20, $0xb8;
	[tilespmem:$0x1E800] =	vst v63  }
0x7e: {  	_ =	swait.ge [sflag:s24], $0x3E80  }
0x7f: {  	[sflag:s24] =	ssyncset.done $0x0  }
0x80: {  	s29 =	simm.s32 $0x14080;
	[sflag:s24] =	ssyncadd.s32 $0xFFFFC180  }
0x81: {  	[spmem:s3] =	stream.indirect.scatter.add.f32 [tilespmem:s22], [sflag:$0x3], $0x80, s29, s20, $0xb8;
	[tilespmem:$0x1E800] =	vst v63  }
0x82: {  	_ =	swait.ge [sflag:s15], $0x3E80  }
0x83: {  	[sflag:s15] =	ssyncset.done $0x0  }
0x84: {  	s30 =	simm.s32 $0x1D580;
	s29 =	simm.s32 $0x400;
	[sflag:s15] =	ssyncadd.s32 $0xFFFFC180  }
.LBB2_6:
0x85: {  	[tilespmem:s22], [sflag:$0x2] =	stream.indirect.gather [hbm4b:s5+s20], $0x80, s30, s20, $0xb8;
	[tilespmem:$0x1E800] =	vst v63  }
0x86: {  	s30 =	smov.u32 s29  }
0x87: {  	p0 =	sne.s32 s29, $0x4800;
	s29 =	sadd.s32 $0x400, s29;
	_ =	swait.ge [sflag:s23], $0x3E80  }
0x88: {  	s30 =	sshra.s32 s30, $0x2;
	[sflag:s23] =	ssyncset.done $0x0  }
0x89: {  	s31 =	sadd.s32 $0x14000, s30;
	[sflag:s23] =	ssyncadd.s32 $0xFFFFC180  }
0x8a: {  	[spmem:s3] =	stream.indirect.scatter.add.f32 [tilespmem:s19], [sflag:$0x3], $0x80, s31, s20, $0xb8;
	[tilespmem:$0x1E800] =	vst v63  }
0x8b: {  	_ =	swait.ge [sflag:s15], $0x3E80  }
0x8c: {  	[sflag:s15] =	ssyncset.done $0x0  }
0x8d: {  	s31 =	sadd.s32 $0x1D500, s30;
	[sflag:s15] =	ssyncadd.s32 $0xFFFFC180  }
0x8e: {  	[tilespmem:s19], [sflag:$0x1] =	stream.indirect.gather [hbm4b:s5+s20], $0x80, s31, s20, $0xb8;
	[tilespmem:$0x1E800] =	vst v63  }
0x8f: {  	_ =	swait.ge [sflag:s24], $0x3E80  }
0x90: {  	[sflag:s24] =	ssyncset.done $0x0  }
.Ltmp2:
0x91: {  	s31 =	sadd.s32 $0x14080, s30;
	[sflag:s24] =	ssyncadd.s32 $0xFFFFC180;
	(pc) =	sbr.rel @p0 .LBB2_6-.Ltmp2, $4  }
0x92: {  	[spmem:s3] =	stream.indirect.scatter.add.f32 [tilespmem:s22], [sflag:$0x3], $0x80, s31, s20, $0xb8;
	[tilespmem:$0x1E800] =	vst v63  }
0x93: {  	_ =	swait.ge [sflag:s15], $0x3E80  }
0x94: {  	[sflag:s15] =	ssyncset.done $0x0  }
0x95: {  	s30 =	sadd.s32 $0x1D580, s30;
	[sflag:s15] =	ssyncadd.s32 $0xFFFFC180  }
0x96: {  	[tilespmem:s22], [sflag:$0x2] =	stream.indirect.gather [hbm4b:s5+s20], $0x80, s30, s20, $0xb8;
	[tilespmem:$0x1E800] =	vst v63  }
0x97: {  	_ =	swait.ge [sflag:s23], $0x3E80  }
0x98: {  	[sflag:s23] =	ssyncset.done $0x0  }
0x99: {  	[sflag:s23] =	ssyncadd.s32 $0xFFFFC180  }
0x9a: {  	[spmem:s3] =	stream.indirect.scatter.add.f32 [tilespmem:s19], [sflag:$0x3], $0x80, s25, s20, $0xb8;
	[tilespmem:$0x1E800] =	vst v63  }
0x9b: {  	_ =	swait.ge [sflag:s15], $0x3E80  }
0x9c: {  	[sflag:s15] =	ssyncset.done $0x0  }
0x9d: {  	[sflag:s15] =	ssyncadd.s32 $0xFFFFC180  }
0x9e: {  	_ =	swait.ge [sflag:s24], $0x3E80  }
0x9f: {  	[sflag:s24] =	ssyncset.done $0x0  }
0xa0: {  	[sflag:s24] =	ssyncadd.s32 $0xFFFFC180  }
0xa1: {  	[spmem:s3] =	stream.indirect.scatter.add.f32 [tilespmem:s22], [sflag:$0x3], $0x80, s26, s20, $0xb8;
	[tilespmem:$0x1E800] =	vst v63  }
0xa2: {  	_ =	swait.ge [sflag:s15], $0x3E80  }
0xa3: {  	[sflag:s15] =	ssyncset.done $0x0  }
0xa4: {  	s28 =	sadd.s32 $0x1, s28;
	[sflag:s15] =	ssyncadd.s32 $0xFFFFC180  }
0xa5: {  	p0 =	sne.s32 s28, s13;
	[bflag:$0x0] =	sbarrier.arrive $0xFFFF  }
0xa6: {  	[hbm:s12], [sflag:s17] =	dma.local [spmem:s18], $0x2800  }
.Ltmp3:
0xa7: {  	_ =	swait.ge [sflag:s15], $0x2800;
	(pc) =	sbr.rel @p0 .LBB2_1-.Ltmp3, $3  }
0xa8: {  	[sflag:s15] =	ssyncset.done $0x0  }
0xa9: {  	[sflag:s15] =	ssyncadd.s32 $0xFFFFD800  }
0xaa: {  	[bflag:$0x0] =	sbarrier.arrive $0xFFFF;
	_ =	sdelay $0x1  }
0xab: {  	_ =	sfence.sel $0x180000  }
0xac: {  	[bflag:$0x0] =	sbarrier.arrive $0xFFFF  }
0xad: {  	p0 =	sne.s32 s0, $0x0;
	_ =	strace $0x90000047  }
0xae: {  	s0 =	sadd.s32 @!p0 $0x100000, s2;
	[bflag:$0x2] =	sbarrier.arrive $0xFFFF  }
0xaf: {  	[sflag:s0] =	ssyncadd.tile.s32 @!p0 $0x1;
	_ =	shalt  }
.Lfunc_end2:
_tile_overlayer_lowered:
.L_overlay_start_2:
0xb0: {  	(tag) =	ssettag $0x2  }
0xb1: {  	s0 =	rddreg [dreg:$0x0];
	s2 =	stileid.u32  }
0xb2: {  	s1 =	rddreg [dreg:$0x1];
	p0 =	sne.s32 s2, $0x0  }
0xb3: {  	s3 =	rddreg [dreg:$0x2];
	[bflag:$0x3] =	sbarrier.arrive $0xFFFF;
	s2 =	simm.s32 @!p0 $0x1C03  }
0xb4: {  	[timem:s3], [sflag:s2] =	dma.local @!p0 [hbm:s0], s1  }
0xb5: {  	s0 =	simm.s32 @!p0 $0x3  }
0xb6: {  	_ =	swait.ge @!p0 [sflag:s0], s1  }
0xb7: {  	s1 =	ssub.s32 @!p0 $0x0, s1;
	[sflag:s0] =	ssyncset.done @!p0 $0x0  }
0xb8: {  	[sflag:s0] =	ssyncadd.s32 @!p0 s1  }
0xb9: {  	[bflag:$0x3] =	sbarrier.arrive $0xFFFF  }
0xba: {  	_ =	shalt  }

// kernel: kernel.13.cloned.1.call-start
scs
__scs_entry_jumppad:
0x0: {  	(pc) =	sbr.rel $0x88, $3  }
0x1: {  	(tag) =	ssettag $0x0;
	lr =	simm.s32 $0x1  }
0x2: {  	[smem:$0x3F8F] =	sst lr;
	_ =	strace $0xD0000000  }
0x3: {  	_ = 	snop  }
0x4: {  	_ = 	snop  }
0x5: {  	_ = 	snop  }
0x6: {  	_ = 	snop  }
0x7: {  	_ = 	snop  }
__scs_overlays_trampoline_lowered:
0x8: {  	[smem:$0x3F9E] =	sst s0  }
0x9: {  	[smem:$0x3F9F] =	sst s1  }
0xa: {  	[smem:$0x3FA0] =	sst s2  }
0xb: {  	[smem:$0x3FA1] =	sst s3  }
0xc: {  	[smem:$0x3FA2] =	sst s4  }
0xd: {  	[smem:$0x3FA3] =	sst s5  }
0xe: {  	[smem:$0x3FA4] =	sst s6  }
0xf: {  	[smem:$0x3FA5] =	sst s7  }
0x10: {  	[smem:$0x3FA6] =	sst s8  }
0x11: {  	[smem:$0x3FA7] =	sst s9;
	s0 =	simm.s32 @!p0 $0x0  }
0x12: {  	s1 =	sld [smem:$0x3F8D];
	s0 =	simm.s32 @p0 $0x1  }
0x13: {  	[smem:$0x3FA8] =	sst s0;
	s0 =	simm.s32 @!p1 $0x0  }
0x14: {  	s2 =	sld [smem:$0x3F8C];
	s0 =	simm.s32 @p1 $0x1  }
0x15: {  	[smem:$0x3FA9] =	sst s0;
	s0 =	simm.s32 @!p2 $0x0  }
0x16: {  	s3 =	sld [smem:$0x3FDB];
	s0 =	simm.s32 @p2 $0x1  }
0x17: {  	s4 =	simm.s32 $0x1BF5;
	[smem:$0x3FAB] =	sst s0  }
0x18: {  	s0 =	sld [smem:$0x3F8E];
	_ =	swait.ge [sflag:s4], $0x0  }
0x19: {  	s7 =	sld [smem:$0x3F8F]  }
0x1a: {  	s8 =	sadd.s32 $0xFFFFE003, lr  }
0x1b: {  	s9 =	sadd.s32 $0xFFFFFEF7, lr;
	s5 =	simm.s32 $0xFFFFFFFF;
	p2 =	slt.u32 s8, $0xFFFFF086  }
0x1c: {  	p1 =	slt.u32 s9, $0xF7A;
	s5 =	simm.s32 @!p2 $0x0  }
0x1d: {  	s5 =	simm.s32 @p1 $0x1;
	p0 =	seq.s32 s7, s2  }
0x1e: {  	s7 =	smul.u32 @!p0 $0xF7A, s2;
	p2 =	seq.s32 @!p0 s5, $0x0  }
0x1f: {  	s9 =	smul.u32 $0xF7A, s1;
	s8 =	simm.s32 @!p0 $0x1BF5;
	p2 =	por !p2, p0  }
0x20: {  	[sflag:s8] =	ssyncset.s32 @!p0 $0xFFFFF086;
	s6 =	sadd.s32 @!p0 s3, s7;
	s7 =	simm.s32 @!p0 $0x108  }
0x21: {  	s3 =	sadd.s32 s3, s9;
	s6 =	sadd.s32 @!p0 $0x88, s6;
	s7 =	simm.s32 @p2 $0x1082  }
0x22: {  	[simem:s7], [sflag:s8] =	dma.local @!p0 [hbm:s6], $0xF7A  }
0x23: {  	s9 =	sor.u32 $0xD0000000, s2;
	s6 =	simm.s32 $0x108;
	_ =	swait.ge @!p0 [sflag:s8], $0x0  }
0x24: {  	s3 =	sadd.s32 $0x88, s3;
	s6 =	simm.s32 @!p1 $0x1082;
	[sflag:s4] =	ssyncset.s32 $0xFFFFF086  }
0x25: {  	[simem:s6], [sflag:s4] =	dma.local [hbm:s3], $0xF7A  }
0x26: {  	[smem:$0x3F8F] =	sst s1;
	(tag) =	ssettag s2;
	_ =	strace s9  }
0x27: {  	s1 =	sld [smem:$0x3F9F]  }
0x28: {  	s2 =	sld [smem:$0x3FA0]  }
0x29: {  	s4 =	sld [smem:$0x3FA2]  }
0x2a: {  	p0 =	seq.s32 s5, $0x0;
	s5 =	sld [smem:$0x3FA3]  }
0x2b: {  	s6 =	sld [smem:$0x3FA4]  }
0x2c: {  	s7 =	sld [smem:$0x3FA5]  }
0x2d: {  	s3 =	simm.s32 $0x108;
	s8 =	sld [smem:$0x3FA6]  }
0x2e: {  	s3 =	simm.s32 @!p0 $0x1082;
	s9 =	sld [smem:$0x3FA7]  }
0x2f: {  	lr =	sadd.s32 s0, s3;
	s0 =	sld [smem:$0x3F9E]  }
0x30: {  	s3 =	sld [smem:$0x3FA1]  }
0x31: {  	[smem:$0x3FAA] =	sst s10  }
0x32: {  	s10 =	sld [smem:$0x3FA8];
	_ =	sdelay $0x3  }
0x33: {  	p0 =	seq.s32 s10, $0x1;
	s10 =	sld [smem:$0x3FAA];
	_ =	sdelay $0x3  }
0x34: {  	[smem:$0x3FAA] =	sst s10  }
0x35: {  	s10 =	sld [smem:$0x3FA9];
	_ =	sdelay $0x3  }
0x36: {  	p1 =	seq.s32 s10, $0x1;
	s10 =	sld [smem:$0x3FAA];
	_ =	sdelay $0x3  }
0x37: {  	[smem:$0x3FAA] =	sst s10  }
0x38: {  	s10 =	sld [smem:$0x3FAB]  }
0x39: {  	_ = 	snop;
	(pc) =	sbr.ind lr, $3  }
0x3a: {  	_ = 	snop  }
0x3b: {  	_ = 	snop  }
0x3c: {  	p2 =	seq.s32 s10, $0x1;
	s10 =	sld [smem:$0x3FAA]  }
0x3d: {  	_ =	shalt  }
0x3e: {  	_ =	shalt  }
0x3f: {  	_ =	shalt  }
0x40: {  	_ =	shalt  }
0x41: {  	_ =	shalt  }
0x42: {  	_ =	shalt  }
0x43: {  	_ =	shalt  }
0x44: {  	_ =	shalt  }
0x45: {  	_ =	shalt  }
0x46: {  	_ =	shalt  }
0x47: {  	_ =	shalt  }
0x48: {  	_ =	shalt  }
0x49: {  	_ =	shalt  }
0x4a: {  	_ =	shalt  }
0x4b: {  	_ =	shalt  }
0x4c: {  	_ =	shalt  }
0x4d: {  	_ =	shalt  }
0x4e: {  	_ =	shalt  }
0x4f: {  	_ =	shalt  }
0x50: {  	_ =	shalt  }
0x51: {  	_ =	shalt  }
0x52: {  	_ =	shalt  }
0x53: {  	_ =	shalt  }
0x54: {  	_ =	shalt  }
0x55: {  	_ =	shalt  }
0x56: {  	_ =	shalt  }
0x57: {  	_ =	shalt  }
0x58: {  	_ =	shalt  }
0x59: {  	_ =	shalt  }
0x5a: {  	_ =	shalt  }
0x5b: {  	_ =	shalt  }
0x5c: {  	_ =	shalt  }
0x5d: {  	_ =	shalt  }
0x5e: {  	_ =	shalt  }
0x5f: {  	_ =	shalt  }
0x60: {  	_ =	shalt  }
0x61: {  	_ =	shalt  }
0x62: {  	_ =	shalt  }
0x63: {  	_ =	shalt  }
0x64: {  	_ =	shalt  }
0x65: {  	_ =	shalt  }
0x66: {  	_ =	shalt  }
0x67: {  	_ =	shalt  }
0x68: {  	_ =	shalt  }
0x69: {  	_ =	shalt  }
0x6a: {  	_ =	shalt  }
0x6b: {  	_ =	shalt  }
0x6c: {  	_ =	shalt  }
0x6d: {  	_ =	shalt  }
0x6e: {  	_ =	shalt  }
0x6f: {  	_ =	shalt  }
0x70: {  	_ =	shalt  }
0x71: {  	_ =	shalt  }
0x72: {  	_ =	shalt  }
0x73: {  	_ =	shalt  }
0x74: {  	_ =	shalt  }
0x75: {  	_ =	shalt  }
0x76: {  	_ =	shalt  }
0x77: {  	_ =	shalt  }
0x78: {  	_ =	shalt  }
0x79: {  	_ =	shalt  }
0x7a: {  	_ =	shalt  }
0x7b: {  	_ =	shalt  }
0x7c: {  	_ =	shalt  }
0x7d: {  	_ =	shalt  }
0x7e: {  	_ =	shalt  }
0x7f: {  	_ =	shalt  }
0x80: {  	_ =	shalt  }
0x81: {  	_ =	shalt  }
0x82: {  	_ =	shalt  }
0x83: {  	_ =	shalt  }
0x84: {  	_ =	shalt  }
0x85: {  	_ =	shalt  }
0x86: {  	_ =	shalt  }
0x87: {  	_ =	shalt  }
.Lfunc_end0:
.L_simem_size_0:
called_computation.1_lowered:
.L_overlay_start_0:
0x88: {  	s2 =	sld [smem:$0x3FD9]  }
0x89: {  	s3 =	sld [smem:$0x3FFE];
	_ =	sdelay $0x1  }
0x8a: {  	s1 =	srdreg.scid  }
0x8b: {  	s0 =	sand.u32 $0x1, s1  }
0x8c: {  	s17 =	sshll.u32 s0, $0xA;
	s2 =	sadd.s32 s3, s2  }
0x8d: {  	s2 =	sadd.s32 s2, s17  }
0x8e: {  	[smem:$0x3FB6] =	sst s2  }
0x8f: {  	_ = 	snop  }
0x90: {  	s2 =	sld [smem:$0x3FD0];
	(tm) =	ssettm $0x1  }
0x91: {  	s18 =	sld [smem:$0x3FFB];
	_ =	sdelay $0x3  }
0x92: {  	_ =	strace s18  }
0x93: {  	s3 =	sld [smem:$0x3FFC];
	_ =	sdelay $0x3  }
0x94: {  	_ =	strace s3  }
0x95: {  	s3 =	sld [smem:$0x3FFD];
	_ =	sdelay $0x3  }
0x96: {  	_ =	strace s3  }
0x97: {  	_ =	strace $0x8FFFFFFF  }
0x98: {  	s19 =	sld [smem:$0x3FDB];
	_ =	sdelay $0x1  }
0x99: {  	s4 =	simm.s32 $_scs_section_size  }
0x9a: {  	s5 =	simm.s32 $_size__tile_overlayer_lowered;
	s6 =	simm.s32 $_tile_overlayer_lowered  }
0x9b: {  	s22 =	simm.s32 $0x1BFF;
	s21 =	sshll.u32 s6, $0x1;
	s3 =	sadd.s32 s4, s19  }
0x9c: {  	s7 =	simm.s32 $0x0;
	s20 =	sshll.u32 s5, $0x1;
	s5 =	sadd.s32 s21, s3  }
0x9d: {  	[timem:s7], [sflag:s22] =	dma.local [hbm:s5], s20  }
0x9e: {  	_ =	swait.ge [sflag:s22], s20  }
0x9f: {  	s4 =	ssub.s32 $0x0, s20;
	[sflag:s22] =	ssyncset.done $0x0  }
0xa0: {  	[sflag:s22] =	ssyncadd.s32 s4;
	_ =	sdelay $0x1  }
0xa1: {  	s23 =	simm.s32 $0x1B8B  }
0xa2: {  	_ =	swait.ge [sflag:s23], $0x1  }
0xa3: {  	[sflag:s23] =	ssyncset.done $0x0  }
0xa4: {  	s25 =	simm.s32 $0x1B8E;
	s24 =	sld [smem:$0x3FFE];
	[sflag:s23] =	ssyncadd.s32 $0xFFFFFFFF  }
0xa5: {  	s26 =	simm.s32 $execute0_lowered;
	[smem:$0x3FD2] =	sst s25  }
0xa6: {  	s5 =	sshll.u32 s26, $0x1;
	_ =	strace $0x80000049;
	[dreg:$0x1] =	wrdreg $0xFFFFFFFF  }
0xa7: {  	s28 =	simm.s32 $_size_execute0_lowered;
	s3 =	sadd.s32 s3, s5;
	[dreg:$0x0] =	wrdreg $0x0  }
0xa8: {  	s5 =	sshll.u32 s28, $0x1;
	[dreg:$0x2] =	wrdreg s3  }
0xa9: {  	[dreg:$0x3] =	wrdreg s5  }
0xaa: {  	[dreg:$0x4] =	wrdreg $0xC0  }
0xab: {  	_ =	task [dreg:s7], $0x5FFFF  }
0xac: {  	[dreg:$0x1] =	wrdreg $0xFFFFFFFF  }
0xad: {  	[dreg:$0x0] =	wrdreg $0x60  }
0xae: {  	[dreg:$0x2] =	wrdreg s2  }
0xaf: {  	[dreg:$0x3] =	wrdreg s24  }
0xb0: {  	[dreg:$0x4] =	wrdreg $0x0  }
0xb1: {  	[dreg:$0x5] =	wrdreg $0x9  }
0xb2: {  	_ =	task.clear_ibuf [dreg:s7], $0x6FFFF;
	_ =	strace $0x90000049  }
0xb3: {  	s29 =	simm.s32 $0x9;
	_ =	strace $0x8000004B  }
0xb4: {  	_ =	swait.ge [sflag:s29], $0x1  }
0xb5: {  	[sflag:s29] =	ssyncadd.s32 $0xFFFFFFFF  }
0xb6: {  	_ =	strace $0x9000004B  }
0xb7: {  	_ =	sfence  }
0xb8: {  	s30 =	sld [smem:$0x0];
	_ =	sdelay $0x2  }
0xb9: {  	s31 =	sshll.u32 s1, $0xD;
	s1 =	sshrl.u32 s1, $0x2  }
0xba: {  	s3 =	sand.u32 $0x4000, s31;
	s1 =	sadd.s32 s1, s30  }
0xbb: {  	s0 =	sor.u32 s3, s0;
	s1 =	sshll.u32 s1, $0x11  }
0xbc: {  	s0 =	sor.u32 s1, s0  }
0xbd: {  	s0 =	sadd.s32 $0x8F2B, s0  }
0xbe: {  	[sflag:s0] =	ssyncadd.remote.s32 $0x1  }
0xbf: {  	_ =	sfence.sel $0xFFFF  }
0xc0: {  	[dreg:$0x0] =	wrdreg $0xFFFFFFFF;
	(pc) =	sbr.abs _section_cstart, $3  }
0xc1: {  	[dreg:$0x1] =	wrdreg $0xFFFFFFFF  }
0xc2: {  	_ =	task.clear_ibuf [dreg:s7], $0x2FFFF;
	_ =	strace $0x9FFFFFFF  }
0xc3: {  	(tm) =	ssettm $0x7FFFFFFF  }
tec
execute0_lowered:
.L_overlay_start_1:
0x0: {  	(tag) =	ssettag $0x1  }
0x1: {  	s1 =	rddreg [dreg:$0x0]  }
0x2: {  	s0 =	srdreg.scid;
	s9 =	rddreg [dreg:$0x1]  }
0x3: {  	s23 =	stileid.u32;
	s3 =	rddreg [dreg:$0x2];
	s16 =	simm.s32 $0x1D400  }
0x4: {  	s17 =	simm.s32 $0x3;
	s18 =	simm.s32 $0x14000;
	s21 =	simm.s32 $0x7D  }
0x5: {  	s22 =	simm.s32 $0x19400;
	s28 =	simm.s32 $0x15300;
	s29 =	simm.s32 $0x15380  }
0x6: {  	s30 =	simm.s32 $0x0;
	s2 =	sand.u32 $0x1, s0;
	s10 =	smul.u32 $0x280, s23  }
0x7: {  	s6 =	sadd.s32 $0x39E00, s9;
	s7 =	sadd.s32 $0x61000, s9;
	s13 =	smul.u32 $0x50000, s23  }
0x8: {  	s31 =	sshll.u32 s23, $0x6;
	s4 =	sshll.u32 s2, $0x4;
	s11 =	smul.u32 $0x2800, s2  }
0x9: {  	s2 =	ssub.s32 $0x2, s2;
	s19 =	sor.u32 $0x1C03, s31;
	s5 =	sor.u32 s23, s4  }
0xa: {  	s4 =	simm.s32 $0x0;
	s25 =	sshrl.u32 s2, $0x1;
	s26 =	sshrl.u32 s13, $0x2  }
0xb: {  	s23 =	simm.s32 $0x1D480;
	s8 =	smul.u32 $0x1400, s5;
	[smem:$0x7FF] =	sst s4  }
0xc: {  	s5 =	sadd.s32 $0xFC00, s9;
	s24 =	sadd.s32 s10, s11;
	s2 =	ssub.s32 s2, s25  }
0xd: {  	s20 =	sadd.s32 s26, s3;
	s25 =	simm.s32 $0x1;
	s26 =	simm.s32 $0x2  }
0xe: {  	_ =	strace $0x8000004A;
	s10 =	sshll.u32 s24, $0x4;
	s15 =	smax.u32 s2, $0x1  }
0xf: {  	s24 =	simm.s32 $0x15400;
	s8 =	sshrl.u32 s8, $0x3;
	s14 =	sadd.s32 s10, s9  }
0x10: {  	s12 =	sadd.s32 s8, s9;
	s8 =	sadd.s32 $0x36E00, s9;
	s11 =	sadd.s32 $0x88200, s14  }
0x11: {  	s13 =	sadd.s32 $0x179E00, s14;
	s9 =	sadd.s32 $0x5C00, s12;
	s10 =	sadd.s32 $0xAC00, s12  }
0x12: {  	s20 =	sshrl.u32 s20, $0x3;
	s12 =	sadd.s32 $0x129E00, s14;
	s14 =	sadd.s32 $0x1C9E00, s14  }
.LBB2_1:
0x13: {  	[tilespmem:s16], [sflag:$0x3] =	stream.linear.gather [hbm4b:s9+s4], $0x1400, $0x38;
	[tilespmem:$0x1E800] =	vst v63  }
0x14: {  	_ =	swait.ge [sflag:s17], $0x1400  }
0x15: {  	[sflag:s17] =	ssyncset.done $0x0  }
0x16: {  	[sflag:s17] =	ssyncadd.s32 $0xFFFFEC00  }
0x17: {  	[tilespmem:s18], [sflag:$0x3] =	stream.linear.gather [hbm4b:s10+s4], $0x1400, $0x38;
	[tilespmem:$0x1E800] =	vst v63  }
0x18: {  	_ =	swait.ge [sflag:s17], $0x1400  }
0x19: {  	[sflag:s17] =	ssyncset.done $0x0  }
0x1a: {  	[sflag:s17] =	ssyncadd.s32 $0xFFFFEC00  }
0x1b: {  	[spmem:s20], [sflag:s19] =	dma.local [hbm:s8], $0x2800  }
0x1c: {  	_ =	swait.ge [sflag:s17], $0x2800  }
0x1d: {  	[sflag:s17] =	ssyncset.done $0x0  }
0x1e: {  	[sflag:s17] =	ssyncadd.s32 $0xFFFFD800  }
0x1f: {  	[bflag:$0x0] =	sbarrier.arrive $0xFFFF  }
0x20: {  	[tilespmem:s22], [sflag:$0x1] =	stream.indirect.gather [hbm4b:s1+s21], $0x80, s16, s21, $0xb8;
	[tilespmem:$0x1E800] =	vst v63  }
0x21: {  	_ = 	snop  }
0x22: {  	[tilespmem:s24], [sflag:$0x2] =	stream.indirect.gather [hbm4b:s1+s21], $0x80, s23, s21, $0xb8;
	[tilespmem:$0x1E800] =	vst v63  }
0x23: {  	_ =	swait.ge [sflag:s25], $0x3E80  }
0x24: {  	[sflag:s25] =	ssyncset.done $0x0  }
0x25: {  	s2 =	simm.s32 $0x14000;
	[sflag:s25] =	ssyncadd.s32 $0xFFFFC180  }
0x26: {  	[spmem:s3] =	stream.indirect.scatter.add.f32 [tilespmem:s22], [sflag:$0x3], $0x80, s2, s21, $0xb8;
	[tilespmem:$0x1E800] =	vst v63  }
0x27: {  	_ =	swait.ge [sflag:s17], $0x3E80  }
0x28: {  	[sflag:s17] =	ssyncset.done $0x0  }
0x29: {  	s0 =	simm.s32 $0x1D500;
	[sflag:s17] =	ssyncadd.s32 $0xFFFFC180  }
0x2a: {  	[tilespmem:s22], [sflag:$0x1] =	stream.indirect.gather [hbm4b:s1+s21], $0x80, s0, s21, $0xb8;
	[tilespmem:$0x1E800] =	vst v63  }
0x2b: {  	_ =	swait.ge [sflag:s26], $0x3E80  }
0x2c: {  	[sflag:s26] =	ssyncset.done $0x0  }
0x2d: {  	s0 =	simm.s32 $0x14080;
	[sflag:s26] =	ssyncadd.s32 $0xFFFFC180  }
0x2e: {  	[spmem:s3] =	stream.indirect.scatter.add.f32 [tilespmem:s24], [sflag:$0x3], $0x80, s0, s21, $0xb8;
	[tilespmem:$0x1E800] =	vst v63  }
0x2f: {  	_ =	swait.ge [sflag:s17], $0x3E80  }
0x30: {  	[sflag:s17] =	ssyncset.done $0x0  }
0x31: {  	s31 =	simm.s32 $0x400;
	s2 =	simm.s32 $0x1D580;
	[sflag:s17] =	ssyncadd.s32 $0xFFFFC180  }
.LBB2_2:
0x32: {  	[tilespmem:s24], [sflag:$0x2] =	stream.indirect.gather [hbm4b:s1+s21], $0x80, s2, s21, $0xb8;
	[tilespmem:$0x1E800] =	vst v63  }
0x33: {  	s2 =	smov.u32 s31  }
0x34: {  	p0 =	sne.s32 s31, $0x4800;
	s31 =	sadd.s32 $0x400, s31;
	_ =	swait.ge [sflag:s25], $0x3E80  }
0x35: {  	s2 =	sshra.s32 s2, $0x2;
	[sflag:s25] =	ssyncset.done $0x0  }
0x36: {  	s0 =	sadd.s32 $0x14000, s2;
	[sflag:s25] =	ssyncadd.s32 $0xFFFFC180  }
0x37: {  	[spmem:s3] =	stream.indirect.scatter.add.f32 [tilespmem:s22], [sflag:$0x3], $0x80, s0, s21, $0xb8;
	[tilespmem:$0x1E800] =	vst v63  }
0x38: {  	_ =	swait.ge [sflag:s17], $0x3E80  }
0x39: {  	[sflag:s17] =	ssyncset.done $0x0  }
0x3a: {  	s0 =	sadd.s32 $0x1D500, s2;
	[sflag:s17] =	ssyncadd.s32 $0xFFFFC180  }
0x3b: {  	[tilespmem:s22], [sflag:$0x1] =	stream.indirect.gather [hbm4b:s1+s21], $0x80, s0, s21, $0xb8;
	[tilespmem:$0x1E800] =	vst v63  }
0x3c: {  	_ =	swait.ge [sflag:s26], $0x3E80  }
0x3d: {  	[sflag:s26] =	ssyncset.done $0x0  }
.Ltmp0:
0x3e: {  	s0 =	sadd.s32 $0x14080, s2;
	[sflag:s26] =	ssyncadd.s32 $0xFFFFC180;
	(pc) =	sbr.rel @p0 .LBB2_2-.Ltmp0, $4  }
0x3f: {  	[spmem:s3] =	stream.indirect.scatter.add.f32 [tilespmem:s24], [sflag:$0x3], $0x80, s0, s21, $0xb8;
	[tilespmem:$0x1E800] =	vst v63  }
0x40: {  	_ =	swait.ge [sflag:s17], $0x3E80  }
0x41: {  	[sflag:s17] =	ssyncset.done $0x0  }
0x42: {  	s2 =	sadd.s32 $0x1D580, s2;
	[sflag:s17] =	ssyncadd.s32 $0xFFFFC180  }
0x43: {  	[tilespmem:s24], [sflag:$0x2] =	stream.indirect.gather [hbm4b:s1+s21], $0x80, s2, s21, $0xb8;
	[tilespmem:$0x1E800] =	vst v63  }
0x44: {  	_ =	swait.ge [sflag:s25], $0x3E80  }
0x45: {  	[sflag:s25] =	ssyncset.done $0x0  }
0x46: {  	[sflag:s25] =	ssyncadd.s32 $0xFFFFC180  }
0x47: {  	[spmem:s3] =	stream.indirect.scatter.add.f32 [tilespmem:s22], [sflag:$0x3], $0x80, s28, s21, $0xb8;
	[tilespmem:$0x1E800] =	vst v63  }
0x48: {  	_ =	swait.ge [sflag:s17], $0x3E80  }
0x49: {  	[sflag:s17] =	ssyncset.done $0x0  }
0x4a: {  	[sflag:s17] =	ssyncadd.s32 $0xFFFFC180  }
0x4b: {  	_ =	swait.ge [sflag:s26], $0x3E80  }
0x4c: {  	[sflag:s26] =	ssyncset.done $0x0  }
0x4d: {  	[sflag:s26] =	ssyncadd.s32 $0xFFFFC180  }
0x4e: {  	[spmem:s3] =	stream.indirect.scatter.add.f32 [tilespmem:s24], [sflag:$0x3], $0x80, s29, s21, $0xb8;
	[tilespmem:$0x1E800] =	vst v63  }
0x4f: {  	_ =	swait.ge [sflag:s17], $0x3E80  }
0x50: {  	[sflag:s17] =	ssyncset.done $0x0  }
0x51: {  	[sflag:s17] =	ssyncadd.s32 $0xFFFFC180  }
0x52: {  	[bflag:$0x0] =	sbarrier.arrive $0xFFFF  }
0x53: {  	[hbm:s11], [sflag:s19] =	dma.local [spmem:s20], $0x2800  }
0x54: {  	_ =	swait.ge [sflag:s17], $0x2800  }
0x55: {  	[sflag:s17] =	ssyncset.done $0x0  }
0x56: {  	[sflag:s17] =	ssyncadd.s32 $0xFFFFD800  }
0x57: {  	[spmem:s20], [sflag:s19] =	dma.local [hbm:s8], $0x2800  }
0x58: {  	_ =	swait.ge [sflag:s17], $0x2800  }
0x59: {  	[sflag:s17] =	ssyncset.done $0x0  }
0x5a: {  	[sflag:s17] =	ssyncadd.s32 $0xFFFFD800  }
0x5b: {  	[bflag:$0x0] =	sbarrier.arrive $0xFFFF  }
0x5c: {  	[tilespmem:s22], [sflag:$0x1] =	stream.indirect.gather [hbm4b:s5+s21], $0x80, s16, s21, $0xb8;
	[tilespmem:$0x1E800] =	vst v63  }
0x5d: {  	_ = 	snop  }
0x5e: {  	[tilespmem:s24], [sflag:$0x2] =	stream.indirect.gather [hbm4b:s5+s21], $0x80, s23, s21, $0xb8;
	[tilespmem:$0x1E800] =	vst v63  }
0x5f: {  	_ =	swait.ge [sflag:s25], $0x3E80  }
0x60: {  	[sflag:s25] =	ssyncset.done $0x0  }
0x61: {  	s0 =	simm.s32 $0x14000;
	[sflag:s25] =	ssyncadd.s32 $0xFFFFC180  }
0x62: {  	[spmem:s3] =	stream.indirect.scatter.add.f32 [tilespmem:s22], [sflag:$0x3], $0x80, s0, s21, $0xb8;
	[tilespmem:$0x1E800] =	vst v63  }
0x63: {  	_ =	swait.ge [sflag:s17], $0x3E80  }
0x64: {  	[sflag:s17] =	ssyncset.done $0x0  }
0x65: {  	s2 =	simm.s32 $0x1D500;
	[sflag:s17] =	ssyncadd.s32 $0xFFFFC180  }
0x66: {  	[tilespmem:s22], [sflag:$0x1] =	stream.indirect.gather [hbm4b:s5+s21], $0x80, s2, s21, $0xb8;
	[tilespmem:$0x1E800] =	vst v63  }
0x67: {  	_ =	swait.ge [sflag:s26], $0x3E80  }
0x68: {  	[sflag:s26] =	ssyncset.done $0x0  }
0x69: {  	s2 =	simm.s32 $0x14080;
	[sflag:s26] =	ssyncadd.s32 $0xFFFFC180  }
0x6a: {  	[spmem:s3] =	stream.indirect.scatter.add.f32 [tilespmem:s24], [sflag:$0x3], $0x80, s2, s21, $0xb8;
	[tilespmem:$0x1E800] =	vst v63  }
0x6b: {  	_ =	swait.ge [sflag:s17], $0x3E80  }
0x6c: {  	[sflag:s17] =	ssyncset.done $0x0  }
0x6d: {  	s31 =	simm.s32 $0x400;
	s2 =	simm.s32 $0x1D580;
	[sflag:s17] =	ssyncadd.s32 $0xFFFFC180  }
.LBB2_4:
0x6e: {  	[tilespmem:s24], [sflag:$0x2] =	stream.indirect.gather [hbm4b:s5+s21], $0x80, s2, s21, $0xb8;
	[tilespmem:$0x1E800] =	vst v63  }
0x6f: {  	s0 =	smov.u32 s31  }
0x70: {  	p0 =	sne.s32 s31, $0x4800;
	s31 =	sadd.s32 $0x400, s31;
	_ =	swait.ge [sflag:s25], $0x3E80  }
0x71: {  	s0 =	sshra.s32 s0, $0x2;
	[sflag:s25] =	ssyncset.done $0x0  }
0x72: {  	s2 =	sadd.s32 $0x14000, s0;
	[sflag:s25] =	ssyncadd.s32 $0xFFFFC180  }
0x73: {  	[spmem:s3] =	stream.indirect.scatter.add.f32 [tilespmem:s22], [sflag:$0x3], $0x80, s2, s21, $0xb8;
	[tilespmem:$0x1E800] =	vst v63  }
0x74: {  	_ =	swait.ge [sflag:s17], $0x3E80  }
0x75: {  	[sflag:s17] =	ssyncset.done $0x0  }
0x76: {  	s2 =	sadd.s32 $0x1D500, s0;
	[sflag:s17] =	ssyncadd.s32 $0xFFFFC180  }
0x77: {  	[tilespmem:s22], [sflag:$0x1] =	stream.indirect.gather [hbm4b:s5+s21], $0x80, s2, s21, $0xb8;
	[tilespmem:$0x1E800] =	vst v63  }
0x78: {  	_ =	swait.ge [sflag:s26], $0x3E80  }
0x79: {  	[sflag:s26] =	ssyncset.done $0x0  }
.Ltmp1:
0x7a: {  	s2 =	sadd.s32 $0x14080, s0;
	[sflag:s26] =	ssyncadd.s32 $0xFFFFC180;
	(pc) =	sbr.rel @p0 .LBB2_4-.Ltmp1, $4  }
0x7b: {  	[spmem:s3] =	stream.indirect.scatter.add.f32 [tilespmem:s24], [sflag:$0x3], $0x80, s2, s21, $0xb8;
	[tilespmem:$0x1E800] =	vst v63  }
0x7c: {  	_ =	swait.ge [sflag:s17], $0x3E80  }
0x7d: {  	[sflag:s17] =	ssyncset.done $0x0  }
0x7e: {  	s2 =	sadd.s32 $0x1D580, s0;
	[sflag:s17] =	ssyncadd.s32 $0xFFFFC180  }
0x7f: {  	[tilespmem:s24], [sflag:$0x2] =	stream.indirect.gather [hbm4b:s5+s21], $0x80, s2, s21, $0xb8;
	[tilespmem:$0x1E800] =	vst v63  }
0x80: {  	_ =	swait.ge [sflag:s25], $0x3E80  }
0x81: {  	[sflag:s25] =	ssyncset.done $0x0  }
0x82: {  	[sflag:s25] =	ssyncadd.s32 $0xFFFFC180  }
0x83: {  	[spmem:s3] =	stream.indirect.scatter.add.f32 [tilespmem:s22], [sflag:$0x3], $0x80, s28, s21, $0xb8;
	[tilespmem:$0x1E800] =	vst v63  }
0x84: {  	_ =	swait.ge [sflag:s17], $0x3E80  }
0x85: {  	[sflag:s17] =	ssyncset.done $0x0  }
0x86: {  	[sflag:s17] =	ssyncadd.s32 $0xFFFFC180  }
0x87: {  	_ =	swait.ge [sflag:s26], $0x3E80  }
0x88: {  	[sflag:s26] =	ssyncset.done $0x0  }
0x89: {  	[sflag:s26] =	ssyncadd.s32 $0xFFFFC180  }
0x8a: {  	[spmem:s3] =	stream.indirect.scatter.add.f32 [tilespmem:s24], [sflag:$0x3], $0x80, s29, s21, $0xb8;
	[tilespmem:$0x1E800] =	vst v63  }
0x8b: {  	_ =	swait.ge [sflag:s17], $0x3E80  }
0x8c: {  	[sflag:s17] =	ssyncset.done $0x0  }
0x8d: {  	[sflag:s17] =	ssyncadd.s32 $0xFFFFC180  }
0x8e: {  	[bflag:$0x0] =	sbarrier.arrive $0xFFFF  }
0x8f: {  	[hbm:s12], [sflag:s19] =	dma.local [spmem:s20], $0x2800  }
0x90: {  	_ =	swait.ge [sflag:s17], $0x2800  }
0x91: {  	[sflag:s17] =	ssyncset.done $0x0  }
0x92: {  	[sflag:s17] =	ssyncadd.s32 $0xFFFFD800  }
0x93: {  	[spmem:s20], [sflag:s19] =	dma.local [hbm:s8], $0x2800  }
0x94: {  	_ =	swait.ge [sflag:s17], $0x2800  }
0x95: {  	[sflag:s17] =	ssyncset.done $0x0  }
0x96: {  	[sflag:s17] =	ssyncadd.s32 $0xFFFFD800  }
0x97: {  	[bflag:$0x0] =	sbarrier.arrive $0xFFFF  }
0x98: {  	[tilespmem:s22], [sflag:$0x1] =	stream.indirect.gather [hbm4b:s6+s21], $0x80, s16, s21, $0xb8;
	[tilespmem:$0x1E800] =	vst v63  }
0x99: {  	_ = 	snop  }
0x9a: {  	[tilespmem:s24], [sflag:$0x2] =	stream.indirect.gather [hbm4b:s6+s21], $0x80, s23, s21, $0xb8;
	[tilespmem:$0x1E800] =	vst v63  }
0x9b: {  	_ =	swait.ge [sflag:s25], $0x3E80  }
0x9c: {  	[sflag:s25] =	ssyncset.done $0x0  }
0x9d: {  	s0 =	simm.s32 $0x14000;
	[sflag:s25] =	ssyncadd.s32 $0xFFFFC180  }
0x9e: {  	[spmem:s3] =	stream.indirect.scatter.add.f32 [tilespmem:s22], [sflag:$0x3], $0x80, s0, s21, $0xb8;
	[tilespmem:$0x1E800] =	vst v63  }
0x9f: {  	_ =	swait.ge [sflag:s17], $0x3E80  }
0xa0: {  	[sflag:s17] =	ssyncset.done $0x0  }
0xa1: {  	s2 =	simm.s32 $0x1D500;
	[sflag:s17] =	ssyncadd.s32 $0xFFFFC180  }
0xa2: {  	[tilespmem:s22], [sflag:$0x1] =	stream.indirect.gather [hbm4b:s6+s21], $0x80, s2, s21, $0xb8;
	[tilespmem:$0x1E800] =	vst v63  }
0xa3: {  	_ =	swait.ge [sflag:s26], $0x3E80  }
0xa4: {  	[sflag:s26] =	ssyncset.done $0x0  }
0xa5: {  	s2 =	simm.s32 $0x14080;
	[sflag:s26] =	ssyncadd.s32 $0xFFFFC180  }
0xa6: {  	[spmem:s3] =	stream.indirect.scatter.add.f32 [tilespmem:s24], [sflag:$0x3], $0x80, s2, s21, $0xb8;
	[tilespmem:$0x1E800] =	vst v63  }
0xa7: {  	_ =	swait.ge [sflag:s17], $0x3E80  }
0xa8: {  	[sflag:s17] =	ssyncset.done $0x0  }
0xa9: {  	s31 =	simm.s32 $0x400;
	s2 =	simm.s32 $0x1D580;
	[sflag:s17] =	ssyncadd.s32 $0xFFFFC180  }
.LBB2_6:
0xaa: {  	[tilespmem:s24], [sflag:$0x2] =	stream.indirect.gather [hbm4b:s6+s21], $0x80, s2, s21, $0xb8;
	[tilespmem:$0x1E800] =	vst v63  }
0xab: {  	s0 =	smov.u32 s31  }
0xac: {  	p0 =	sne.s32 s31, $0x4800;
	s31 =	sadd.s32 $0x400, s31;
	_ =	swait.ge [sflag:s25], $0x3E80  }
0xad: {  	s0 =	sshra.s32 s0, $0x2;
	[sflag:s25] =	ssyncset.done $0x0  }
0xae: {  	s2 =	sadd.s32 $0x14000, s0;
	[sflag:s25] =	ssyncadd.s32 $0xFFFFC180  }
0xaf: {  	[spmem:s3] =	stream.indirect.scatter.add.f32 [tilespmem:s22], [sflag:$0x3], $0x80, s2, s21, $0xb8;
	[tilespmem:$0x1E800] =	vst v63  }
0xb0: {  	_ =	swait.ge [sflag:s17], $0x3E80  }
0xb1: {  	[sflag:s17] =	ssyncset.done $0x0  }
0xb2: {  	s2 =	sadd.s32 $0x1D500, s0;
	[sflag:s17] =	ssyncadd.s32 $0xFFFFC180  }
0xb3: {  	[tilespmem:s22], [sflag:$0x1] =	stream.indirect.gather [hbm4b:s6+s21], $0x80, s2, s21, $0xb8;
	[tilespmem:$0x1E800] =	vst v63  }
0xb4: {  	_ =	swait.ge [sflag:s26], $0x3E80  }
0xb5: {  	[sflag:s26] =	ssyncset.done $0x0  }
.Ltmp2:
0xb6: {  	s2 =	sadd.s32 $0x14080, s0;
	[sflag:s26] =	ssyncadd.s32 $0xFFFFC180;
	(pc) =	sbr.rel @p0 .LBB2_6-.Ltmp2, $4  }
0xb7: {  	[spmem:s3] =	stream.indirect.scatter.add.f32 [tilespmem:s24], [sflag:$0x3], $0x80, s2, s21, $0xb8;
	[tilespmem:$0x1E800] =	vst v63  }
0xb8: {  	_ =	swait.ge [sflag:s17], $0x3E80  }
0xb9: {  	[sflag:s17] =	ssyncset.done $0x0  }
0xba: {  	s2 =	sadd.s32 $0x1D580, s0;
	[sflag:s17] =	ssyncadd.s32 $0xFFFFC180  }
0xbb: {  	[tilespmem:s24], [sflag:$0x2] =	stream.indirect.gather [hbm4b:s6+s21], $0x80, s2, s21, $0xb8;
	[tilespmem:$0x1E800] =	vst v63  }
0xbc: {  	_ =	swait.ge [sflag:s25], $0x3E80  }
0xbd: {  	[sflag:s25] =	ssyncset.done $0x0  }
0xbe: {  	[sflag:s25] =	ssyncadd.s32 $0xFFFFC180  }
0xbf: {  	[spmem:s3] =	stream.indirect.scatter.add.f32 [tilespmem:s22], [sflag:$0x3], $0x80, s28, s21, $0xb8;
	[tilespmem:$0x1E800] =	vst v63  }
0xc0: {  	_ =	swait.ge [sflag:s17], $0x3E80  }
0xc1: {  	[sflag:s17] =	ssyncset.done $0x0  }
0xc2: {  	[sflag:s17] =	ssyncadd.s32 $0xFFFFC180  }
0xc3: {  	_ =	swait.ge [sflag:s26], $0x3E80  }
0xc4: {  	[sflag:s26] =	ssyncset.done $0x0  }
0xc5: {  	[sflag:s26] =	ssyncadd.s32 $0xFFFFC180  }
0xc6: {  	[spmem:s3] =	stream.indirect.scatter.add.f32 [tilespmem:s24], [sflag:$0x3], $0x80, s29, s21, $0xb8;
	[tilespmem:$0x1E800] =	vst v63  }
0xc7: {  	_ =	swait.ge [sflag:s17], $0x3E80  }
0xc8: {  	[sflag:s17] =	ssyncset.done $0x0  }
0xc9: {  	[sflag:s17] =	ssyncadd.s32 $0xFFFFC180  }
0xca: {  	[bflag:$0x0] =	sbarrier.arrive $0xFFFF  }
0xcb: {  	[hbm:s13], [sflag:s19] =	dma.local [spmem:s20], $0x2800  }
0xcc: {  	_ =	swait.ge [sflag:s17], $0x2800  }
0xcd: {  	[sflag:s17] =	ssyncset.done $0x0  }
0xce: {  	[sflag:s17] =	ssyncadd.s32 $0xFFFFD800  }
0xcf: {  	[spmem:s20], [sflag:s19] =	dma.local [hbm:s8], $0x2800  }
0xd0: {  	_ =	swait.ge [sflag:s17], $0x2800  }
0xd1: {  	[sflag:s17] =	ssyncset.done $0x0  }
0xd2: {  	[sflag:s17] =	ssyncadd.s32 $0xFFFFD800  }
0xd3: {  	[bflag:$0x0] =	sbarrier.arrive $0xFFFF  }
0xd4: {  	[tilespmem:s22], [sflag:$0x1] =	stream.indirect.gather [hbm4b:s7+s21], $0x80, s16, s21, $0xb8;
	[tilespmem:$0x1E800] =	vst v63  }
0xd5: {  	_ = 	snop  }
0xd6: {  	[tilespmem:s24], [sflag:$0x2] =	stream.indirect.gather [hbm4b:s7+s21], $0x80, s23, s21, $0xb8;
	[tilespmem:$0x1E800] =	vst v63  }
0xd7: {  	_ =	swait.ge [sflag:s25], $0x3E80  }
0xd8: {  	[sflag:s25] =	ssyncset.done $0x0  }
0xd9: {  	s0 =	simm.s32 $0x14000;
	[sflag:s25] =	ssyncadd.s32 $0xFFFFC180  }
0xda: {  	[spmem:s3] =	stream.indirect.scatter.add.f32 [tilespmem:s22], [sflag:$0x3], $0x80, s0, s21, $0xb8;
	[tilespmem:$0x1E800] =	vst v63  }
0xdb: {  	_ =	swait.ge [sflag:s17], $0x3E80  }
0xdc: {  	[sflag:s17] =	ssyncset.done $0x0  }
0xdd: {  	s2 =	simm.s32 $0x1D500;
	[sflag:s17] =	ssyncadd.s32 $0xFFFFC180  }
0xde: {  	[tilespmem:s22], [sflag:$0x1] =	stream.indirect.gather [hbm4b:s7+s21], $0x80, s2, s21, $0xb8;
	[tilespmem:$0x1E800] =	vst v63  }
0xdf: {  	_ =	swait.ge [sflag:s26], $0x3E80  }
0xe0: {  	[sflag:s26] =	ssyncset.done $0x0  }
0xe1: {  	s2 =	simm.s32 $0x14080;
	[sflag:s26] =	ssyncadd.s32 $0xFFFFC180  }
0xe2: {  	[spmem:s3] =	stream.indirect.scatter.add.f32 [tilespmem:s24], [sflag:$0x3], $0x80, s2, s21, $0xb8;
	[tilespmem:$0x1E800] =	vst v63  }
0xe3: {  	_ =	swait.ge [sflag:s17], $0x3E80  }
0xe4: {  	[sflag:s17] =	ssyncset.done $0x0  }
0xe5: {  	s31 =	simm.s32 $0x400;
	s2 =	simm.s32 $0x1D580;
	[sflag:s17] =	ssyncadd.s32 $0xFFFFC180  }
.LBB2_8:
0xe6: {  	[tilespmem:s24], [sflag:$0x2] =	stream.indirect.gather [hbm4b:s7+s21], $0x80, s2, s21, $0xb8;
	[tilespmem:$0x1E800] =	vst v63  }
0xe7: {  	s0 =	smov.u32 s31  }
0xe8: {  	p0 =	sne.s32 s31, $0x4800;
	s31 =	sadd.s32 $0x400, s31;
	_ =	swait.ge [sflag:s25], $0x3E80  }
0xe9: {  	s0 =	sshra.s32 s0, $0x2;
	[sflag:s25] =	ssyncset.done $0x0  }
0xea: {  	s2 =	sadd.s32 $0x14000, s0;
	[sflag:s25] =	ssyncadd.s32 $0xFFFFC180  }
0xeb: {  	[spmem:s3] =	stream.indirect.scatter.add.f32 [tilespmem:s22], [sflag:$0x3], $0x80, s2, s21, $0xb8;
	[tilespmem:$0x1E800] =	vst v63  }
0xec: {  	_ =	swait.ge [sflag:s17], $0x3E80  }
0xed: {  	[sflag:s17] =	ssyncset.done $0x0  }
0xee: {  	s2 =	sadd.s32 $0x1D500, s0;
	[sflag:s17] =	ssyncadd.s32 $0xFFFFC180  }
0xef: {  	[tilespmem:s22], [sflag:$0x1] =	stream.indirect.gather [hbm4b:s7+s21], $0x80, s2, s21, $0xb8;
	[tilespmem:$0x1E800] =	vst v63  }
0xf0: {  	_ =	swait.ge [sflag:s26], $0x3E80  }
0xf1: {  	[sflag:s26] =	ssyncset.done $0x0  }
.Ltmp3:
0xf2: {  	s2 =	sadd.s32 $0x14080, s0;
	[sflag:s26] =	ssyncadd.s32 $0xFFFFC180;
	(pc) =	sbr.rel @p0 .LBB2_8-.Ltmp3, $4  }
0xf3: {  	[spmem:s3] =	stream.indirect.scatter.add.f32 [tilespmem:s24], [sflag:$0x3], $0x80, s2, s21, $0xb8;
	[tilespmem:$0x1E800] =	vst v63  }
0xf4: {  	_ =	swait.ge [sflag:s17], $0x3E80  }
0xf5: {  	[sflag:s17] =	ssyncset.done $0x0  }
0xf6: {  	s2 =	sadd.s32 $0x1D580, s0;
	[sflag:s17] =	ssyncadd.s32 $0xFFFFC180  }
0xf7: {  	[tilespmem:s24], [sflag:$0x2] =	stream.indirect.gather [hbm4b:s7+s21], $0x80, s2, s21, $0xb8;
	[tilespmem:$0x1E800] =	vst v63  }
0xf8: {  	_ =	swait.ge [sflag:s25], $0x3E80  }
0xf9: {  	[sflag:s25] =	ssyncset.done $0x0  }
0xfa: {  	[sflag:s25] =	ssyncadd.s32 $0xFFFFC180  }
0xfb: {  	[spmem:s3] =	stream.indirect.scatter.add.f32 [tilespmem:s22], [sflag:$0x3], $0x80, s28, s21, $0xb8;
	[tilespmem:$0x1E800] =	vst v63  }
0xfc: {  	_ =	swait.ge [sflag:s17], $0x3E80  }
0xfd: {  	[sflag:s17] =	ssyncset.done $0x0  }
0xfe: {  	[sflag:s17] =	ssyncadd.s32 $0xFFFFC180  }
0xff: {  	_ =	swait.ge [sflag:s26], $0x3E80  }
0x100: {  	[sflag:s26] =	ssyncset.done $0x0  }
0x101: {  	[sflag:s26] =	ssyncadd.s32 $0xFFFFC180  }
0x102: {  	[spmem:s3] =	stream.indirect.scatter.add.f32 [tilespmem:s24], [sflag:$0x3], $0x80, s29, s21, $0xb8;
	[tilespmem:$0x1E800] =	vst v63  }
0x103: {  	_ =	swait.ge [sflag:s17], $0x3E80  }
0x104: {  	[sflag:s17] =	ssyncset.done $0x0  }
0x105: {  	s30 =	sadd.s32 $0x1, s30;
	[sflag:s17] =	ssyncadd.s32 $0xFFFFC180  }
0x106: {  	p0 =	sne.s32 s30, s15;
	[bflag:$0x0] =	sbarrier.arrive $0xFFFF  }
0x107: {  	[hbm:s14], [sflag:s19] =	dma.local [spmem:s20], $0x2800  }
.Ltmp4:
0x108: {  	_ =	swait.ge [sflag:s17], $0x2800;
	(pc) =	sbr.rel @p0 .LBB2_1-.Ltmp4, $3  }
0x109: {  	[sflag:s17] =	ssyncset.done $0x0  }
0x10a: {  	[sflag:s17] =	ssyncadd.s32 $0xFFFFD800  }
0x10b: {  	[bflag:$0x0] =	sbarrier.arrive $0xFFFF;
	_ =	sdelay $0x1  }
0x10c: {  	_ =	sfence.sel $0x180000  }
0x10d: {  	[bflag:$0x0] =	sbarrier.arrive $0xFFFF  }
0x10e: {  	_ =	strace $0x9000004A  }
0x10f: {  	s0 =	stileid.u32;
	[bflag:$0x2] =	sbarrier.arrive $0xFFFF  }
0x110: {  	p0 =	sne.s32 s0, $0x0;
	s0 =	rddreg [dreg:$0x3]  }
0x111: {  	s0 =	sadd.s32 @!p0 $0x100000, s0  }
0x112: {  	[sflag:s0] =	ssyncadd.tile.s32 @!p0 $0x1;
	_ =	shalt  }
.Lfunc_end2:
_tile_overlayer_lowered:
.L_overlay_start_2:
0x113: {  	(tag) =	ssettag $0x2  }
0x114: {  	s0 =	rddreg [dreg:$0x0];
	s2 =	stileid.u32  }
0x115: {  	s1 =	rddreg [dreg:$0x1];
	p0 =	sne.s32 s2, $0x0  }
0x116: {  	s3 =	rddreg [dreg:$0x2];
	[bflag:$0x3] =	sbarrier.arrive $0xFFFF;
	s2 =	simm.s32 @!p0 $0x1C03  }
0x117: {  	[timem:s3], [sflag:s2] =	dma.local @!p0 [hbm:s0], s1  }
0x118: {  	s0 =	simm.s32 @!p0 $0x3  }
0x119: {  	_ =	swait.ge @!p0 [sflag:s0], s1  }
0x11a: {  	s1 =	ssub.s32 @!p0 $0x0, s1;
	[sflag:s0] =	ssyncset.done @!p0 $0x0  }
0x11b: {  	[sflag:s0] =	ssyncadd.s32 @!p0 s1  }
0x11c: {  	[bflag:$0x3] =	sbarrier.arrive $0xFFFF  }
0x11d: {  	_ =	shalt  }

// kernel: kernel.16.cloned.1.call-start
scs
__scs_entry_jumppad:
0x0: {  	(pc) =	sbr.rel $0x88, $3  }
0x1: {  	(tag) =	ssettag $0x0;
	lr =	simm.s32 $0x1  }
0x2: {  	[smem:$0x3F8F] =	sst lr;
	_ =	strace $0xD0000000  }
0x3: {  	_ = 	snop  }
0x4: {  	_ = 	snop  }
0x5: {  	_ = 	snop  }
0x6: {  	_ = 	snop  }
0x7: {  	_ = 	snop  }
__scs_overlays_trampoline_lowered:
0x8: {  	[smem:$0x3F9E] =	sst s0  }
0x9: {  	[smem:$0x3F9F] =	sst s1  }
0xa: {  	[smem:$0x3FA0] =	sst s2  }
0xb: {  	[smem:$0x3FA1] =	sst s3  }
0xc: {  	[smem:$0x3FA2] =	sst s4  }
0xd: {  	[smem:$0x3FA3] =	sst s5  }
0xe: {  	[smem:$0x3FA4] =	sst s6  }
0xf: {  	[smem:$0x3FA5] =	sst s7  }
0x10: {  	[smem:$0x3FA6] =	sst s8  }
0x11: {  	[smem:$0x3FA7] =	sst s9;
	s0 =	simm.s32 @!p0 $0x0  }
0x12: {  	s1 =	sld [smem:$0x3F8D];
	s0 =	simm.s32 @p0 $0x1  }
0x13: {  	[smem:$0x3FA8] =	sst s0;
	s0 =	simm.s32 @!p1 $0x0  }
0x14: {  	s2 =	sld [smem:$0x3F8C];
	s0 =	simm.s32 @p1 $0x1  }
0x15: {  	[smem:$0x3FA9] =	sst s0;
	s0 =	simm.s32 @!p2 $0x0  }
0x16: {  	s3 =	sld [smem:$0x3FDB];
	s0 =	simm.s32 @p2 $0x1  }
0x17: {  	s4 =	simm.s32 $0x1BF5;
	[smem:$0x3FAB] =	sst s0  }
0x18: {  	s0 =	sld [smem:$0x3F8E];
	_ =	swait.ge [sflag:s4], $0x0  }
0x19: {  	s7 =	sld [smem:$0x3F8F]  }
0x1a: {  	s8 =	sadd.s32 $0xFFFFE003, lr  }
0x1b: {  	s9 =	sadd.s32 $0xFFFFFEF7, lr;
	s5 =	simm.s32 $0xFFFFFFFF;
	p2 =	slt.u32 s8, $0xFFFFF086  }
0x1c: {  	p1 =	slt.u32 s9, $0xF7A;
	s5 =	simm.s32 @!p2 $0x0  }
0x1d: {  	s5 =	simm.s32 @p1 $0x1;
	p0 =	seq.s32 s7, s2  }
0x1e: {  	s7 =	smul.u32 @!p0 $0xF7A, s2;
	p2 =	seq.s32 @!p0 s5, $0x0  }
0x1f: {  	s9 =	smul.u32 $0xF7A, s1;
	s8 =	simm.s32 @!p0 $0x1BF5;
	p2 =	por !p2, p0  }
0x20: {  	[sflag:s8] =	ssyncset.s32 @!p0 $0xFFFFF086;
	s6 =	sadd.s32 @!p0 s3, s7;
	s7 =	simm.s32 @!p0 $0x108  }
0x21: {  	s3 =	sadd.s32 s3, s9;
	s6 =	sadd.s32 @!p0 $0x88, s6;
	s7 =	simm.s32 @p2 $0x1082  }
0x22: {  	[simem:s7], [sflag:s8] =	dma.local @!p0 [hbm:s6], $0xF7A  }
0x23: {  	s9 =	sor.u32 $0xD0000000, s2;
	s6 =	simm.s32 $0x108;
	_ =	swait.ge @!p0 [sflag:s8], $0x0  }
0x24: {  	s3 =	sadd.s32 $0x88, s3;
	s6 =	simm.s32 @!p1 $0x1082;
	[sflag:s4] =	ssyncset.s32 $0xFFFFF086  }
0x25: {  	[simem:s6], [sflag:s4] =	dma.local [hbm:s3], $0xF7A  }
0x26: {  	[smem:$0x3F8F] =	sst s1;
	(tag) =	ssettag s2;
	_ =	strace s9  }
0x27: {  	s1 =	sld [smem:$0x3F9F]  }
0x28: {  	s2 =	sld [smem:$0x3FA0]  }
0x29: {  	s4 =	sld [smem:$0x3FA2]  }
0x2a: {  	p0 =	seq.s32 s5, $0x0;
	s5 =	sld [smem:$0x3FA3]  }
0x2b: {  	s6 =	sld [smem:$0x3FA4]  }
0x2c: {  	s7 =	sld [smem:$0x3FA5]  }
0x2d: {  	s3 =	simm.s32 $0x108;
	s8 =	sld [smem:$0x3FA6]  }
0x2e: {  	s3 =	simm.s32 @!p0 $0x1082;
	s9 =	sld [smem:$0x3FA7]  }
0x2f: {  	lr =	sadd.s32 s0, s3;
	s0 =	sld [smem:$0x3F9E]  }
0x30: {  	s3 =	sld [smem:$0x3FA1]  }
0x31: {  	[smem:$0x3FAA] =	sst s10  }
0x32: {  	s10 =	sld [smem:$0x3FA8];
	_ =	sdelay $0x3  }
0x33: {  	p0 =	seq.s32 s10, $0x1;
	s10 =	sld [smem:$0x3FAA];
	_ =	sdelay $0x3  }
0x34: {  	[smem:$0x3FAA] =	sst s10  }
0x35: {  	s10 =	sld [smem:$0x3FA9];
	_ =	sdelay $0x3  }
0x36: {  	p1 =	seq.s32 s10, $0x1;
	s10 =	sld [smem:$0x3FAA];
	_ =	sdelay $0x3  }
0x37: {  	[smem:$0x3FAA] =	sst s10  }
0x38: {  	s10 =	sld [smem:$0x3FAB]  }
0x39: {  	_ = 	snop;
	(pc) =	sbr.ind lr, $3  }
0x3a: {  	_ = 	snop  }
0x3b: {  	_ = 	snop  }
0x3c: {  	p2 =	seq.s32 s10, $0x1;
	s10 =	sld [smem:$0x3FAA]  }
0x3d: {  	_ =	shalt  }
0x3e: {  	_ =	shalt  }
0x3f: {  	_ =	shalt  }
0x40: {  	_ =	shalt  }
0x41: {  	_ =	shalt  }
0x42: {  	_ =	shalt  }
0x43: {  	_ =	shalt  }
0x44: {  	_ =	shalt  }
0x45: {  	_ =	shalt  }
0x46: {  	_ =	shalt  }
0x47: {  	_ =	shalt  }
0x48: {  	_ =	shalt  }
0x49: {  	_ =	shalt  }
0x4a: {  	_ =	shalt  }
0x4b: {  	_ =	shalt  }
0x4c: {  	_ =	shalt  }
0x4d: {  	_ =	shalt  }
0x4e: {  	_ =	shalt  }
0x4f: {  	_ =	shalt  }
0x50: {  	_ =	shalt  }
0x51: {  	_ =	shalt  }
0x52: {  	_ =	shalt  }
0x53: {  	_ =	shalt  }
0x54: {  	_ =	shalt  }
0x55: {  	_ =	shalt  }
0x56: {  	_ =	shalt  }
0x57: {  	_ =	shalt  }
0x58: {  	_ =	shalt  }
0x59: {  	_ =	shalt  }
0x5a: {  	_ =	shalt  }
0x5b: {  	_ =	shalt  }
0x5c: {  	_ =	shalt  }
0x5d: {  	_ =	shalt  }
0x5e: {  	_ =	shalt  }
0x5f: {  	_ =	shalt  }
0x60: {  	_ =	shalt  }
0x61: {  	_ =	shalt  }
0x62: {  	_ =	shalt  }
0x63: {  	_ =	shalt  }
0x64: {  	_ =	shalt  }
0x65: {  	_ =	shalt  }
0x66: {  	_ =	shalt  }
0x67: {  	_ =	shalt  }
0x68: {  	_ =	shalt  }
0x69: {  	_ =	shalt  }
0x6a: {  	_ =	shalt  }
0x6b: {  	_ =	shalt  }
0x6c: {  	_ =	shalt  }
0x6d: {  	_ =	shalt  }
0x6e: {  	_ =	shalt  }
0x6f: {  	_ =	shalt  }
0x70: {  	_ =	shalt  }
0x71: {  	_ =	shalt  }
0x72: {  	_ =	shalt  }
0x73: {  	_ =	shalt  }
0x74: {  	_ =	shalt  }
0x75: {  	_ =	shalt  }
0x76: {  	_ =	shalt  }
0x77: {  	_ =	shalt  }
0x78: {  	_ =	shalt  }
0x79: {  	_ =	shalt  }
0x7a: {  	_ =	shalt  }
0x7b: {  	_ =	shalt  }
0x7c: {  	_ =	shalt  }
0x7d: {  	_ =	shalt  }
0x7e: {  	_ =	shalt  }
0x7f: {  	_ =	shalt  }
0x80: {  	_ =	shalt  }
0x81: {  	_ =	shalt  }
0x82: {  	_ =	shalt  }
0x83: {  	_ =	shalt  }
0x84: {  	_ =	shalt  }
0x85: {  	_ =	shalt  }
0x86: {  	_ =	shalt  }
0x87: {  	_ =	shalt  }
.Lfunc_end0:
.L_simem_size_0:
called_computation.2_lowered:
.L_overlay_start_0:
0x88: {  	s2 =	sld [smem:$0x3FD9]  }
0x89: {  	s3 =	sld [smem:$0x3FFE];
	_ =	sdelay $0x1  }
0x8a: {  	s1 =	srdreg.scid  }
0x8b: {  	s0 =	sand.u32 $0x1, s1  }
0x8c: {  	s17 =	sshll.u32 s0, $0xA;
	s2 =	sadd.s32 s3, s2  }
0x8d: {  	s2 =	sadd.s32 s2, s17  }
0x8e: {  	[smem:$0x3FB6] =	sst s2  }
0x8f: {  	_ = 	snop  }
0x90: {  	s2 =	sld [smem:$0x3FD0];
	(tm) =	ssettm $0x1  }
0x91: {  	s18 =	sld [smem:$0x3FFB];
	_ =	sdelay $0x3  }
0x92: {  	_ =	strace s18  }
0x93: {  	s3 =	sld [smem:$0x3FFC];
	_ =	sdelay $0x3  }
0x94: {  	_ =	strace s3  }
0x95: {  	s3 =	sld [smem:$0x3FFD];
	_ =	sdelay $0x3  }
0x96: {  	_ =	strace s3  }
0x97: {  	_ =	strace $0x8FFFFFFF  }
0x98: {  	s19 =	sld [smem:$0x3FDB];
	_ =	sdelay $0x1  }
0x99: {  	s4 =	simm.s32 $_scs_section_size  }
0x9a: {  	s5 =	simm.s32 $_size__tile_overlayer_lowered;
	s6 =	simm.s32 $_tile_overlayer_lowered  }
0x9b: {  	s22 =	simm.s32 $0x1BFF;
	s21 =	sshll.u32 s6, $0x1;
	s3 =	sadd.s32 s4, s19  }
0x9c: {  	s7 =	simm.s32 $0x0;
	s20 =	sshll.u32 s5, $0x1;
	s5 =	sadd.s32 s21, s3  }
0x9d: {  	[timem:s7], [sflag:s22] =	dma.local [hbm:s5], s20  }
0x9e: {  	_ =	swait.ge [sflag:s22], s20  }
0x9f: {  	s4 =	ssub.s32 $0x0, s20;
	[sflag:s22] =	ssyncset.done $0x0  }
0xa0: {  	[sflag:s22] =	ssyncadd.s32 s4;
	_ =	sdelay $0x1  }
0xa1: {  	s23 =	simm.s32 $0x1B8B  }
0xa2: {  	_ =	swait.ge [sflag:s23], $0x1  }
0xa3: {  	[sflag:s23] =	ssyncset.done $0x0  }
0xa4: {  	s25 =	simm.s32 $0x1B8E;
	s24 =	sld [smem:$0x3FFE];
	[sflag:s23] =	ssyncadd.s32 $0xFFFFFFFF  }
0xa5: {  	s26 =	simm.s32 $execute0_lowered;
	[smem:$0x3FD2] =	sst s25  }
0xa6: {  	s5 =	sshll.u32 s26, $0x1;
	_ =	strace $0x8000004C;
	[dreg:$0x1] =	wrdreg $0xFFFFFFFF  }
0xa7: {  	s28 =	simm.s32 $_size_execute0_lowered;
	s3 =	sadd.s32 s3, s5;
	[dreg:$0x0] =	wrdreg $0x0  }
0xa8: {  	s5 =	sshll.u32 s28, $0x1;
	[dreg:$0x2] =	wrdreg s3  }
0xa9: {  	[dreg:$0x3] =	wrdreg s5  }
0xaa: {  	[dreg:$0x4] =	wrdreg $0xC0  }
0xab: {  	_ =	task [dreg:s7], $0x5FFFF  }
0xac: {  	[dreg:$0x1] =	wrdreg $0xFFFFFFFF  }
0xad: {  	[dreg:$0x0] =	wrdreg $0x60  }
0xae: {  	[dreg:$0x2] =	wrdreg s2  }
0xaf: {  	[dreg:$0x3] =	wrdreg s24  }
0xb0: {  	[dreg:$0x4] =	wrdreg $0x0  }
0xb1: {  	[dreg:$0x5] =	wrdreg $0x9  }
0xb2: {  	_ =	task.clear_ibuf [dreg:s7], $0x6FFFF;
	_ =	strace $0x9000004C  }
0xb3: {  	s29 =	simm.s32 $0x9;
	_ =	strace $0x8000004E  }
0xb4: {  	_ =	swait.ge [sflag:s29], $0x1  }
0xb5: {  	[sflag:s29] =	ssyncadd.s32 $0xFFFFFFFF  }
0xb6: {  	_ =	strace $0x9000004E  }
0xb7: {  	_ =	sfence  }
0xb8: {  	s30 =	sld [smem:$0x0];
	_ =	sdelay $0x2  }
0xb9: {  	s31 =	sshll.u32 s1, $0xD;
	s1 =	sshrl.u32 s1, $0x2  }
0xba: {  	s3 =	sand.u32 $0x4000, s31;
	s1 =	sadd.s32 s1, s30  }
0xbb: {  	s0 =	sor.u32 s3, s0;
	s1 =	sshll.u32 s1, $0x11  }
0xbc: {  	s0 =	sor.u32 s1, s0  }
0xbd: {  	s0 =	sadd.s32 $0x8F2B, s0  }
0xbe: {  	[sflag:s0] =	ssyncadd.remote.s32 $0x1  }
0xbf: {  	_ =	sfence.sel $0xFFFF  }
0xc0: {  	[dreg:$0x0] =	wrdreg $0xFFFFFFFF;
	(pc) =	sbr.abs _section_cstart, $3  }
0xc1: {  	[dreg:$0x1] =	wrdreg $0xFFFFFFFF  }
0xc2: {  	_ =	task.clear_ibuf [dreg:s7], $0x2FFFF;
	_ =	strace $0x9FFFFFFF  }
0xc3: {  	(tm) =	ssettm $0x7FFFFFFF  }
tec
execute0_lowered:
.L_overlay_start_1:
0x0: {  	(tag) =	ssettag $0x1  }
0x1: {  	s1 =	rddreg [dreg:$0x0]  }
0x2: {  	s0 =	srdreg.scid;
	s6 =	rddreg [dreg:$0x1]  }
0x3: {  	s3 =	rddreg [dreg:$0x2];
	s4 =	simm.s32 $0x0;
	s12 =	simm.s32 $0x14000  }
0x4: {  	s15 =	simm.s32 $0x7D;
	s16 =	simm.s32 $0x19400;
	s17 =	simm.s32 $0x1D480  }
0x5: {  	s18 =	simm.s32 $0x15400;
	s19 =	simm.s32 $0x1;
	s20 =	simm.s32 $0x2  }
0x6: {  	s21 =	simm.s32 $0x15300;
	s5 =	sand.u32 $0x1, s0;
	s0 =	stileid.u32  }
0x7: {  	s22 =	simm.s32 $0x15380;
	s23 =	simm.s32 $0x0;
	s8 =	smul.u32 $0x2800, s0  }
0x8: {  	[smem:$0x7FF] =	sst s4;
	s2 =	sshll.u32 s5, $0x4;
	s9 =	smul.u32 $0x28000, s5  }
0x9: {  	s10 =	ssub.s32 $0x2, s5;
	s11 =	smul.u32 $0x50000, s0;
	s5 =	sadd.s32 $0x36E00, s6  }
0xa: {  	s13 =	sshll.u32 s0, $0x6;
	s2 =	sor.u32 s0, s2;
	s30 =	sshrl.u32 s10, $0x1  }
0xb: {  	s13 =	sor.u32 $0x1C03, s13;
	s7 =	smul.u32 $0x1400, s2;
	s2 =	rddreg [dreg:$0x3]  }
0xc: {  	_ =	strace $0x8000004D;
	s8 =	sadd.s32 s8, s9;
	s9 =	ssub.s32 s10, s30  }
0xd: {  	s31 =	sshrl.u32 s11, $0x2;
	s10 =	simm.s32 $0x1D400;
	s11 =	simm.s32 $0x3  }
0xe: {  	s8 =	sadd.s32 s8, s6;
	s14 =	sadd.s32 s31, s3;
	s7 =	sshrl.u32 s7, $0x3  }
0xf: {  	s9 =	smax.u32 s9, $0x1;
	s8 =	sadd.s32 $0x39E00, s8;
	s7 =	sadd.s32 s7, s6  }
0x10: {  	s14 =	sshrl.u32 s14, $0x3;
	s6 =	sadd.s32 $0x5C00, s7;
	s7 =	sadd.s32 $0xAC00, s7  }
.LBB2_1:
0x11: {  	[tilespmem:s10], [sflag:$0x3] =	stream.linear.gather [hbm4b:s6+s4], $0x1400, $0x38;
	[tilespmem:$0x1E800] =	vst v63  }
0x12: {  	_ =	swait.ge [sflag:s11], $0x1400  }
0x13: {  	[sflag:s11] =	ssyncset.done $0x0  }
0x14: {  	[sflag:s11] =	ssyncadd.s32 $0xFFFFEC00  }
0x15: {  	[tilespmem:s12], [sflag:$0x3] =	stream.linear.gather [hbm4b:s7+s4], $0x1400, $0x38;
	[tilespmem:$0x1E800] =	vst v63  }
0x16: {  	_ =	swait.ge [sflag:s11], $0x1400  }
0x17: {  	[sflag:s11] =	ssyncset.done $0x0  }
0x18: {  	[sflag:s11] =	ssyncadd.s32 $0xFFFFEC00  }
0x19: {  	[spmem:s14], [sflag:s13] =	dma.local [hbm:s5], $0x2800  }
0x1a: {  	_ =	swait.ge [sflag:s11], $0x2800  }
0x1b: {  	[sflag:s11] =	ssyncset.done $0x0  }
0x1c: {  	[sflag:s11] =	ssyncadd.s32 $0xFFFFD800  }
0x1d: {  	[bflag:$0x0] =	sbarrier.arrive $0xFFFF  }
0x1e: {  	[tilespmem:s16], [sflag:$0x1] =	stream.indirect.gather [hbm4b:s1+s15], $0x80, s10, s15, $0xb8;
	[tilespmem:$0x1E800] =	vst v63  }
0x1f: {  	_ = 	snop  }
0x20: {  	[tilespmem:s18], [sflag:$0x2] =	stream.indirect.gather [hbm4b:s1+s15], $0x80, s17, s15, $0xb8;
	[tilespmem:$0x1E800] =	vst v63  }
0x21: {  	_ =	swait.ge [sflag:s19], $0x3E80  }
0x22: {  	[sflag:s19] =	ssyncset.done $0x0  }
0x23: {  	s24 =	simm.s32 $0x14000;
	[sflag:s19] =	ssyncadd.s32 $0xFFFFC180  }
0x24: {  	[spmem:s3] =	stream.indirect.scatter.add.f32 [tilespmem:s16], [sflag:$0x3], $0x80, s24, s15, $0xb8;
	[tilespmem:$0x1E800] =	vst v63  }
0x25: {  	_ =	swait.ge [sflag:s11], $0x3E80  }
0x26: {  	[sflag:s11] =	ssyncset.done $0x0  }
0x27: {  	s30 =	simm.s32 $0x1D500;
	[sflag:s11] =	ssyncadd.s32 $0xFFFFC180  }
0x28: {  	[tilespmem:s16], [sflag:$0x1] =	stream.indirect.gather [hbm4b:s1+s15], $0x80, s30, s15, $0xb8;
	[tilespmem:$0x1E800] =	vst v63  }
0x29: {  	_ =	swait.ge [sflag:s20], $0x3E80  }
0x2a: {  	[sflag:s20] =	ssyncset.done $0x0  }
0x2b: {  	s31 =	simm.s32 $0x14080;
	[sflag:s20] =	ssyncadd.s32 $0xFFFFC180  }
0x2c: {  	[spmem:s3] =	stream.indirect.scatter.add.f32 [tilespmem:s18], [sflag:$0x3], $0x80, s31, s15, $0xb8;
	[tilespmem:$0x1E800] =	vst v63  }
0x2d: {  	_ =	swait.ge [sflag:s11], $0x3E80  }
0x2e: {  	[sflag:s11] =	ssyncset.done $0x0  }
0x2f: {  	s25 =	simm.s32 $0x1D580;
	s24 =	simm.s32 $0x400;
	[sflag:s11] =	ssyncadd.s32 $0xFFFFC180  }
.LBB2_2:
0x30: {  	[tilespmem:s18], [sflag:$0x2] =	stream.indirect.gather [hbm4b:s1+s15], $0x80, s25, s15, $0xb8;
	[tilespmem:$0x1E800] =	vst v63  }
0x31: {  	s25 =	smov.u32 s24  }
0x32: {  	p0 =	sne.s32 s24, $0x4800;
	s24 =	sadd.s32 $0x400, s24;
	_ =	swait.ge [sflag:s19], $0x3E80  }
0x33: {  	s25 =	sshra.s32 s25, $0x2;
	[sflag:s19] =	ssyncset.done $0x0  }
0x34: {  	s26 =	sadd.s32 $0x14000, s25;
	[sflag:s19] =	ssyncadd.s32 $0xFFFFC180  }
0x35: {  	[spmem:s3] =	stream.indirect.scatter.add.f32 [tilespmem:s16], [sflag:$0x3], $0x80, s26, s15, $0xb8;
	[tilespmem:$0x1E800] =	vst v63  }
0x36: {  	_ =	swait.ge [sflag:s11], $0x3E80  }
0x37: {  	[sflag:s11] =	ssyncset.done $0x0  }
0x38: {  	s26 =	sadd.s32 $0x1D500, s25;
	[sflag:s11] =	ssyncadd.s32 $0xFFFFC180  }
0x39: {  	[tilespmem:s16], [sflag:$0x1] =	stream.indirect.gather [hbm4b:s1+s15], $0x80, s26, s15, $0xb8;
	[tilespmem:$0x1E800] =	vst v63  }
0x3a: {  	_ =	swait.ge [sflag:s20], $0x3E80  }
0x3b: {  	[sflag:s20] =	ssyncset.done $0x0  }
.Ltmp0:
0x3c: {  	s26 =	sadd.s32 $0x14080, s25;
	[sflag:s20] =	ssyncadd.s32 $0xFFFFC180;
	(pc) =	sbr.rel @p0 .LBB2_2-.Ltmp0, $4  }
0x3d: {  	[spmem:s3] =	stream.indirect.scatter.add.f32 [tilespmem:s18], [sflag:$0x3], $0x80, s26, s15, $0xb8;
	[tilespmem:$0x1E800] =	vst v63  }
0x3e: {  	_ =	swait.ge [sflag:s11], $0x3E80  }
0x3f: {  	[sflag:s11] =	ssyncset.done $0x0  }
0x40: {  	s25 =	sadd.s32 $0x1D580, s25;
	[sflag:s11] =	ssyncadd.s32 $0xFFFFC180  }
0x41: {  	[tilespmem:s18], [sflag:$0x2] =	stream.indirect.gather [hbm4b:s1+s15], $0x80, s25, s15, $0xb8;
	[tilespmem:$0x1E800] =	vst v63  }
0x42: {  	_ =	swait.ge [sflag:s19], $0x3E80  }
0x43: {  	[sflag:s19] =	ssyncset.done $0x0  }
0x44: {  	[sflag:s19] =	ssyncadd.s32 $0xFFFFC180  }
0x45: {  	[spmem:s3] =	stream.indirect.scatter.add.f32 [tilespmem:s16], [sflag:$0x3], $0x80, s21, s15, $0xb8;
	[tilespmem:$0x1E800] =	vst v63  }
0x46: {  	_ =	swait.ge [sflag:s11], $0x3E80  }
0x47: {  	[sflag:s11] =	ssyncset.done $0x0  }
0x48: {  	[sflag:s11] =	ssyncadd.s32 $0xFFFFC180  }
0x49: {  	_ =	swait.ge [sflag:s20], $0x3E80  }
0x4a: {  	[sflag:s20] =	ssyncset.done $0x0  }
0x4b: {  	[sflag:s20] =	ssyncadd.s32 $0xFFFFC180  }
0x4c: {  	[spmem:s3] =	stream.indirect.scatter.add.f32 [tilespmem:s18], [sflag:$0x3], $0x80, s22, s15, $0xb8;
	[tilespmem:$0x1E800] =	vst v63  }
0x4d: {  	_ =	swait.ge [sflag:s11], $0x3E80  }
0x4e: {  	[sflag:s11] =	ssyncset.done $0x0  }
0x4f: {  	s23 =	sadd.s32 $0x1, s23;
	[sflag:s11] =	ssyncadd.s32 $0xFFFFC180  }
0x50: {  	p0 =	sne.s32 s23, s9;
	[bflag:$0x0] =	sbarrier.arrive $0xFFFF  }
0x51: {  	[hbm:s8], [sflag:s13] =	dma.local [spmem:s14], $0x2800  }
.Ltmp1:
0x52: {  	_ =	swait.ge [sflag:s11], $0x2800;
	(pc) =	sbr.rel @p0 .LBB2_1-.Ltmp1, $3  }
0x53: {  	[sflag:s11] =	ssyncset.done $0x0  }
0x54: {  	[sflag:s11] =	ssyncadd.s32 $0xFFFFD800  }
0x55: {  	[bflag:$0x0] =	sbarrier.arrive $0xFFFF;
	_ =	sdelay $0x1  }
0x56: {  	_ =	sfence.sel $0x180000  }
0x57: {  	[bflag:$0x0] =	sbarrier.arrive $0xFFFF  }
0x58: {  	p0 =	sne.s32 s0, $0x0;
	_ =	strace $0x9000004D  }
0x59: {  	s0 =	sadd.s32 @!p0 $0x100000, s2;
	[bflag:$0x2] =	sbarrier.arrive $0xFFFF  }
0x5a: {  	[sflag:s0] =	ssyncadd.tile.s32 @!p0 $0x1;
	_ =	shalt  }
.Lfunc_end2:
_tile_overlayer_lowered:
.L_overlay_start_2:
0x5b: {  	(tag) =	ssettag $0x2  }
0x5c: {  	s0 =	rddreg [dreg:$0x0];
	s2 =	stileid.u32  }
0x5d: {  	s1 =	rddreg [dreg:$0x1];
	p0 =	sne.s32 s2, $0x0  }
0x5e: {  	s3 =	rddreg [dreg:$0x2];
	[bflag:$0x3] =	sbarrier.arrive $0xFFFF;
	s2 =	simm.s32 @!p0 $0x1C03  }
0x5f: {  	[timem:s3], [sflag:s2] =	dma.local @!p0 [hbm:s0], s1  }
0x60: {  	s0 =	simm.s32 @!p0 $0x3  }
0x61: {  	_ =	swait.ge @!p0 [sflag:s0], s1  }
0x62: {  	s1 =	ssub.s32 @!p0 $0x0, s1;
	[sflag:s0] =	ssyncset.done @!p0 $0x0  }
0x63: {  	[sflag:s0] =	ssyncadd.s32 @!p0 s1  }
0x64: {  	[bflag:$0x3] =	sbarrier.arrive $0xFFFF  }
0x65: {  	_ =	shalt  }

</sc_bundles>
